<compile_context>
chip_gen: v7x
topology: tpu7x:2x2x1
jax: 0.10.2.dev20260603
libtpu: 0.0.44.dev20260713+nightly
codegen_flags: <defaults>
</compile_context>

<pallas_src>
import functools

import jax
import jax.numpy as jnp
from jax import lax
from jax.experimental import pallas as pl
from jax.experimental.pallas import tpu as pltpu
from jax.experimental.pallas import tpu_sc as plsc

N = 100000
CIN = 32
COUT = 32
NH = 16
BEV0 = 256
BEV1 = 256
BATCH = 4
V = BATCH * BEV0 * BEV1

BN = 2048
NBLK = 49
NPAD = BN * NBLK

NC = 2
NS = 16
L = 16
WN = 112
NBUF = 4
NCHUNK = 4
CHUNK = V // NCHUNK
TRASH = 1024
CROWS = CHUNK + TRASH
ZROWS = CROWS // NS
ZB = 260
WBROWS = CHUNK // NS
PTS_PER_TILE = NPAD // NS
NWIN = PTS_PER_TILE // WN
NPASS = NCHUNK // NC


def _mm_body(stride_ref, c_ref, f_ref, w_ref, y_ref, idx_ref):
    s = stride_ref[0]
    c = c_ref[...]
    f = f_ref[...]
    q = jnp.floor(c.astype(jnp.float32) / s.astype(jnp.float32)).astype(jnp.int32)
    q = q - jnp.where(q * s > c, 1, 0)
    cd = q + jnp.where((q + 1) * s <= c, 1, 0)
    ln = lax.broadcasted_iota(jnp.int32, (BN, 4), 1)
    i = pl.program_id(0)
    valid = (i * BN + lax.broadcasted_iota(jnp.int32, (BN, 1), 0)) < N
    h = jnp.sum(jnp.where(ln == 1, cd, 0), axis=1)
    pre = (
        jnp.where(ln == 0, cd * BEV1, 0)
        + jnp.where(ln == 2, cd, 0)
        + jnp.where(ln == 3, c * (BEV0 * BEV1), 0)
    )
    idx = jnp.sum(jnp.where(valid, pre, 0), axis=1)
    hm = jnp.where(valid, h[:, None], -1)
    ft = jnp.tile(f, (1, NH)).astype(jnp.bfloat16)
    col = lax.broadcasted_iota(jnp.int32, (BN, NH * CIN), 1) // CIN
    xe = jnp.where(col == hm, ft, jnp.bfloat16(0.0))
    yy = jnp.dot(xe, w_ref[...].astype(jnp.bfloat16),
                 preferred_element_type=jnp.float32)
    y_ref[...] = yy.astype(jnp.bfloat16)
    idx_ref[...] = idx


def _point_matmul(coords, feats, wflat, stride_arr):
    return pl.pallas_call(
        _mm_body,
        grid=(NBLK,),
        in_specs=[
            pl.BlockSpec(memory_space=pltpu.SMEM),
            pl.BlockSpec((BN, 4), lambda i: (i, 0)),
            pl.BlockSpec((BN, CIN), lambda i: (i, 0)),
            pl.BlockSpec((NH * CIN, COUT), lambda i: (0, 0)),
        ],
        out_specs=[
            pl.BlockSpec((BN, COUT), lambda i: (i, 0)),
            pl.BlockSpec((BN,), lambda i: (i,)),
        ],
        out_shape=[
            jax.ShapeDtypeStruct((NPAD, COUT), jnp.bfloat16),
            jax.ShapeDtypeStruct((NPAD,), jnp.int32),
        ],
    )(stride_arr, coords, feats, wflat)


def _scatter_body(y_hbm, idx_hbm, out_hbm, acc_sh, idxw, idx2, updw, zbuf,
                  fi_sems, fu_sems, s_sems):
    cid = lax.axis_index("c")
    sid = lax.axis_index("s")
    lane = lax.broadcasted_iota(jnp.int32, (L,), 0)

    def fill_start(w, b):
        start = pl.multiple_of(sid * PTS_PER_TILE + w * WN, WN)
        pltpu.async_copy(idx_hbm.at[pl.ds(start, WN)], idxw[b], fi_sems[b])
        pltpu.async_copy(y_hbm.at[pl.ds(start, WN)], updw[b], fu_sems[b])

    def fill_wait(b):
        pltpu.make_async_copy(idx_hbm.at[pl.ds(0, WN)], idxw[b], fi_sems[b]).wait()
        pltpu.make_async_copy(y_hbm.at[pl.ds(0, WN)], updw[b], fu_sems[b]).wait()

    zero32 = jnp.zeros((2 * L,), jnp.bfloat16)

    def zero_row(i, c):
        zbuf[i, pl.ds(0, 2 * L)] = zero32
        return c

    lax.fori_loop(0, ZB, zero_row, 0)

    for p in range(NPASS):
        base = (NC * p + cid) * CHUNK

        for z in range(ZROWS // ZB):
            pltpu.sync_copy(zbuf, acc_sh.at[pl.ds(sid * ZROWS + z * ZB, ZB)])
        plsc.subcore_barrier()

        for b in range(NBUF):
            fill_start(b, b)

        def quad_body(t, c):
            descs = []
            for b in range(NBUF):
                fill_wait(b)
                for j in range(WN // L):
                    v = idxw[b][pl.ds(j * L, L)]
                    loc = v - base
                    oob = (loc < 0) | (loc >= CHUNK)
                    tr = CHUNK + ((lane + (j * L) + sid * WN) & (TRASH - 1))
                    idx2[b][pl.ds(j * L, L)] = jnp.where(oob, tr, loc)
                descs.append(
                    pltpu.async_copy(updw[b], acc_sh.at[idx2[b]], s_sems[b], add=True)
                )
            for b in range(NBUF):
                descs[b].wait()

                @pl.when(t < NWIN // NBUF - 1)
                def _():
                    fill_start(NBUF * (t + 1) + b, b)

            return c

        lax.fori_loop(0, NWIN // NBUF, quad_body, 0)
        plsc.subcore_barrier()

        pltpu.sync_copy(
            acc_sh.at[pl.ds(sid * WBROWS, WBROWS)],
            out_hbm.at[pl.ds(base + sid * WBROWS, WBROWS)],
        )
        plsc.subcore_barrier()


def _scatter_add(y_p, idx_p):
    mesh = plsc.VectorSubcoreMesh(
        core_axis_name="c", subcore_axis_name="s", num_cores=NC, num_subcores=NS
    )
    run = pl.kernel(
        _scatter_body,
        out_type=jax.ShapeDtypeStruct((V, COUT), jnp.bfloat16),
        mesh=mesh,
        compiler_params=pltpu.CompilerParams(use_tc_tiling_on_sc=False),
        scratch_types=[
            pltpu.VMEM_SHARED((CROWS, COUT), jnp.bfloat16),
            [pltpu.VMEM((WN,), jnp.int32) for _ in range(NBUF)],
            [pltpu.VMEM((WN,), jnp.int32) for _ in range(NBUF)],
            [pltpu.VMEM((WN, COUT), jnp.bfloat16) for _ in range(NBUF)],
            pltpu.VMEM((ZB, COUT), jnp.bfloat16),
            [pltpu.SemaphoreType.DMA for _ in range(NBUF)],
            [pltpu.SemaphoreType.DMA for _ in range(NBUF)],
            [pltpu.SemaphoreType.DMA for _ in range(NBUF)],
        ],
    )
    return run(y_p, idx_p)


TB = 32


def _tr_body(t_ref, o_ref):
    x = t_ref[...]
    o_ref[...] = jnp.transpose(x, (0, 3, 1, 2)).astype(jnp.float32)


def _transpose_out(table):
    t4 = table.reshape(BATCH, BEV0, BEV1, COUT)
    return pl.pallas_call(
        _tr_body,
        grid=(BATCH, BEV0 // TB),
        in_specs=[pl.BlockSpec((1, TB, BEV1, COUT), lambda b, i: (b, i, 0, 0))],
        out_specs=pl.BlockSpec((1, COUT, TB, BEV1), lambda b, i: (b, 0, i, 0)),
        out_shape=jax.ShapeDtypeStruct((BATCH, COUT, BEV0, BEV1), jnp.float32),
    )(t4)


def kernel(coords, feats, kernel, stride):
    wflat = kernel.reshape(NH * CIN, COUT)
    stride_arr = jnp.asarray(stride, jnp.int32).reshape(1)
    y_p, idx_p = _point_matmul(coords.astype(jnp.int32), feats, wflat, stride_arr)
    table = _scatter_add(y_p, idx_p)
    return _transpose_out(table)

# --- scband reference (transcript-rebuilt; emitter-appended) ---
"""Pipeline reference for scband-to-dense-bevconvolution-8529805050238 (READ-ONLY COPY).

The authoritative reference and input builder live on the scoring server;
editing this copy changes nothing except your own understanding.
"""

import jax, jax.numpy as jnp
import numpy as np

N = 100000
CIN = 32
COUT = 32
SHAPE = (256, 16, 256)
DIM = 1
BEV_DIMS = [0, 2]
BEV = (256, 256)
BATCH = 4


def setup_inputs(seed: int = 0) -> dict:
    key = jax.random.key(seed)
    k1, k2, k3, k4, k5, k6 = jax.random.split(key, 6)
    # coords columns: [x (bev0), z_height (kernel dim), y (bev1), batch]
    c0 = jax.random.randint(k1, (N,), 0, BEV[0])
    c1 = jax.random.randint(k2, (N,), 0, SHAPE[DIM])
    c2 = jax.random.randint(k3, (N,), 0, BEV[1])
    c3 = jax.random.randint(k4, (N,), 0, BATCH)
    # guarantee all batch indices appear so batch_size == BATCH
    c3 = c3.at[:BATCH].set(jnp.arange(BATCH))
    coords = jnp.stack([c0, c1, c2, c3], axis=1).astype(jnp.int32)
    feats = jax.random.normal(k5, (N, CIN), dtype=jnp.float32)
    std = 1.0 / np.sqrt(CIN)
    kernel = jax.random.uniform(k6, (SHAPE[DIM], CIN, COUT), dtype=jnp.float32, minval=-std, maxval=std)
    return {"coords": coords, "feats": feats, "kernel": kernel, "stride": 1}


def reference(coords, feats, kernel, stride):
    # kernel = index_select(self.kernel, 0, coords[:, dim] // stride)
    ksel = jnp.take(kernel, (coords[:, DIM] // stride).astype(jnp.int32), axis=0)  # [N, CIN, COUT]
    # feats = (feats.unsqueeze(-1) * kernel).sum(1)  (bias=False -> +0)
    f = jnp.einsum('ni,nio->no', feats, ksel)  # [N, COUT]
    # offset is all zeros, so (coords - offset) == coords
    c = coords.T[jnp.array([3] + BEV_DIMS)].astype(jnp.int64)  # [3, N]: batch, bev0, bev1
    c = c.at[1:].set(c[1:] // stride)
    bev_prod = BEV[0] * BEV[1]
    indices = c[0] * bev_prod + c[1] * BEV[1] + c[2]
    batch_size = BATCH
    # sparse_coo_tensor(...).to_dense() == scatter-add into zeros
    outputs = jnp.zeros((batch_size * bev_prod, COUT), dtype=f.dtype).at[indices].add(f)
    outputs = outputs.reshape(batch_size, BEV[0], BEV[1], COUT)
    outputs = jnp.transpose(outputs, (0, 3, 1, 2))
    return outputs

if __name__ == "__main__":
    import jax
    _d = setup_inputs()
    print(jax.jit(kernel)(*tuple(_d.values())))

</pallas_src>

<mosaic_0001>
#map = affine_map<(d0, d1) -> (0, 0)>
#map1 = affine_map<(d0, d1) -> (0)>
module attributes {stable_mosaic.version = 14 : i64} {
  func.func @_scatter_body(%arg0: i32, %arg1: i32, %arg2: memref<100352x32xbf16, #tpu.memory_space<hbm>>, %arg3: memref<100352xi32, #tpu.memory_space<hbm>>, %arg4: memref<262144x32xbf16, #tpu.memory_space<hbm>>, %arg5: memref<66560x32xbf16, #tpu.memory_space<vmem_shared>>, %arg6: memref<112xi32, #tpu.memory_space<vmem>>, %arg7: memref<112xi32, #tpu.memory_space<vmem>>, %arg8: memref<112xi32, #tpu.memory_space<vmem>>, %arg9: memref<112xi32, #tpu.memory_space<vmem>>, %arg10: memref<112xi32, #tpu.memory_space<vmem>>, %arg11: memref<112xi32, #tpu.memory_space<vmem>>, %arg12: memref<112xi32, #tpu.memory_space<vmem>>, %arg13: memref<112xi32, #tpu.memory_space<vmem>>, %arg14: memref<112x32xbf16, #tpu.memory_space<vmem>>, %arg15: memref<112x32xbf16, #tpu.memory_space<vmem>>, %arg16: memref<112x32xbf16, #tpu.memory_space<vmem>>, %arg17: memref<112x32xbf16, #tpu.memory_space<vmem>>, %arg18: memref<260x32xbf16, #tpu.memory_space<vmem>>, %arg19: memref<!tpu.dma_semaphore, #tpu.memory_space<semaphore_mem>>, %arg20: memref<!tpu.dma_semaphore, #tpu.memory_space<semaphore_mem>>, %arg21: memref<!tpu.dma_semaphore, #tpu.memory_space<semaphore_mem>>, %arg22: memref<!tpu.dma_semaphore, #tpu.memory_space<semaphore_mem>>, %arg23: memref<!tpu.dma_semaphore, #tpu.memory_space<semaphore_mem>>, %arg24: memref<!tpu.dma_semaphore, #tpu.memory_space<semaphore_mem>>, %arg25: memref<!tpu.dma_semaphore, #tpu.memory_space<semaphore_mem>>, %arg26: memref<!tpu.dma_semaphore, #tpu.memory_space<semaphore_mem>>, %arg27: memref<!tpu.dma_semaphore, #tpu.memory_space<semaphore_mem>>, %arg28: memref<!tpu.dma_semaphore, #tpu.memory_space<semaphore_mem>>, %arg29: memref<!tpu.dma_semaphore, #tpu.memory_space<semaphore_mem>>, %arg30: memref<!tpu.dma_semaphore, #tpu.memory_space<semaphore_mem>>) attributes {dimension_semantics = [#tpu.dimension_semantics<core_parallel>, #tpu.dimension_semantics<subcore_parallel>], iteration_bounds = array<i64: 2, 16>, scalar_prefetch = 0 : i64, scratch_operands = 26 : i64, tpu.core_type = #tpu.core_type<sc_vector_subcore>, window_params = [{transform_indices = #map}, {transform_indices = #map1}, {transform_indices = #map}]} {
    %iota3A = tpu.iota {dimensions = array<i32: 0>} : vector<16xi32>
    %broadcast_in_dim3A = arith.constant 0.000000e+00 : bf16
    %broadcast_in_dim3A_0 = vector.broadcast %broadcast_in_dim3A : bf16 to vector<32xbf16>
    %scan3A = arith.constant 0 : i32
    %scan3A_1 = arith.constant 0 : i32
    %scan3A_2 = arith.constant 260 : i32
    %scan3A_3 = arith.addi %scan3A_1, %scan3A_2 : i32
    %scan3A_4 = arith.constant 1 : i32
    scf.for %scan3A_253 = %scan3A_1 to %scan3A_3 step %scan3A_4  : i32 {
      %swap3A = arith.index_cast %scan3A_253 : i32 to index
      %swap3A_254 = arith.constant 0 : index
      %swap3A_255 = tpu.vector_load %arg18[%swap3A, %swap3A_254] {strides = array<i32>} : memref<260x32xbf16, #tpu.memory_space<vmem>>, vector<1x32xbf16>,
      %swap3A_256 = vector.shape_cast %swap3A_255 : vector<1x32xbf16> to vector<32xbf16>
      %swap3A_257 = vector.shape_cast %broadcast_in_dim3A_0 : vector<32xbf16> to vector<1x32xbf16>
      tpu.vector_store %arg18[%swap3A, %swap3A_254], %swap3A_257 {strides = array<i32>} : memref<260x32xbf16, #tpu.memory_space<vmem>>, vector<1x32xbf16>,
    }
    %scan3A_5 = arith.constant 260 : i32
    %add3A = arith.constant 0 : i32
    %add3A_6 = arith.addi %add3A, %arg0 : i32
    %mul3A = arith.constant 65536 : i32
    %mul3A_7 = arith.muli %add3A_6, %mul3A : i32
    %mul3A_8 = arith.constant 4160 : i32
    %mul3A_9 = arith.muli %arg1, %mul3A_8 : i32
    %add3A_10 = arith.constant 0 : i32
    %add3A_11 = arith.addi %mul3A_9, %add3A_10 : i32
    "tpu.region"() ({
      %run_scoped3A = tpu.sem_alloc : memref<!tpu.dma_semaphore, #tpu.memory_space<semaphore_mem>>
      %dma_start3A_253 = arith.constant 0 : i32
      %dma_start3A_254 = tpu.memref_slice %arg5[%add3A_11, %dma_start3A_253] : memref<66560x32xbf16, #tpu.memory_space<vmem_shared>> -> memref<260x32xbf16, #tpu.memory_space<vmem_shared>>
      %dma_start3A_255 = arith.constant 0 : i32
      %dma_start3A_256 = tpu.memref_slice %arg5[%add3A_11, %dma_start3A_255] : memref<66560x32xbf16, #tpu.memory_space<vmem_shared>> -> memref<260x32xbf16, #tpu.memory_space<vmem_shared>>
      tpu.enqueue_dma source(%arg18 : memref<260x32xbf16, #tpu.memory_space<vmem>>) target(%dma_start3A_256 : memref<260x32xbf16, #tpu.memory_space<vmem_shared>>) target_semaphore(%run_scoped3A : memref<!tpu.dma_semaphore, #tpu.memory_space<semaphore_mem>>)
      %dma_wait3A = arith.constant 0 : i32
      %dma_wait3A_257 = tpu.memref_slice %arg5[%add3A_11, %dma_wait3A] : memref<66560x32xbf16, #tpu.memory_space<vmem_shared>> -> memref<260x32xbf16, #tpu.memory_space<vmem_shared>>
      %dma_wait3A_258 = arith.constant 0 : i32
      %dma_wait3A_259 = tpu.memref_slice %arg5[%add3A_11, %dma_wait3A_258] : memref<66560x32xbf16, #tpu.memory_space<vmem_shared>> -> memref<260x32xbf16, #tpu.memory_space<vmem_shared>>
      tpu.wait_dma2 semaphore(%run_scoped3A : memref<!tpu.dma_semaphore, #tpu.memory_space<semaphore_mem>>) src(%arg18 : memref<260x32xbf16, #tpu.memory_space<vmem>>) dst(%dma_wait3A_259 : memref<260x32xbf16, #tpu.memory_space<vmem_shared>>)
      tpu.yield
    }) : () -> ()
    %mul3A_12 = arith.constant 4160 : i32
    %mul3A_13 = arith.muli %arg1, %mul3A_12 : i32
    %add3A_14 = arith.constant 260 : i32
    %add3A_15 = arith.addi %mul3A_13, %add3A_14 : i32
    "tpu.region"() ({
      %run_scoped3A = tpu.sem_alloc : memref<!tpu.dma_semaphore, #tpu.memory_space<semaphore_mem>>
      %dma_start3A_253 = arith.constant 0 : i32
      %dma_start3A_254 = tpu.memref_slice %arg5[%add3A_15, %dma_start3A_253] : memref<66560x32xbf16, #tpu.memory_space<vmem_shared>> -> memref<260x32xbf16, #tpu.memory_space<vmem_shared>>
      %dma_start3A_255 = arith.constant 0 : i32
      %dma_start3A_256 = tpu.memref_slice %arg5[%add3A_15, %dma_start3A_255] : memref<66560x32xbf16, #tpu.memory_space<vmem_shared>> -> memref<260x32xbf16, #tpu.memory_space<vmem_shared>>
      tpu.enqueue_dma source(%arg18 : memref<260x32xbf16, #tpu.memory_space<vmem>>) target(%dma_start3A_256 : memref<260x32xbf16, #tpu.memory_space<vmem_shared>>) target_semaphore(%run_scoped3A : memref<!tpu.dma_semaphore, #tpu.memory_space<semaphore_mem>>)
      %dma_wait3A = arith.constant 0 : i32
      %dma_wait3A_257 = tpu.memref_slice %arg5[%add3A_15, %dma_wait3A] : memref<66560x32xbf16, #tpu.memory_space<vmem_shared>> -> memref<260x32xbf16, #tpu.memory_space<vmem_shared>>
      %dma_wait3A_258 = arith.constant 0 : i32
      %dma_wait3A_259 = tpu.memref_slice %arg5[%add3A_15, %dma_wait3A_258] : memref<66560x32xbf16, #tpu.memory_space<vmem_shared>> -> memref<260x32xbf16, #tpu.memory_space<vmem_shared>>
      tpu.wait_dma2 semaphore(%run_scoped3A : memref<!tpu.dma_semaphore, #tpu.memory_space<semaphore_mem>>) src(%arg18 : memref<260x32xbf16, #tpu.memory_space<vmem>>) dst(%dma_wait3A_259 : memref<260x32xbf16, #tpu.memory_space<vmem_shared>>)
      tpu.yield
    }) : () -> ()
    %mul3A_16 = arith.constant 4160 : i32
    %mul3A_17 = arith.muli %arg1, %mul3A_16 : i32
    %add3A_18 = arith.constant 520 : i32
    %add3A_19 = arith.addi %mul3A_17, %add3A_18 : i32
    "tpu.region"() ({
      %run_scoped3A = tpu.sem_alloc : memref<!tpu.dma_semaphore, #tpu.memory_space<semaphore_mem>>
      %dma_start3A_253 = arith.constant 0 : i32
      %dma_start3A_254 = tpu.memref_slice %arg5[%add3A_19, %dma_start3A_253] : memref<66560x32xbf16, #tpu.memory_space<vmem_shared>> -> memref<260x32xbf16, #tpu.memory_space<vmem_shared>>
      %dma_start3A_255 = arith.constant 0 : i32
      %dma_start3A_256 = tpu.memref_slice %arg5[%add3A_19, %dma_start3A_255] : memref<66560x32xbf16, #tpu.memory_space<vmem_shared>> -> memref<260x32xbf16, #tpu.memory_space<vmem_shared>>
      tpu.enqueue_dma source(%arg18 : memref<260x32xbf16, #tpu.memory_space<vmem>>) target(%dma_start3A_256 : memref<260x32xbf16, #tpu.memory_space<vmem_shared>>) target_semaphore(%run_scoped3A : memref<!tpu.dma_semaphore, #tpu.memory_space<semaphore_mem>>)
      %dma_wait3A = arith.constant 0 : i32
      %dma_wait3A_257 = tpu.memref_slice %arg5[%add3A_19, %dma_wait3A] : memref<66560x32xbf16, #tpu.memory_space<vmem_shared>> -> memref<260x32xbf16, #tpu.memory_space<vmem_shared>>
      %dma_wait3A_258 = arith.constant 0 : i32
      %dma_wait3A_259 = tpu.memref_slice %arg5[%add3A_19, %dma_wait3A_258] : memref<66560x32xbf16, #tpu.memory_space<vmem_shared>> -> memref<260x32xbf16, #tpu.memory_space<vmem_shared>>
      tpu.wait_dma2 semaphore(%run_scoped3A : memref<!tpu.dma_semaphore, #tpu.memory_space<semaphore_mem>>) src(%arg18 : memref<260x32xbf16, #tpu.memory_space<vmem>>) dst(%dma_wait3A_259 : memref<260x32xbf16, #tpu.memory_space<vmem_shared>>)
      tpu.yield
    }) : () -> ()
    %mul3A_20 = arith.constant 4160 : i32
    %mul3A_21 = arith.muli %arg1, %mul3A_20 : i32
    %add3A_22 = arith.constant 780 : i32
    %add3A_23 = arith.addi %mul3A_21, %add3A_22 : i32
    "tpu.region"() ({
      %run_scoped3A = tpu.sem_alloc : memref<!tpu.dma_semaphore, #tpu.memory_space<semaphore_mem>>
      %dma_start3A_253 = arith.constant 0 : i32
      %dma_start3A_254 = tpu.memref_slice %arg5[%add3A_23, %dma_start3A_253] : memref<66560x32xbf16, #tpu.memory_space<vmem_shared>> -> memref<260x32xbf16, #tpu.memory_space<vmem_shared>>
      %dma_start3A_255 = arith.constant 0 : i32
      %dma_start3A_256 = tpu.memref_slice %arg5[%add3A_23, %dma_start3A_255] : memref<66560x32xbf16, #tpu.memory_space<vmem_shared>> -> memref<260x32xbf16, #tpu.memory_space<vmem_shared>>
      tpu.enqueue_dma source(%arg18 : memref<260x32xbf16, #tpu.memory_space<vmem>>) target(%dma_start3A_256 : memref<260x32xbf16, #tpu.memory_space<vmem_shared>>) target_semaphore(%run_scoped3A : memref<!tpu.dma_semaphore, #tpu.memory_space<semaphore_mem>>)
      %dma_wait3A = arith.constant 0 : i32
      %dma_wait3A_257 = tpu.memref_slice %arg5[%add3A_23, %dma_wait3A] : memref<66560x32xbf16, #tpu.memory_space<vmem_shared>> -> memref<260x32xbf16, #tpu.memory_space<vmem_shared>>
      %dma_wait3A_258 = arith.constant 0 : i32
      %dma_wait3A_259 = tpu.memref_slice %arg5[%add3A_23, %dma_wait3A_258] : memref<66560x32xbf16, #tpu.memory_space<vmem_shared>> -> memref<260x32xbf16, #tpu.memory_space<vmem_shared>>
      tpu.wait_dma2 semaphore(%run_scoped3A : memref<!tpu.dma_semaphore, #tpu.memory_space<semaphore_mem>>) src(%arg18 : memref<260x32xbf16, #tpu.memory_space<vmem>>) dst(%dma_wait3A_259 : memref<260x32xbf16, #tpu.memory_space<vmem_shared>>)
      tpu.yield
    }) : () -> ()
    %mul3A_24 = arith.constant 4160 : i32
    %mul3A_25 = arith.muli %arg1, %mul3A_24 : i32
    %add3A_26 = arith.constant 1040 : i32
    %add3A_27 = arith.addi %mul3A_25, %add3A_26 : i32
    "tpu.region"() ({
      %run_scoped3A = tpu.sem_alloc : memref<!tpu.dma_semaphore, #tpu.memory_space<semaphore_mem>>
      %dma_start3A_253 = arith.constant 0 : i32
      %dma_start3A_254 = tpu.memref_slice %arg5[%add3A_27, %dma_start3A_253] : memref<66560x32xbf16, #tpu.memory_space<vmem_shared>> -> memref<260x32xbf16, #tpu.memory_space<vmem_shared>>
      %dma_start3A_255 = arith.constant 0 : i32
      %dma_start3A_256 = tpu.memref_slice %arg5[%add3A_27, %dma_start3A_255] : memref<66560x32xbf16, #tpu.memory_space<vmem_shared>> -> memref<260x32xbf16, #tpu.memory_space<vmem_shared>>
      tpu.enqueue_dma source(%arg18 : memref<260x32xbf16, #tpu.memory_space<vmem>>) target(%dma_start3A_256 : memref<260x32xbf16, #tpu.memory_space<vmem_shared>>) target_semaphore(%run_scoped3A : memref<!tpu.dma_semaphore, #tpu.memory_space<semaphore_mem>>)
      %dma_wait3A = arith.constant 0 : i32
      %dma_wait3A_257 = tpu.memref_slice %arg5[%add3A_27, %dma_wait3A] : memref<66560x32xbf16, #tpu.memory_space<vmem_shared>> -> memref<260x32xbf16, #tpu.memory_space<vmem_shared>>
      %dma_wait3A_258 = arith.constant 0 : i32
      %dma_wait3A_259 = tpu.memref_slice %arg5[%add3A_27, %dma_wait3A_258] : memref<66560x32xbf16, #tpu.memory_space<vmem_shared>> -> memref<260x32xbf16, #tpu.memory_space<vmem_shared>>
      tpu.wait_dma2 semaphore(%run_scoped3A : memref<!tpu.dma_semaphore, #tpu.memory_space<semaphore_mem>>) src(%arg18 : memref<260x32xbf16, #tpu.memory_space<vmem>>) dst(%dma_wait3A_259 : memref<260x32xbf16, #tpu.memory_space<vmem_shared>>)
      tpu.yield
    }) : () -> ()
    %mul3A_28 = arith.constant 4160 : i32
    %mul3A_29 = arith.muli %arg1, %mul3A_28 : i32
    %add3A_30 = arith.constant 1300 : i32
    %add3A_31 = arith.addi %mul3A_29, %add3A_30 : i32
    "tpu.region"() ({
      %run_scoped3A = tpu.sem_alloc : memref<!tpu.dma_semaphore, #tpu.memory_space<semaphore_mem>>
      %dma_start3A_253 = arith.constant 0 : i32
      %dma_start3A_254 = tpu.memref_slice %arg5[%add3A_31, %dma_start3A_253] : memref<66560x32xbf16, #tpu.memory_space<vmem_shared>> -> memref<260x32xbf16, #tpu.memory_space<vmem_shared>>
      %dma_start3A_255 = arith.constant 0 : i32
      %dma_start3A_256 = tpu.memref_slice %arg5[%add3A_31, %dma_start3A_255] : memref<66560x32xbf16, #tpu.memory_space<vmem_shared>> -> memref<260x32xbf16, #tpu.memory_space<vmem_shared>>
      tpu.enqueue_dma source(%arg18 : memref<260x32xbf16, #tpu.memory_space<vmem>>) target(%dma_start3A_256 : memref<260x32xbf16, #tpu.memory_space<vmem_shared>>) target_semaphore(%run_scoped3A : memref<!tpu.dma_semaphore, #tpu.memory_space<semaphore_mem>>)
      %dma_wait3A = arith.constant 0 : i32
      %dma_wait3A_257 = tpu.memref_slice %arg5[%add3A_31, %dma_wait3A] : memref<66560x32xbf16, #tpu.memory_space<vmem_shared>> -> memref<260x32xbf16, #tpu.memory_space<vmem_shared>>
      %dma_wait3A_258 = arith.constant 0 : i32
      %dma_wait3A_259 = tpu.memref_slice %arg5[%add3A_31, %dma_wait3A_258] : memref<66560x32xbf16, #tpu.memory_space<vmem_shared>> -> memref<260x32xbf16, #tpu.memory_space<vmem_shared>>
      tpu.wait_dma2 semaphore(%run_scoped3A : memref<!tpu.dma_semaphore, #tpu.memory_space<semaphore_mem>>) src(%arg18 : memref<260x32xbf16, #tpu.memory_space<vmem>>) dst(%dma_wait3A_259 : memref<260x32xbf16, #tpu.memory_space<vmem_shared>>)
      tpu.yield
    }) : () -> ()
    %mul3A_32 = arith.constant 4160 : i32
    %mul3A_33 = arith.muli %arg1, %mul3A_32 : i32
    %add3A_34 = arith.constant 1560 : i32
    %add3A_35 = arith.addi %mul3A_33, %add3A_34 : i32
    "tpu.region"() ({
      %run_scoped3A = tpu.sem_alloc : memref<!tpu.dma_semaphore, #tpu.memory_space<semaphore_mem>>
      %dma_start3A_253 = arith.constant 0 : i32
      %dma_start3A_254 = tpu.memref_slice %arg5[%add3A_35, %dma_start3A_253] : memref<66560x32xbf16, #tpu.memory_space<vmem_shared>> -> memref<260x32xbf16, #tpu.memory_space<vmem_shared>>
      %dma_start3A_255 = arith.constant 0 : i32
      %dma_start3A_256 = tpu.memref_slice %arg5[%add3A_35, %dma_start3A_255] : memref<66560x32xbf16, #tpu.memory_space<vmem_shared>> -> memref<260x32xbf16, #tpu.memory_space<vmem_shared>>
      tpu.enqueue_dma source(%arg18 : memref<260x32xbf16, #tpu.memory_space<vmem>>) target(%dma_start3A_256 : memref<260x32xbf16, #tpu.memory_space<vmem_shared>>) target_semaphore(%run_scoped3A : memref<!tpu.dma_semaphore, #tpu.memory_space<semaphore_mem>>)
      %dma_wait3A = arith.constant 0 : i32
      %dma_wait3A_257 = tpu.memref_slice %arg5[%add3A_35, %dma_wait3A] : memref<66560x32xbf16, #tpu.memory_space<vmem_shared>> -> memref<260x32xbf16, #tpu.memory_space<vmem_shared>>
      %dma_wait3A_258 = arith.constant 0 : i32
      %dma_wait3A_259 = tpu.memref_slice %arg5[%add3A_35, %dma_wait3A_258] : memref<66560x32xbf16, #tpu.memory_space<vmem_shared>> -> memref<260x32xbf16, #tpu.memory_space<vmem_shared>>
      tpu.wait_dma2 semaphore(%run_scoped3A : memref<!tpu.dma_semaphore, #tpu.memory_space<semaphore_mem>>) src(%arg18 : memref<260x32xbf16, #tpu.memory_space<vmem>>) dst(%dma_wait3A_259 : memref<260x32xbf16, #tpu.memory_space<vmem_shared>>)
      tpu.yield
    }) : () -> ()
    %mul3A_36 = arith.constant 4160 : i32
    %mul3A_37 = arith.muli %arg1, %mul3A_36 : i32
    %add3A_38 = arith.constant 1820 : i32
    %add3A_39 = arith.addi %mul3A_37, %add3A_38 : i32
    "tpu.region"() ({
      %run_scoped3A = tpu.sem_alloc : memref<!tpu.dma_semaphore, #tpu.memory_space<semaphore_mem>>
      %dma_start3A_253 = arith.constant 0 : i32
      %dma_start3A_254 = tpu.memref_slice %arg5[%add3A_39, %dma_start3A_253] : memref<66560x32xbf16, #tpu.memory_space<vmem_shared>> -> memref<260x32xbf16, #tpu.memory_space<vmem_shared>>
      %dma_start3A_255 = arith.constant 0 : i32
      %dma_start3A_256 = tpu.memref_slice %arg5[%add3A_39, %dma_start3A_255] : memref<66560x32xbf16, #tpu.memory_space<vmem_shared>> -> memref<260x32xbf16, #tpu.memory_space<vmem_shared>>
      tpu.enqueue_dma source(%arg18 : memref<260x32xbf16, #tpu.memory_space<vmem>>) target(%dma_start3A_256 : memref<260x32xbf16, #tpu.memory_space<vmem_shared>>) target_semaphore(%run_scoped3A : memref<!tpu.dma_semaphore, #tpu.memory_space<semaphore_mem>>)
      %dma_wait3A = arith.constant 0 : i32
      %dma_wait3A_257 = tpu.memref_slice %arg5[%add3A_39, %dma_wait3A] : memref<66560x32xbf16, #tpu.memory_space<vmem_shared>> -> memref<260x32xbf16, #tpu.memory_space<vmem_shared>>
      %dma_wait3A_258 = arith.constant 0 : i32
      %dma_wait3A_259 = tpu.memref_slice %arg5[%add3A_39, %dma_wait3A_258] : memref<66560x32xbf16, #tpu.memory_space<vmem_shared>> -> memref<260x32xbf16, #tpu.memory_space<vmem_shared>>
      tpu.wait_dma2 semaphore(%run_scoped3A : memref<!tpu.dma_semaphore, #tpu.memory_space<semaphore_mem>>) src(%arg18 : memref<260x32xbf16, #tpu.memory_space<vmem>>) dst(%dma_wait3A_259 : memref<260x32xbf16, #tpu.memory_space<vmem_shared>>)
      tpu.yield
    }) : () -> ()
    %mul3A_40 = arith.constant 4160 : i32
    %mul3A_41 = arith.muli %arg1, %mul3A_40 : i32
    %add3A_42 = arith.constant 2080 : i32
    %add3A_43 = arith.addi %mul3A_41, %add3A_42 : i32
    "tpu.region"() ({
      %run_scoped3A = tpu.sem_alloc : memref<!tpu.dma_semaphore, #tpu.memory_space<semaphore_mem>>
      %dma_start3A_253 = arith.constant 0 : i32
      %dma_start3A_254 = tpu.memref_slice %arg5[%add3A_43, %dma_start3A_253] : memref<66560x32xbf16, #tpu.memory_space<vmem_shared>> -> memref<260x32xbf16, #tpu.memory_space<vmem_shared>>
      %dma_start3A_255 = arith.constant 0 : i32
      %dma_start3A_256 = tpu.memref_slice %arg5[%add3A_43, %dma_start3A_255] : memref<66560x32xbf16, #tpu.memory_space<vmem_shared>> -> memref<260x32xbf16, #tpu.memory_space<vmem_shared>>
      tpu.enqueue_dma source(%arg18 : memref<260x32xbf16, #tpu.memory_space<vmem>>) target(%dma_start3A_256 : memref<260x32xbf16, #tpu.memory_space<vmem_shared>>) target_semaphore(%run_scoped3A : memref<!tpu.dma_semaphore, #tpu.memory_space<semaphore_mem>>)
      %dma_wait3A = arith.constant 0 : i32
      %dma_wait3A_257 = tpu.memref_slice %arg5[%add3A_43, %dma_wait3A] : memref<66560x32xbf16, #tpu.memory_space<vmem_shared>> -> memref<260x32xbf16, #tpu.memory_space<vmem_shared>>
      %dma_wait3A_258 = arith.constant 0 : i32
      %dma_wait3A_259 = tpu.memref_slice %arg5[%add3A_43, %dma_wait3A_258] : memref<66560x32xbf16, #tpu.memory_space<vmem_shared>> -> memref<260x32xbf16, #tpu.memory_space<vmem_shared>>
      tpu.wait_dma2 semaphore(%run_scoped3A : memref<!tpu.dma_semaphore, #tpu.memory_space<semaphore_mem>>) src(%arg18 : memref<260x32xbf16, #tpu.memory_space<vmem>>) dst(%dma_wait3A_259 : memref<260x32xbf16, #tpu.memory_space<vmem_shared>>)
      tpu.yield
    }) : () -> ()
    %mul3A_44 = arith.constant 4160 : i32
    %mul3A_45 = arith.muli %arg1, %mul3A_44 : i32
    %add3A_46 = arith.constant 2340 : i32
    %add3A_47 = arith.addi %mul3A_45, %add3A_46 : i32
    "tpu.region"() ({
      %run_scoped3A = tpu.sem_alloc : memref<!tpu.dma_semaphore, #tpu.memory_space<semaphore_mem>>
      %dma_start3A_253 = arith.constant 0 : i32
      %dma_start3A_254 = tpu.memref_slice %arg5[%add3A_47, %dma_start3A_253] : memref<66560x32xbf16, #tpu.memory_space<vmem_shared>> -> memref<260x32xbf16, #tpu.memory_space<vmem_shared>>
      %dma_start3A_255 = arith.constant 0 : i32
      %dma_start3A_256 = tpu.memref_slice %arg5[%add3A_47, %dma_start3A_255] : memref<66560x32xbf16, #tpu.memory_space<vmem_shared>> -> memref<260x32xbf16, #tpu.memory_space<vmem_shared>>
      tpu.enqueue_dma source(%arg18 : memref<260x32xbf16, #tpu.memory_space<vmem>>) target(%dma_start3A_256 : memref<260x32xbf16, #tpu.memory_space<vmem_shared>>) target_semaphore(%run_scoped3A : memref<!tpu.dma_semaphore, #tpu.memory_space<semaphore_mem>>)
      %dma_wait3A = arith.constant 0 : i32
      %dma_wait3A_257 = tpu.memref_slice %arg5[%add3A_47, %dma_wait3A] : memref<66560x32xbf16, #tpu.memory_space<vmem_shared>> -> memref<260x32xbf16, #tpu.memory_space<vmem_shared>>
      %dma_wait3A_258 = arith.constant 0 : i32
      %dma_wait3A_259 = tpu.memref_slice %arg5[%add3A_47, %dma_wait3A_258] : memref<66560x32xbf16, #tpu.memory_space<vmem_shared>> -> memref<260x32xbf16, #tpu.memory_space<vmem_shared>>
      tpu.wait_dma2 semaphore(%run_scoped3A : memref<!tpu.dma_semaphore, #tpu.memory_space<semaphore_mem>>) src(%arg18 : memref<260x32xbf16, #tpu.memory_space<vmem>>) dst(%dma_wait3A_259 : memref<260x32xbf16, #tpu.memory_space<vmem_shared>>)
      tpu.yield
    }) : () -> ()
    %mul3A_48 = arith.constant 4160 : i32
    %mul3A_49 = arith.muli %arg1, %mul3A_48 : i32
    %add3A_50 = arith.constant 2600 : i32
    %add3A_51 = arith.addi %mul3A_49, %add3A_50 : i32
    "tpu.region"() ({
      %run_scoped3A = tpu.sem_alloc : memref<!tpu.dma_semaphore, #tpu.memory_space<semaphore_mem>>
      %dma_start3A_253 = arith.constant 0 : i32
      %dma_start3A_254 = tpu.memref_slice %arg5[%add3A_51, %dma_start3A_253] : memref<66560x32xbf16, #tpu.memory_space<vmem_shared>> -> memref<260x32xbf16, #tpu.memory_space<vmem_shared>>
      %dma_start3A_255 = arith.constant 0 : i32
      %dma_start3A_256 = tpu.memref_slice %arg5[%add3A_51, %dma_start3A_255] : memref<66560x32xbf16, #tpu.memory_space<vmem_shared>> -> memref<260x32xbf16, #tpu.memory_space<vmem_shared>>
      tpu.enqueue_dma source(%arg18 : memref<260x32xbf16, #tpu.memory_space<vmem>>) target(%dma_start3A_256 : memref<260x32xbf16, #tpu.memory_space<vmem_shared>>) target_semaphore(%run_scoped3A : memref<!tpu.dma_semaphore, #tpu.memory_space<semaphore_mem>>)
      %dma_wait3A = arith.constant 0 : i32
      %dma_wait3A_257 = tpu.memref_slice %arg5[%add3A_51, %dma_wait3A] : memref<66560x32xbf16, #tpu.memory_space<vmem_shared>> -> memref<260x32xbf16, #tpu.memory_space<vmem_shared>>
      %dma_wait3A_258 = arith.constant 0 : i32
      %dma_wait3A_259 = tpu.memref_slice %arg5[%add3A_51, %dma_wait3A_258] : memref<66560x32xbf16, #tpu.memory_space<vmem_shared>> -> memref<260x32xbf16, #tpu.memory_space<vmem_shared>>
      tpu.wait_dma2 semaphore(%run_scoped3A : memref<!tpu.dma_semaphore, #tpu.memory_space<semaphore_mem>>) src(%arg18 : memref<260x32xbf16, #tpu.memory_space<vmem>>) dst(%dma_wait3A_259 : memref<260x32xbf16, #tpu.memory_space<vmem_shared>>)
      tpu.yield
    }) : () -> ()
    %mul3A_52 = arith.constant 4160 : i32
    %mul3A_53 = arith.muli %arg1, %mul3A_52 : i32
    %add3A_54 = arith.constant 2860 : i32
    %add3A_55 = arith.addi %mul3A_53, %add3A_54 : i32
    "tpu.region"() ({
      %run_scoped3A = tpu.sem_alloc : memref<!tpu.dma_semaphore, #tpu.memory_space<semaphore_mem>>
      %dma_start3A_253 = arith.constant 0 : i32
      %dma_start3A_254 = tpu.memref_slice %arg5[%add3A_55, %dma_start3A_253] : memref<66560x32xbf16, #tpu.memory_space<vmem_shared>> -> memref<260x32xbf16, #tpu.memory_space<vmem_shared>>
      %dma_start3A_255 = arith.constant 0 : i32
      %dma_start3A_256 = tpu.memref_slice %arg5[%add3A_55, %dma_start3A_255] : memref<66560x32xbf16, #tpu.memory_space<vmem_shared>> -> memref<260x32xbf16, #tpu.memory_space<vmem_shared>>
      tpu.enqueue_dma source(%arg18 : memref<260x32xbf16, #tpu.memory_space<vmem>>) target(%dma_start3A_256 : memref<260x32xbf16, #tpu.memory_space<vmem_shared>>) target_semaphore(%run_scoped3A : memref<!tpu.dma_semaphore, #tpu.memory_space<semaphore_mem>>)
      %dma_wait3A = arith.constant 0 : i32
      %dma_wait3A_257 = tpu.memref_slice %arg5[%add3A_55, %dma_wait3A] : memref<66560x32xbf16, #tpu.memory_space<vmem_shared>> -> memref<260x32xbf16, #tpu.memory_space<vmem_shared>>
      %dma_wait3A_258 = arith.constant 0 : i32
      %dma_wait3A_259 = tpu.memref_slice %arg5[%add3A_55, %dma_wait3A_258] : memref<66560x32xbf16, #tpu.memory_space<vmem_shared>> -> memref<260x32xbf16, #tpu.memory_space<vmem_shared>>
      tpu.wait_dma2 semaphore(%run_scoped3A : memref<!tpu.dma_semaphore, #tpu.memory_space<semaphore_mem>>) src(%arg18 : memref<260x32xbf16, #tpu.memory_space<vmem>>) dst(%dma_wait3A_259 : memref<260x32xbf16, #tpu.memory_space<vmem_shared>>)
      tpu.yield
    }) : () -> ()
    %mul3A_56 = arith.constant 4160 : i32
    %mul3A_57 = arith.muli %arg1, %mul3A_56 : i32
    %add3A_58 = arith.constant 3120 : i32
    %add3A_59 = arith.addi %mul3A_57, %add3A_58 : i32
    "tpu.region"() ({
      %run_scoped3A = tpu.sem_alloc : memref<!tpu.dma_semaphore, #tpu.memory_space<semaphore_mem>>
      %dma_start3A_253 = arith.constant 0 : i32
      %dma_start3A_254 = tpu.memref_slice %arg5[%add3A_59, %dma_start3A_253] : memref<66560x32xbf16, #tpu.memory_space<vmem_shared>> -> memref<260x32xbf16, #tpu.memory_space<vmem_shared>>
      %dma_start3A_255 = arith.constant 0 : i32
      %dma_start3A_256 = tpu.memref_slice %arg5[%add3A_59, %dma_start3A_255] : memref<66560x32xbf16, #tpu.memory_space<vmem_shared>> -> memref<260x32xbf16, #tpu.memory_space<vmem_shared>>
      tpu.enqueue_dma source(%arg18 : memref<260x32xbf16, #tpu.memory_space<vmem>>) target(%dma_start3A_256 : memref<260x32xbf16, #tpu.memory_space<vmem_shared>>) target_semaphore(%run_scoped3A : memref<!tpu.dma_semaphore, #tpu.memory_space<semaphore_mem>>)
      %dma_wait3A = arith.constant 0 : i32
      %dma_wait3A_257 = tpu.memref_slice %arg5[%add3A_59, %dma_wait3A] : memref<66560x32xbf16, #tpu.memory_space<vmem_shared>> -> memref<260x32xbf16, #tpu.memory_space<vmem_shared>>
      %dma_wait3A_258 = arith.constant 0 : i32
      %dma_wait3A_259 = tpu.memref_slice %arg5[%add3A_59, %dma_wait3A_258] : memref<66560x32xbf16, #tpu.memory_space<vmem_shared>> -> memref<260x32xbf16, #tpu.memory_space<vmem_shared>>
      tpu.wait_dma2 semaphore(%run_scoped3A : memref<!tpu.dma_semaphore, #tpu.memory_space<semaphore_mem>>) src(%arg18 : memref<260x32xbf16, #tpu.memory_space<vmem>>) dst(%dma_wait3A_259 : memref<260x32xbf16, #tpu.memory_space<vmem_shared>>)
      tpu.yield
    }) : () -> ()
    %mul3A_60 = arith.constant 4160 : i32
    %mul3A_61 = arith.muli %arg1, %mul3A_60 : i32
    %add3A_62 = arith.constant 3380 : i32
    %add3A_63 = arith.addi %mul3A_61, %add3A_62 : i32
    "tpu.region"() ({
      %run_scoped3A = tpu.sem_alloc : memref<!tpu.dma_semaphore, #tpu.memory_space<semaphore_mem>>
      %dma_start3A_253 = arith.constant 0 : i32
      %dma_start3A_254 = tpu.memref_slice %arg5[%add3A_63, %dma_start3A_253] : memref<66560x32xbf16, #tpu.memory_space<vmem_shared>> -> memref<260x32xbf16, #tpu.memory_space<vmem_shared>>
      %dma_start3A_255 = arith.constant 0 : i32
      %dma_start3A_256 = tpu.memref_slice %arg5[%add3A_63, %dma_start3A_255] : memref<66560x32xbf16, #tpu.memory_space<vmem_shared>> -> memref<260x32xbf16, #tpu.memory_space<vmem_shared>>
      tpu.enqueue_dma source(%arg18 : memref<260x32xbf16, #tpu.memory_space<vmem>>) target(%dma_start3A_256 : memref<260x32xbf16, #tpu.memory_space<vmem_shared>>) target_semaphore(%run_scoped3A : memref<!tpu.dma_semaphore, #tpu.memory_space<semaphore_mem>>)
      %dma_wait3A = arith.constant 0 : i32
      %dma_wait3A_257 = tpu.memref_slice %arg5[%add3A_63, %dma_wait3A] : memref<66560x32xbf16, #tpu.memory_space<vmem_shared>> -> memref<260x32xbf16, #tpu.memory_space<vmem_shared>>
      %dma_wait3A_258 = arith.constant 0 : i32
      %dma_wait3A_259 = tpu.memref_slice %arg5[%add3A_63, %dma_wait3A_258] : memref<66560x32xbf16, #tpu.memory_space<vmem_shared>> -> memref<260x32xbf16, #tpu.memory_space<vmem_shared>>
      tpu.wait_dma2 semaphore(%run_scoped3A : memref<!tpu.dma_semaphore, #tpu.memory_space<semaphore_mem>>) src(%arg18 : memref<260x32xbf16, #tpu.memory_space<vmem>>) dst(%dma_wait3A_259 : memref<260x32xbf16, #tpu.memory_space<vmem_shared>>)
      tpu.yield
    }) : () -> ()
    %mul3A_64 = arith.constant 4160 : i32
    %mul3A_65 = arith.muli %arg1, %mul3A_64 : i32
    %add3A_66 = arith.constant 3640 : i32
    %add3A_67 = arith.addi %mul3A_65, %add3A_66 : i32
    "tpu.region"() ({
      %run_scoped3A = tpu.sem_alloc : memref<!tpu.dma_semaphore, #tpu.memory_space<semaphore_mem>>
      %dma_start3A_253 = arith.constant 0 : i32
      %dma_start3A_254 = tpu.memref_slice %arg5[%add3A_67, %dma_start3A_253] : memref<66560x32xbf16, #tpu.memory_space<vmem_shared>> -> memref<260x32xbf16, #tpu.memory_space<vmem_shared>>
      %dma_start3A_255 = arith.constant 0 : i32
      %dma_start3A_256 = tpu.memref_slice %arg5[%add3A_67, %dma_start3A_255] : memref<66560x32xbf16, #tpu.memory_space<vmem_shared>> -> memref<260x32xbf16, #tpu.memory_space<vmem_shared>>
      tpu.enqueue_dma source(%arg18 : memref<260x32xbf16, #tpu.memory_space<vmem>>) target(%dma_start3A_256 : memref<260x32xbf16, #tpu.memory_space<vmem_shared>>) target_semaphore(%run_scoped3A : memref<!tpu.dma_semaphore, #tpu.memory_space<semaphore_mem>>)
      %dma_wait3A = arith.constant 0 : i32
      %dma_wait3A_257 = tpu.memref_slice %arg5[%add3A_67, %dma_wait3A] : memref<66560x32xbf16, #tpu.memory_space<vmem_shared>> -> memref<260x32xbf16, #tpu.memory_space<vmem_shared>>
      %dma_wait3A_258 = arith.constant 0 : i32
      %dma_wait3A_259 = tpu.memref_slice %arg5[%add3A_67, %dma_wait3A_258] : memref<66560x32xbf16, #tpu.memory_space<vmem_shared>> -> memref<260x32xbf16, #tpu.memory_space<vmem_shared>>
      tpu.wait_dma2 semaphore(%run_scoped3A : memref<!tpu.dma_semaphore, #tpu.memory_space<semaphore_mem>>) src(%arg18 : memref<260x32xbf16, #tpu.memory_space<vmem>>) dst(%dma_wait3A_259 : memref<260x32xbf16, #tpu.memory_space<vmem_shared>>)
      tpu.yield
    }) : () -> ()
    %mul3A_68 = arith.constant 4160 : i32
    %mul3A_69 = arith.muli %arg1, %mul3A_68 : i32
    %add3A_70 = arith.constant 3900 : i32
    %add3A_71 = arith.addi %mul3A_69, %add3A_70 : i32
    "tpu.region"() ({
      %run_scoped3A = tpu.sem_alloc : memref<!tpu.dma_semaphore, #tpu.memory_space<semaphore_mem>>
      %dma_start3A_253 = arith.constant 0 : i32
      %dma_start3A_254 = tpu.memref_slice %arg5[%add3A_71, %dma_start3A_253] : memref<66560x32xbf16, #tpu.memory_space<vmem_shared>> -> memref<260x32xbf16, #tpu.memory_space<vmem_shared>>
      %dma_start3A_255 = arith.constant 0 : i32
      %dma_start3A_256 = tpu.memref_slice %arg5[%add3A_71, %dma_start3A_255] : memref<66560x32xbf16, #tpu.memory_space<vmem_shared>> -> memref<260x32xbf16, #tpu.memory_space<vmem_shared>>
      tpu.enqueue_dma source(%arg18 : memref<260x32xbf16, #tpu.memory_space<vmem>>) target(%dma_start3A_256 : memref<260x32xbf16, #tpu.memory_space<vmem_shared>>) target_semaphore(%run_scoped3A : memref<!tpu.dma_semaphore, #tpu.memory_space<semaphore_mem>>)
      %dma_wait3A = arith.constant 0 : i32
      %dma_wait3A_257 = tpu.memref_slice %arg5[%add3A_71, %dma_wait3A] : memref<66560x32xbf16, #tpu.memory_space<vmem_shared>> -> memref<260x32xbf16, #tpu.memory_space<vmem_shared>>
      %dma_wait3A_258 = arith.constant 0 : i32
      %dma_wait3A_259 = tpu.memref_slice %arg5[%add3A_71, %dma_wait3A_258] : memref<66560x32xbf16, #tpu.memory_space<vmem_shared>> -> memref<260x32xbf16, #tpu.memory_space<vmem_shared>>
      tpu.wait_dma2 semaphore(%run_scoped3A : memref<!tpu.dma_semaphore, #tpu.memory_space<semaphore_mem>>) src(%arg18 : memref<260x32xbf16, #tpu.memory_space<vmem>>) dst(%dma_wait3A_259 : memref<260x32xbf16, #tpu.memory_space<vmem_shared>>)
      tpu.yield
    }) : () -> ()
    %barrier3A = arith.constant 0 : index
    tpu.barrier barrier_id(%barrier3A)
    %mul3A_72 = arith.constant 6272 : i32
    %mul3A_73 = arith.muli %arg1, %mul3A_72 : i32
    %add3A_74 = arith.constant 0 : i32
    %add3A_75 = arith.addi %mul3A_73, %add3A_74 : i32
    %multiple_of3A = tpu.assume_multiple %add3A_75, 112 : i32
    %dma_start3A = tpu.memref_slice %arg3[%multiple_of3A] : memref<100352xi32, #tpu.memory_space<hbm>> -> memref<112xi32, #tpu.memory_space<hbm>>
    %dma_start3A_76 = tpu.memref_slice %arg3[%multiple_of3A] : memref<100352xi32, #tpu.memory_space<hbm>> -> memref<112xi32, #tpu.memory_space<hbm>>
    tpu.enqueue_dma source(%dma_start3A_76 : memref<112xi32, #tpu.memory_space<hbm>>) target(%arg6 : memref<112xi32, #tpu.memory_space<vmem>>) target_semaphore(%arg19 : memref<!tpu.dma_semaphore, #tpu.memory_space<semaphore_mem>>)
    %dma_start3A_77 = arith.constant 0 : i32
    %dma_start3A_78 = tpu.memref_slice %arg2[%multiple_of3A, %dma_start3A_77] : memref<100352x32xbf16, #tpu.memory_space<hbm>> -> memref<112x32xbf16, #tpu.memory_space<hbm>>
    %dma_start3A_79 = arith.constant 0 : i32
    %dma_start3A_80 = tpu.memref_slice %arg2[%multiple_of3A, %dma_start3A_79] : memref<100352x32xbf16, #tpu.memory_space<hbm>> -> memref<112x32xbf16, #tpu.memory_space<hbm>>
    tpu.enqueue_dma source(%dma_start3A_80 : memref<112x32xbf16, #tpu.memory_space<hbm>>) target(%arg14 : memref<112x32xbf16, #tpu.memory_space<vmem>>) target_semaphore(%arg23 : memref<!tpu.dma_semaphore, #tpu.memory_space<semaphore_mem>>)
    %mul3A_81 = arith.constant 6272 : i32
    %mul3A_82 = arith.muli %arg1, %mul3A_81 : i32
    %add3A_83 = arith.constant 112 : i32
    %add3A_84 = arith.addi %mul3A_82, %add3A_83 : i32
    %multiple_of3A_85 = tpu.assume_multiple %add3A_84, 112 : i32
    %dma_start3A_86 = tpu.memref_slice %arg3[%multiple_of3A_85] : memref<100352xi32, #tpu.memory_space<hbm>> -> memref<112xi32, #tpu.memory_space<hbm>>
    %dma_start3A_87 = tpu.memref_slice %arg3[%multiple_of3A_85] : memref<100352xi32, #tpu.memory_space<hbm>> -> memref<112xi32, #tpu.memory_space<hbm>>
    tpu.enqueue_dma source(%dma_start3A_87 : memref<112xi32, #tpu.memory_space<hbm>>) target(%arg7 : memref<112xi32, #tpu.memory_space<vmem>>) target_semaphore(%arg20 : memref<!tpu.dma_semaphore, #tpu.memory_space<semaphore_mem>>)
    %dma_start3A_88 = arith.constant 0 : i32
    %dma_start3A_89 = tpu.memref_slice %arg2[%multiple_of3A_85, %dma_start3A_88] : memref<100352x32xbf16, #tpu.memory_space<hbm>> -> memref<112x32xbf16, #tpu.memory_space<hbm>>
    %dma_start3A_90 = arith.constant 0 : i32
    %dma_start3A_91 = tpu.memref_slice %arg2[%multiple_of3A_85, %dma_start3A_90] : memref<100352x32xbf16, #tpu.memory_space<hbm>> -> memref<112x32xbf16, #tpu.memory_space<hbm>>
    tpu.enqueue_dma source(%dma_start3A_91 : memref<112x32xbf16, #tpu.memory_space<hbm>>) target(%arg15 : memref<112x32xbf16, #tpu.memory_space<vmem>>) target_semaphore(%arg24 : memref<!tpu.dma_semaphore, #tpu.memory_space<semaphore_mem>>)
    %mul3A_92 = arith.constant 6272 : i32
    %mul3A_93 = arith.muli %arg1, %mul3A_92 : i32
    %add3A_94 = arith.constant 224 : i32
    %add3A_95 = arith.addi %mul3A_93, %add3A_94 : i32
    %multiple_of3A_96 = tpu.assume_multiple %add3A_95, 112 : i32
    %dma_start3A_97 = tpu.memref_slice %arg3[%multiple_of3A_96] : memref<100352xi32, #tpu.memory_space<hbm>> -> memref<112xi32, #tpu.memory_space<hbm>>
    %dma_start3A_98 = tpu.memref_slice %arg3[%multiple_of3A_96] : memref<100352xi32, #tpu.memory_space<hbm>> -> memref<112xi32, #tpu.memory_space<hbm>>
    tpu.enqueue_dma source(%dma_start3A_98 : memref<112xi32, #tpu.memory_space<hbm>>) target(%arg8 : memref<112xi32, #tpu.memory_space<vmem>>) target_semaphore(%arg21 : memref<!tpu.dma_semaphore, #tpu.memory_space<semaphore_mem>>)
    %dma_start3A_99 = arith.constant 0 : i32
    %dma_start3A_100 = tpu.memref_slice %arg2[%multiple_of3A_96, %dma_start3A_99] : memref<100352x32xbf16, #tpu.memory_space<hbm>> -> memref<112x32xbf16, #tpu.memory_space<hbm>>
    %dma_start3A_101 = arith.constant 0 : i32
    %dma_start3A_102 = tpu.memref_slice %arg2[%multiple_of3A_96, %dma_start3A_101] : memref<100352x32xbf16, #tpu.memory_space<hbm>> -> memref<112x32xbf16, #tpu.memory_space<hbm>>
    tpu.enqueue_dma source(%dma_start3A_102 : memref<112x32xbf16, #tpu.memory_space<hbm>>) target(%arg16 : memref<112x32xbf16, #tpu.memory_space<vmem>>) target_semaphore(%arg25 : memref<!tpu.dma_semaphore, #tpu.memory_space<semaphore_mem>>)
    %mul3A_103 = arith.constant 6272 : i32
    %mul3A_104 = arith.muli %arg1, %mul3A_103 : i32
    %add3A_105 = arith.constant 336 : i32
    %add3A_106 = arith.addi %mul3A_104, %add3A_105 : i32
    %multiple_of3A_107 = tpu.assume_multiple %add3A_106, 112 : i32
    %dma_start3A_108 = tpu.memref_slice %arg3[%multiple_of3A_107] : memref<100352xi32, #tpu.memory_space<hbm>> -> memref<112xi32, #tpu.memory_space<hbm>>
    %dma_start3A_109 = tpu.memref_slice %arg3[%multiple_of3A_107] : memref<100352xi32, #tpu.memory_space<hbm>> -> memref<112xi32, #tpu.memory_space<hbm>>
    tpu.enqueue_dma source(%dma_start3A_109 : memref<112xi32, #tpu.memory_space<hbm>>) target(%arg9 : memref<112xi32, #tpu.memory_space<vmem>>) target_semaphore(%arg22 : memref<!tpu.dma_semaphore, #tpu.memory_space<semaphore_mem>>)
    %dma_start3A_110 = arith.constant 0 : i32
    %dma_start3A_111 = tpu.memref_slice %arg2[%multiple_of3A_107, %dma_start3A_110] : memref<100352x32xbf16, #tpu.memory_space<hbm>> -> memref<112x32xbf16, #tpu.memory_space<hbm>>
    %dma_start3A_112 = arith.constant 0 : i32
    %dma_start3A_113 = tpu.memref_slice %arg2[%multiple_of3A_107, %dma_start3A_112] : memref<100352x32xbf16, #tpu.memory_space<hbm>> -> memref<112x32xbf16, #tpu.memory_space<hbm>>
    tpu.enqueue_dma source(%dma_start3A_113 : memref<112x32xbf16, #tpu.memory_space<hbm>>) target(%arg17 : memref<112x32xbf16, #tpu.memory_space<vmem>>) target_semaphore(%arg26 : memref<!tpu.dma_semaphore, #tpu.memory_space<semaphore_mem>>)
    %scan3A_114 = arith.constant 0 : i32
    %scan3A_115 = arith.constant 0 : i32
    %scan3A_116 = arith.constant 14 : i32
    %scan3A_117 = arith.addi %scan3A_115, %scan3A_116 : i32
    %scan3A_118 = arith.constant 1 : i32
    scf.for %scan3A_253 = %scan3A_115 to %scan3A_117 step %scan3A_118  : i32 {
      %dma_wait3A = arith.constant 0 : i32
      %dma_wait3A_254 = tpu.memref_slice %arg3[%dma_wait3A] : memref<100352xi32, #tpu.memory_space<hbm>> -> memref<112xi32, #tpu.memory_space<hbm>>
      %dma_wait3A_255 = arith.constant 0 : i32
      %dma_wait3A_256 = tpu.memref_slice %arg3[%dma_wait3A_255] : memref<100352xi32, #tpu.memory_space<hbm>> -> memref<112xi32, #tpu.memory_space<hbm>>
      tpu.wait_dma2 semaphore(%arg19 : memref<!tpu.dma_semaphore, #tpu.memory_space<semaphore_mem>>) src(%dma_wait3A_256 : memref<112xi32, #tpu.memory_space<hbm>>) dst(%arg6 : memref<112xi32, #tpu.memory_space<vmem>>)
      %dma_wait3A_257 = arith.constant 0 : i32
      %dma_wait3A_258 = arith.constant 0 : i32
      %dma_wait3A_259 = tpu.memref_slice %arg2[%dma_wait3A_257, %dma_wait3A_258] : memref<100352x32xbf16, #tpu.memory_space<hbm>> -> memref<112x32xbf16, #tpu.memory_space<hbm>>
      %dma_wait3A_260 = arith.constant 0 : i32
      %dma_wait3A_261 = arith.constant 0 : i32
      %dma_wait3A_262 = tpu.memref_slice %arg2[%dma_wait3A_260, %dma_wait3A_261] : memref<100352x32xbf16, #tpu.memory_space<hbm>> -> memref<112x32xbf16, #tpu.memory_space<hbm>>
      tpu.wait_dma2 semaphore(%arg23 : memref<!tpu.dma_semaphore, #tpu.memory_space<semaphore_mem>>) src(%dma_wait3A_262 : memref<112x32xbf16, #tpu.memory_space<hbm>>) dst(%arg14 : memref<112x32xbf16, #tpu.memory_space<vmem>>)
      %get3A = arith.constant 0 : index
      %get3A_263 = tpu.vector_load %arg6[%get3A] {strides = array<i32>} : memref<112xi32, #tpu.memory_space<vmem>>, vector<16xi32>,
      %get3A_264 = vector.shape_cast %get3A_263 : vector<16xi32> to vector<16xi32>
      %sub3A = vector.broadcast %mul3A_7 : i32 to vector<16xi32>
      %sub3A_265 = arith.subi %get3A_264, %sub3A : vector<16xi32>
      %lt3A = arith.constant 0 : i32
      %lt3A_266 = vector.broadcast %lt3A : i32 to vector<16xi32>
      %lt3A_267 = arith.cmpi slt, %sub3A_265, %lt3A_266 : vector<16xi32>
      %ge3A = arith.constant 65536 : i32
      %ge3A_268 = vector.broadcast %ge3A : i32 to vector<16xi32>
      %ge3A_269 = arith.cmpi sge, %sub3A_265, %ge3A_268 : vector<16xi32>
      %or3A = arith.ori %lt3A_267, %ge3A_269 : vector<16xi1>
      %add3A_270 = arith.constant 0 : i32
      %add3A_271 = vector.broadcast %add3A_270 : i32 to vector<16xi32>
      %add3A_272 = arith.addi %iota3A, %add3A_271 : vector<16xi32>
      %mul3A_273 = arith.constant 112 : i32
      %mul3A_274 = arith.muli %arg1, %mul3A_273 : i32
      %add3A_275 = vector.broadcast %mul3A_274 : i32 to vector<16xi32>
      %add3A_276 = arith.addi %add3A_272, %add3A_275 : vector<16xi32>
      %and3A = arith.constant 1023 : i32
      %and3A_277 = vector.broadcast %and3A : i32 to vector<16xi32>
      %and3A_278 = arith.andi %add3A_276, %and3A_277 : vector<16xi32>
      %add3A_279 = arith.constant 65536 : i32
      %add3A_280 = vector.broadcast %add3A_279 : i32 to vector<16xi32>
      %add3A_281 = arith.addi %add3A_280, %and3A_278 : vector<16xi32>
      %select_n3A = arith.select %or3A, %add3A_281, %sub3A_265 : vector<16xi1>, vector<16xi32>
      %swap3A = arith.constant 0 : index
      %swap3A_282 = tpu.vector_load %arg10[%swap3A] {strides = array<i32>} : memref<112xi32, #tpu.memory_space<vmem>>, vector<16xi32>,
      %swap3A_283 = vector.shape_cast %swap3A_282 : vector<16xi32> to vector<16xi32>
      %swap3A_284 = vector.shape_cast %select_n3A : vector<16xi32> to vector<16xi32>
      tpu.vector_store %arg10[%swap3A], %swap3A_284 {strides = array<i32>} : memref<112xi32, #tpu.memory_space<vmem>>, vector<16xi32>,
      %get3A_285 = arith.constant 16 : index
      %get3A_286 = tpu.vector_load %arg6[%get3A_285] {strides = array<i32>} : memref<112xi32, #tpu.memory_space<vmem>>, vector<16xi32>,
      %get3A_287 = vector.shape_cast %get3A_286 : vector<16xi32> to vector<16xi32>
      %sub3A_288 = vector.broadcast %mul3A_7 : i32 to vector<16xi32>
      %sub3A_289 = arith.subi %get3A_287, %sub3A_288 : vector<16xi32>
      %lt3A_290 = arith.constant 0 : i32
      %lt3A_291 = vector.broadcast %lt3A_290 : i32 to vector<16xi32>
      %lt3A_292 = arith.cmpi slt, %sub3A_289, %lt3A_291 : vector<16xi32>
      %ge3A_293 = arith.constant 65536 : i32
      %ge3A_294 = vector.broadcast %ge3A_293 : i32 to vector<16xi32>
      %ge3A_295 = arith.cmpi sge, %sub3A_289, %ge3A_294 : vector<16xi32>
      %or3A_296 = arith.ori %lt3A_292, %ge3A_295 : vector<16xi1>
      %add3A_297 = arith.constant 16 : i32
      %add3A_298 = vector.broadcast %add3A_297 : i32 to vector<16xi32>
      %add3A_299 = arith.addi %iota3A, %add3A_298 : vector<16xi32>
      %mul3A_300 = arith.constant 112 : i32
      %mul3A_301 = arith.muli %arg1, %mul3A_300 : i32
      %add3A_302 = vector.broadcast %mul3A_301 : i32 to vector<16xi32>
      %add3A_303 = arith.addi %add3A_299, %add3A_302 : vector<16xi32>
      %and3A_304 = arith.constant 1023 : i32
      %and3A_305 = vector.broadcast %and3A_304 : i32 to vector<16xi32>
      %and3A_306 = arith.andi %add3A_303, %and3A_305 : vector<16xi32>
      %add3A_307 = arith.constant 65536 : i32
      %add3A_308 = vector.broadcast %add3A_307 : i32 to vector<16xi32>
      %add3A_309 = arith.addi %add3A_308, %and3A_306 : vector<16xi32>
      %select_n3A_310 = arith.select %or3A_296, %add3A_309, %sub3A_289 : vector<16xi1>, vector<16xi32>
      %swap3A_311 = arith.constant 16 : index
      %swap3A_312 = tpu.vector_load %arg10[%swap3A_311] {strides = array<i32>} : memref<112xi32, #tpu.memory_space<vmem>>, vector<16xi32>,
      %swap3A_313 = vector.shape_cast %swap3A_312 : vector<16xi32> to vector<16xi32>
      %swap3A_314 = vector.shape_cast %select_n3A_310 : vector<16xi32> to vector<16xi32>
      tpu.vector_store %arg10[%swap3A_311], %swap3A_314 {strides = array<i32>} : memref<112xi32, #tpu.memory_space<vmem>>, vector<16xi32>,
      %get3A_315 = arith.constant 32 : index
      %get3A_316 = tpu.vector_load %arg6[%get3A_315] {strides = array<i32>} : memref<112xi32, #tpu.memory_space<vmem>>, vector<16xi32>,
      %get3A_317 = vector.shape_cast %get3A_316 : vector<16xi32> to vector<16xi32>
      %sub3A_318 = vector.broadcast %mul3A_7 : i32 to vector<16xi32>
      %sub3A_319 = arith.subi %get3A_317, %sub3A_318 : vector<16xi32>
      %lt3A_320 = arith.constant 0 : i32
      %lt3A_321 = vector.broadcast %lt3A_320 : i32 to vector<16xi32>
      %lt3A_322 = arith.cmpi slt, %sub3A_319, %lt3A_321 : vector<16xi32>
      %ge3A_323 = arith.constant 65536 : i32
      %ge3A_324 = vector.broadcast %ge3A_323 : i32 to vector<16xi32>
      %ge3A_325 = arith.cmpi sge, %sub3A_319, %ge3A_324 : vector<16xi32>
      %or3A_326 = arith.ori %lt3A_322, %ge3A_325 : vector<16xi1>
      %add3A_327 = arith.constant 32 : i32
      %add3A_328 = vector.broadcast %add3A_327 : i32 to vector<16xi32>
      %add3A_329 = arith.addi %iota3A, %add3A_328 : vector<16xi32>
      %mul3A_330 = arith.constant 112 : i32
      %mul3A_331 = arith.muli %arg1, %mul3A_330 : i32
      %add3A_332 = vector.broadcast %mul3A_331 : i32 to vector<16xi32>
      %add3A_333 = arith.addi %add3A_329, %add3A_332 : vector<16xi32>
      %and3A_334 = arith.constant 1023 : i32
      %and3A_335 = vector.broadcast %and3A_334 : i32 to vector<16xi32>
      %and3A_336 = arith.andi %add3A_333, %and3A_335 : vector<16xi32>
      %add3A_337 = arith.constant 65536 : i32
      %add3A_338 = vector.broadcast %add3A_337 : i32 to vector<16xi32>
      %add3A_339 = arith.addi %add3A_338, %and3A_336 : vector<16xi32>
      %select_n3A_340 = arith.select %or3A_326, %add3A_339, %sub3A_319 : vector<16xi1>, vector<16xi32>
      %swap3A_341 = arith.constant 32 : index
      %swap3A_342 = tpu.vector_load %arg10[%swap3A_341] {strides = array<i32>} : memref<112xi32, #tpu.memory_space<vmem>>, vector<16xi32>,
      %swap3A_343 = vector.shape_cast %swap3A_342 : vector<16xi32> to vector<16xi32>
      %swap3A_344 = vector.shape_cast %select_n3A_340 : vector<16xi32> to vector<16xi32>
      tpu.vector_store %arg10[%swap3A_341], %swap3A_344 {strides = array<i32>} : memref<112xi32, #tpu.memory_space<vmem>>, vector<16xi32>,
      %get3A_345 = arith.constant 48 : index
      %get3A_346 = tpu.vector_load %arg6[%get3A_345] {strides = array<i32>} : memref<112xi32, #tpu.memory_space<vmem>>, vector<16xi32>,
      %get3A_347 = vector.shape_cast %get3A_346 : vector<16xi32> to vector<16xi32>
      %sub3A_348 = vector.broadcast %mul3A_7 : i32 to vector<16xi32>
      %sub3A_349 = arith.subi %get3A_347, %sub3A_348 : vector<16xi32>
      %lt3A_350 = arith.constant 0 : i32
      %lt3A_351 = vector.broadcast %lt3A_350 : i32 to vector<16xi32>
      %lt3A_352 = arith.cmpi slt, %sub3A_349, %lt3A_351 : vector<16xi32>
      %ge3A_353 = arith.constant 65536 : i32
      %ge3A_354 = vector.broadcast %ge3A_353 : i32 to vector<16xi32>
      %ge3A_355 = arith.cmpi sge, %sub3A_349, %ge3A_354 : vector<16xi32>
      %or3A_356 = arith.ori %lt3A_352, %ge3A_355 : vector<16xi1>
      %add3A_357 = arith.constant 48 : i32
      %add3A_358 = vector.broadcast %add3A_357 : i32 to vector<16xi32>
      %add3A_359 = arith.addi %iota3A, %add3A_358 : vector<16xi32>
      %mul3A_360 = arith.constant 112 : i32
      %mul3A_361 = arith.muli %arg1, %mul3A_360 : i32
      %add3A_362 = vector.broadcast %mul3A_361 : i32 to vector<16xi32>
      %add3A_363 = arith.addi %add3A_359, %add3A_362 : vector<16xi32>
      %and3A_364 = arith.constant 1023 : i32
      %and3A_365 = vector.broadcast %and3A_364 : i32 to vector<16xi32>
      %and3A_366 = arith.andi %add3A_363, %and3A_365 : vector<16xi32>
      %add3A_367 = arith.constant 65536 : i32
      %add3A_368 = vector.broadcast %add3A_367 : i32 to vector<16xi32>
      %add3A_369 = arith.addi %add3A_368, %and3A_366 : vector<16xi32>
      %select_n3A_370 = arith.select %or3A_356, %add3A_369, %sub3A_349 : vector<16xi1>, vector<16xi32>
      %swap3A_371 = arith.constant 48 : index
      %swap3A_372 = tpu.vector_load %arg10[%swap3A_371] {strides = array<i32>} : memref<112xi32, #tpu.memory_space<vmem>>, vector<16xi32>,
      %swap3A_373 = vector.shape_cast %swap3A_372 : vector<16xi32> to vector<16xi32>
      %swap3A_374 = vector.shape_cast %select_n3A_370 : vector<16xi32> to vector<16xi32>
      tpu.vector_store %arg10[%swap3A_371], %swap3A_374 {strides = array<i32>} : memref<112xi32, #tpu.memory_space<vmem>>, vector<16xi32>,
      %get3A_375 = arith.constant 64 : index
      %get3A_376 = tpu.vector_load %arg6[%get3A_375] {strides = array<i32>} : memref<112xi32, #tpu.memory_space<vmem>>, vector<16xi32>,
      %get3A_377 = vector.shape_cast %get3A_376 : vector<16xi32> to vector<16xi32>
      %sub3A_378 = vector.broadcast %mul3A_7 : i32 to vector<16xi32>
      %sub3A_379 = arith.subi %get3A_377, %sub3A_378 : vector<16xi32>
      %lt3A_380 = arith.constant 0 : i32
      %lt3A_381 = vector.broadcast %lt3A_380 : i32 to vector<16xi32>
      %lt3A_382 = arith.cmpi slt, %sub3A_379, %lt3A_381 : vector<16xi32>
      %ge3A_383 = arith.constant 65536 : i32
      %ge3A_384 = vector.broadcast %ge3A_383 : i32 to vector<16xi32>
      %ge3A_385 = arith.cmpi sge, %sub3A_379, %ge3A_384 : vector<16xi32>
      %or3A_386 = arith.ori %lt3A_382, %ge3A_385 : vector<16xi1>
      %add3A_387 = arith.constant 64 : i32
      %add3A_388 = vector.broadcast %add3A_387 : i32 to vector<16xi32>
      %add3A_389 = arith.addi %iota3A, %add3A_388 : vector<16xi32>
      %mul3A_390 = arith.constant 112 : i32
      %mul3A_391 = arith.muli %arg1, %mul3A_390 : i32
      %add3A_392 = vector.broadcast %mul3A_391 : i32 to vector<16xi32>
      %add3A_393 = arith.addi %add3A_389, %add3A_392 : vector<16xi32>
      %and3A_394 = arith.constant 1023 : i32
      %and3A_395 = vector.broadcast %and3A_394 : i32 to vector<16xi32>
      %and3A_396 = arith.andi %add3A_393, %and3A_395 : vector<16xi32>
      %add3A_397 = arith.constant 65536 : i32
      %add3A_398 = vector.broadcast %add3A_397 : i32 to vector<16xi32>
      %add3A_399 = arith.addi %add3A_398, %and3A_396 : vector<16xi32>
      %select_n3A_400 = arith.select %or3A_386, %add3A_399, %sub3A_379 : vector<16xi1>, vector<16xi32>
      %swap3A_401 = arith.constant 64 : index
      %swap3A_402 = tpu.vector_load %arg10[%swap3A_401] {strides = array<i32>} : memref<112xi32, #tpu.memory_space<vmem>>, vector<16xi32>,
      %swap3A_403 = vector.shape_cast %swap3A_402 : vector<16xi32> to vector<16xi32>
      %swap3A_404 = vector.shape_cast %select_n3A_400 : vector<16xi32> to vector<16xi32>
      tpu.vector_store %arg10[%swap3A_401], %swap3A_404 {strides = array<i32>} : memref<112xi32, #tpu.memory_space<vmem>>, vector<16xi32>,
      %get3A_405 = arith.constant 80 : index
      %get3A_406 = tpu.vector_load %arg6[%get3A_405] {strides = array<i32>} : memref<112xi32, #tpu.memory_space<vmem>>, vector<16xi32>,
      %get3A_407 = vector.shape_cast %get3A_406 : vector<16xi32> to vector<16xi32>
      %sub3A_408 = vector.broadcast %mul3A_7 : i32 to vector<16xi32>
      %sub3A_409 = arith.subi %get3A_407, %sub3A_408 : vector<16xi32>
      %lt3A_410 = arith.constant 0 : i32
      %lt3A_411 = vector.broadcast %lt3A_410 : i32 to vector<16xi32>
      %lt3A_412 = arith.cmpi slt, %sub3A_409, %lt3A_411 : vector<16xi32>
      %ge3A_413 = arith.constant 65536 : i32
      %ge3A_414 = vector.broadcast %ge3A_413 : i32 to vector<16xi32>
      %ge3A_415 = arith.cmpi sge, %sub3A_409, %ge3A_414 : vector<16xi32>
      %or3A_416 = arith.ori %lt3A_412, %ge3A_415 : vector<16xi1>
      %add3A_417 = arith.constant 80 : i32
      %add3A_418 = vector.broadcast %add3A_417 : i32 to vector<16xi32>
      %add3A_419 = arith.addi %iota3A, %add3A_418 : vector<16xi32>
      %mul3A_420 = arith.constant 112 : i32
      %mul3A_421 = arith.muli %arg1, %mul3A_420 : i32
      %add3A_422 = vector.broadcast %mul3A_421 : i32 to vector<16xi32>
      %add3A_423 = arith.addi %add3A_419, %add3A_422 : vector<16xi32>
      %and3A_424 = arith.constant 1023 : i32
      %and3A_425 = vector.broadcast %and3A_424 : i32 to vector<16xi32>
      %and3A_426 = arith.andi %add3A_423, %and3A_425 : vector<16xi32>
      %add3A_427 = arith.constant 65536 : i32
      %add3A_428 = vector.broadcast %add3A_427 : i32 to vector<16xi32>
      %add3A_429 = arith.addi %add3A_428, %and3A_426 : vector<16xi32>
      %select_n3A_430 = arith.select %or3A_416, %add3A_429, %sub3A_409 : vector<16xi1>, vector<16xi32>
      %swap3A_431 = arith.constant 80 : index
      %swap3A_432 = tpu.vector_load %arg10[%swap3A_431] {strides = array<i32>} : memref<112xi32, #tpu.memory_space<vmem>>, vector<16xi32>,
      %swap3A_433 = vector.shape_cast %swap3A_432 : vector<16xi32> to vector<16xi32>
      %swap3A_434 = vector.shape_cast %select_n3A_430 : vector<16xi32> to vector<16xi32>
      tpu.vector_store %arg10[%swap3A_431], %swap3A_434 {strides = array<i32>} : memref<112xi32, #tpu.memory_space<vmem>>, vector<16xi32>,
      %get3A_435 = arith.constant 96 : index
      %get3A_436 = tpu.vector_load %arg6[%get3A_435] {strides = array<i32>} : memref<112xi32, #tpu.memory_space<vmem>>, vector<16xi32>,
      %get3A_437 = vector.shape_cast %get3A_436 : vector<16xi32> to vector<16xi32>
      %sub3A_438 = vector.broadcast %mul3A_7 : i32 to vector<16xi32>
      %sub3A_439 = arith.subi %get3A_437, %sub3A_438 : vector<16xi32>
      %lt3A_440 = arith.constant 0 : i32
      %lt3A_441 = vector.broadcast %lt3A_440 : i32 to vector<16xi32>
      %lt3A_442 = arith.cmpi slt, %sub3A_439, %lt3A_441 : vector<16xi32>
      %ge3A_443 = arith.constant 65536 : i32
      %ge3A_444 = vector.broadcast %ge3A_443 : i32 to vector<16xi32>
      %ge3A_445 = arith.cmpi sge, %sub3A_439, %ge3A_444 : vector<16xi32>
      %or3A_446 = arith.ori %lt3A_442, %ge3A_445 : vector<16xi1>
      %add3A_447 = arith.constant 96 : i32
      %add3A_448 = vector.broadcast %add3A_447 : i32 to vector<16xi32>
      %add3A_449 = arith.addi %iota3A, %add3A_448 : vector<16xi32>
      %mul3A_450 = arith.constant 112 : i32
      %mul3A_451 = arith.muli %arg1, %mul3A_450 : i32
      %add3A_452 = vector.broadcast %mul3A_451 : i32 to vector<16xi32>
      %add3A_453 = arith.addi %add3A_449, %add3A_452 : vector<16xi32>
      %and3A_454 = arith.constant 1023 : i32
      %and3A_455 = vector.broadcast %and3A_454 : i32 to vector<16xi32>
      %and3A_456 = arith.andi %add3A_453, %and3A_455 : vector<16xi32>
      %add3A_457 = arith.constant 65536 : i32
      %add3A_458 = vector.broadcast %add3A_457 : i32 to vector<16xi32>
      %add3A_459 = arith.addi %add3A_458, %and3A_456 : vector<16xi32>
      %select_n3A_460 = arith.select %or3A_446, %add3A_459, %sub3A_439 : vector<16xi1>, vector<16xi32>
      %swap3A_461 = arith.constant 96 : index
      %swap3A_462 = tpu.vector_load %arg10[%swap3A_461] {strides = array<i32>} : memref<112xi32, #tpu.memory_space<vmem>>, vector<16xi32>,
      %swap3A_463 = vector.shape_cast %swap3A_462 : vector<16xi32> to vector<16xi32>
      %swap3A_464 = vector.shape_cast %select_n3A_460 : vector<16xi32> to vector<16xi32>
      tpu.vector_store %arg10[%swap3A_461], %swap3A_464 {strides = array<i32>} : memref<112xi32, #tpu.memory_space<vmem>>, vector<16xi32>,
      %dma_start3A_465 = arith.constant 0 : i32
      %dma_start3A_466 = arith.constant 0 : i32
      %dma_start3A_467 = tpu.memref_slice %arg5[%dma_start3A_465, %dma_start3A_466] : memref<66560x32xbf16, #tpu.memory_space<vmem_shared>> -> memref<66560x32xbf16, #tpu.memory_space<vmem_shared>>
      tpu.enqueue_indirect_dma source(%arg14 : memref<112x32xbf16, #tpu.memory_space<vmem>>) target(%dma_start3A_467 : memref<66560x32xbf16, #tpu.memory_space<vmem_shared>>) offsets(%arg10 : memref<112xi32, #tpu.memory_space<vmem>>) semaphore(%arg27 : memref<!tpu.dma_semaphore, #tpu.memory_space<semaphore_mem>>) {add = true}
      %dma_wait3A_468 = arith.constant 0 : i32
      %dma_wait3A_469 = tpu.memref_slice %arg3[%dma_wait3A_468] : memref<100352xi32, #tpu.memory_space<hbm>> -> memref<112xi32, #tpu.memory_space<hbm>>
      %dma_wait3A_470 = arith.constant 0 : i32
      %dma_wait3A_471 = tpu.memref_slice %arg3[%dma_wait3A_470] : memref<100352xi32, #tpu.memory_space<hbm>> -> memref<112xi32, #tpu.memory_space<hbm>>
      tpu.wait_dma2 semaphore(%arg20 : memref<!tpu.dma_semaphore, #tpu.memory_space<semaphore_mem>>) src(%dma_wait3A_471 : memref<112xi32, #tpu.memory_space<hbm>>) dst(%arg7 : memref<112xi32, #tpu.memory_space<vmem>>)
      %dma_wait3A_472 = arith.constant 0 : i32
      %dma_wait3A_473 = arith.constant 0 : i32
      %dma_wait3A_474 = tpu.memref_slice %arg2[%dma_wait3A_472, %dma_wait3A_473] : memref<100352x32xbf16, #tpu.memory_space<hbm>> -> memref<112x32xbf16, #tpu.memory_space<hbm>>
      %dma_wait3A_475 = arith.constant 0 : i32
      %dma_wait3A_476 = arith.constant 0 : i32
      %dma_wait3A_477 = tpu.memref_slice %arg2[%dma_wait3A_475, %dma_wait3A_476] : memref<100352x32xbf16, #tpu.memory_space<hbm>> -> memref<112x32xbf16, #tpu.memory_space<hbm>>
      tpu.wait_dma2 semaphore(%arg24 : memref<!tpu.dma_semaphore, #tpu.memory_space<semaphore_mem>>) src(%dma_wait3A_477 : memref<112x32xbf16, #tpu.memory_space<hbm>>) dst(%arg15 : memref<112x32xbf16, #tpu.memory_space<vmem>>)
      %get3A_478 = arith.constant 0 : index
      %get3A_479 = tpu.vector_load %arg7[%get3A_478] {strides = array<i32>} : memref<112xi32, #tpu.memory_space<vmem>>, vector<16xi32>,
      %get3A_480 = vector.shape_cast %get3A_479 : vector<16xi32> to vector<16xi32>
      %sub3A_481 = vector.broadcast %mul3A_7 : i32 to vector<16xi32>
      %sub3A_482 = arith.subi %get3A_480, %sub3A_481 : vector<16xi32>
      %lt3A_483 = arith.constant 0 : i32
      %lt3A_484 = vector.broadcast %lt3A_483 : i32 to vector<16xi32>
      %lt3A_485 = arith.cmpi slt, %sub3A_482, %lt3A_484 : vector<16xi32>
      %ge3A_486 = arith.constant 65536 : i32
      %ge3A_487 = vector.broadcast %ge3A_486 : i32 to vector<16xi32>
      %ge3A_488 = arith.cmpi sge, %sub3A_482, %ge3A_487 : vector<16xi32>
      %or3A_489 = arith.ori %lt3A_485, %ge3A_488 : vector<16xi1>
      %add3A_490 = arith.constant 0 : i32
      %add3A_491 = vector.broadcast %add3A_490 : i32 to vector<16xi32>
      %add3A_492 = arith.addi %iota3A, %add3A_491 : vector<16xi32>
      %mul3A_493 = arith.constant 112 : i32
      %mul3A_494 = arith.muli %arg1, %mul3A_493 : i32
      %add3A_495 = vector.broadcast %mul3A_494 : i32 to vector<16xi32>
      %add3A_496 = arith.addi %add3A_492, %add3A_495 : vector<16xi32>
      %and3A_497 = arith.constant 1023 : i32
      %and3A_498 = vector.broadcast %and3A_497 : i32 to vector<16xi32>
      %and3A_499 = arith.andi %add3A_496, %and3A_498 : vector<16xi32>
      %add3A_500 = arith.constant 65536 : i32
      %add3A_501 = vector.broadcast %add3A_500 : i32 to vector<16xi32>
      %add3A_502 = arith.addi %add3A_501, %and3A_499 : vector<16xi32>
      %select_n3A_503 = arith.select %or3A_489, %add3A_502, %sub3A_482 : vector<16xi1>, vector<16xi32>
      %swap3A_504 = arith.constant 0 : index
      %swap3A_505 = tpu.vector_load %arg11[%swap3A_504] {strides = array<i32>} : memref<112xi32, #tpu.memory_space<vmem>>, vector<16xi32>,
      %swap3A_506 = vector.shape_cast %swap3A_505 : vector<16xi32> to vector<16xi32>
      %swap3A_507 = vector.shape_cast %select_n3A_503 : vector<16xi32> to vector<16xi32>
      tpu.vector_store %arg11[%swap3A_504], %swap3A_507 {strides = array<i32>} : memref<112xi32, #tpu.memory_space<vmem>>, vector<16xi32>,
      %get3A_508 = arith.constant 16 : index
      %get3A_509 = tpu.vector_load %arg7[%get3A_508] {strides = array<i32>} : memref<112xi32, #tpu.memory_space<vmem>>, vector<16xi32>,
      %get3A_510 = vector.shape_cast %get3A_509 : vector<16xi32> to vector<16xi32>
      %sub3A_511 = vector.broadcast %mul3A_7 : i32 to vector<16xi32>
      %sub3A_512 = arith.subi %get3A_510, %sub3A_511 : vector<16xi32>
      %lt3A_513 = arith.constant 0 : i32
      %lt3A_514 = vector.broadcast %lt3A_513 : i32 to vector<16xi32>
      %lt3A_515 = arith.cmpi slt, %sub3A_512, %lt3A_514 : vector<16xi32>
      %ge3A_516 = arith.constant 65536 : i32
      %ge3A_517 = vector.broadcast %ge3A_516 : i32 to vector<16xi32>
      %ge3A_518 = arith.cmpi sge, %sub3A_512, %ge3A_517 : vector<16xi32>
      %or3A_519 = arith.ori %lt3A_515, %ge3A_518 : vector<16xi1>
      %add3A_520 = arith.constant 16 : i32
      %add3A_521 = vector.broadcast %add3A_520 : i32 to vector<16xi32>
      %add3A_522 = arith.addi %iota3A, %add3A_521 : vector<16xi32>
      %mul3A_523 = arith.constant 112 : i32
      %mul3A_524 = arith.muli %arg1, %mul3A_523 : i32
      %add3A_525 = vector.broadcast %mul3A_524 : i32 to vector<16xi32>
      %add3A_526 = arith.addi %add3A_522, %add3A_525 : vector<16xi32>
      %and3A_527 = arith.constant 1023 : i32
      %and3A_528 = vector.broadcast %and3A_527 : i32 to vector<16xi32>
      %and3A_529 = arith.andi %add3A_526, %and3A_528 : vector<16xi32>
      %add3A_530 = arith.constant 65536 : i32
      %add3A_531 = vector.broadcast %add3A_530 : i32 to vector<16xi32>
      %add3A_532 = arith.addi %add3A_531, %and3A_529 : vector<16xi32>
      %select_n3A_533 = arith.select %or3A_519, %add3A_532, %sub3A_512 : vector<16xi1>, vector<16xi32>
      %swap3A_534 = arith.constant 16 : index
      %swap3A_535 = tpu.vector_load %arg11[%swap3A_534] {strides = array<i32>} : memref<112xi32, #tpu.memory_space<vmem>>, vector<16xi32>,
      %swap3A_536 = vector.shape_cast %swap3A_535 : vector<16xi32> to vector<16xi32>
      %swap3A_537 = vector.shape_cast %select_n3A_533 : vector<16xi32> to vector<16xi32>
      tpu.vector_store %arg11[%swap3A_534], %swap3A_537 {strides = array<i32>} : memref<112xi32, #tpu.memory_space<vmem>>, vector<16xi32>,
      %get3A_538 = arith.constant 32 : index
      %get3A_539 = tpu.vector_load %arg7[%get3A_538] {strides = array<i32>} : memref<112xi32, #tpu.memory_space<vmem>>, vector<16xi32>,
      %get3A_540 = vector.shape_cast %get3A_539 : vector<16xi32> to vector<16xi32>
      %sub3A_541 = vector.broadcast %mul3A_7 : i32 to vector<16xi32>
      %sub3A_542 = arith.subi %get3A_540, %sub3A_541 : vector<16xi32>
      %lt3A_543 = arith.constant 0 : i32
      %lt3A_544 = vector.broadcast %lt3A_543 : i32 to vector<16xi32>
      %lt3A_545 = arith.cmpi slt, %sub3A_542, %lt3A_544 : vector<16xi32>
      %ge3A_546 = arith.constant 65536 : i32
      %ge3A_547 = vector.broadcast %ge3A_546 : i32 to vector<16xi32>
      %ge3A_548 = arith.cmpi sge, %sub3A_542, %ge3A_547 : vector<16xi32>
      %or3A_549 = arith.ori %lt3A_545, %ge3A_548 : vector<16xi1>
      %add3A_550 = arith.constant 32 : i32
      %add3A_551 = vector.broadcast %add3A_550 : i32 to vector<16xi32>
      %add3A_552 = arith.addi %iota3A, %add3A_551 : vector<16xi32>
      %mul3A_553 = arith.constant 112 : i32
      %mul3A_554 = arith.muli %arg1, %mul3A_553 : i32
      %add3A_555 = vector.broadcast %mul3A_554 : i32 to vector<16xi32>
      %add3A_556 = arith.addi %add3A_552, %add3A_555 : vector<16xi32>
      %and3A_557 = arith.constant 1023 : i32
      %and3A_558 = vector.broadcast %and3A_557 : i32 to vector<16xi32>
      %and3A_559 = arith.andi %add3A_556, %and3A_558 : vector<16xi32>
      %add3A_560 = arith.constant 65536 : i32
      %add3A_561 = vector.broadcast %add3A_560 : i32 to vector<16xi32>
      %add3A_562 = arith.addi %add3A_561, %and3A_559 : vector<16xi32>
      %select_n3A_563 = arith.select %or3A_549, %add3A_562, %sub3A_542 : vector<16xi1>, vector<16xi32>
      %swap3A_564 = arith.constant 32 : index
      %swap3A_565 = tpu.vector_load %arg11[%swap3A_564] {strides = array<i32>} : memref<112xi32, #tpu.memory_space<vmem>>, vector<16xi32>,
      %swap3A_566 = vector.shape_cast %swap3A_565 : vector<16xi32> to vector<16xi32>
      %swap3A_567 = vector.shape_cast %select_n3A_563 : vector<16xi32> to vector<16xi32>
      tpu.vector_store %arg11[%swap3A_564], %swap3A_567 {strides = array<i32>} : memref<112xi32, #tpu.memory_space<vmem>>, vector<16xi32>,
      %get3A_568 = arith.constant 48 : index
      %get3A_569 = tpu.vector_load %arg7[%get3A_568] {strides = array<i32>} : memref<112xi32, #tpu.memory_space<vmem>>, vector<16xi32>,
      %get3A_570 = vector.shape_cast %get3A_569 : vector<16xi32> to vector<16xi32>
      %sub3A_571 = vector.broadcast %mul3A_7 : i32 to vector<16xi32>
      %sub3A_572 = arith.subi %get3A_570, %sub3A_571 : vector<16xi32>
      %lt3A_573 = arith.constant 0 : i32
      %lt3A_574 = vector.broadcast %lt3A_573 : i32 to vector<16xi32>
      %lt3A_575 = arith.cmpi slt, %sub3A_572, %lt3A_574 : vector<16xi32>
      %ge3A_576 = arith.constant 65536 : i32
      %ge3A_577 = vector.broadcast %ge3A_576 : i32 to vector<16xi32>
      %ge3A_578 = arith.cmpi sge, %sub3A_572, %ge3A_577 : vector<16xi32>
      %or3A_579 = arith.ori %lt3A_575, %ge3A_578 : vector<16xi1>
      %add3A_580 = arith.constant 48 : i32
      %add3A_581 = vector.broadcast %add3A_580 : i32 to vector<16xi32>
      %add3A_582 = arith.addi %iota3A, %add3A_581 : vector<16xi32>
      %mul3A_583 = arith.constant 112 : i32
      %mul3A_584 = arith.muli %arg1, %mul3A_583 : i32
      %add3A_585 = vector.broadcast %mul3A_584 : i32 to vector<16xi32>
      %add3A_586 = arith.addi %add3A_582, %add3A_585 : vector<16xi32>
      %and3A_587 = arith.constant 1023 : i32
      %and3A_588 = vector.broadcast %and3A_587 : i32 to vector<16xi32>
      %and3A_589 = arith.andi %add3A_586, %and3A_588 : vector<16xi32>
      %add3A_590 = arith.constant 65536 : i32
      %add3A_591 = vector.broadcast %add3A_590 : i32 to vector<16xi32>
      %add3A_592 = arith.addi %add3A_591, %and3A_589 : vector<16xi32>
      %select_n3A_593 = arith.select %or3A_579, %add3A_592, %sub3A_572 : vector<16xi1>, vector<16xi32>
      %swap3A_594 = arith.constant 48 : index
      %swap3A_595 = tpu.vector_load %arg11[%swap3A_594] {strides = array<i32>} : memref<112xi32, #tpu.memory_space<vmem>>, vector<16xi32>,
      %swap3A_596 = vector.shape_cast %swap3A_595 : vector<16xi32> to vector<16xi32>
      %swap3A_597 = vector.shape_cast %select_n3A_593 : vector<16xi32> to vector<16xi32>
      tpu.vector_store %arg11[%swap3A_594], %swap3A_597 {strides = array<i32>} : memref<112xi32, #tpu.memory_space<vmem>>, vector<16xi32>,
      %get3A_598 = arith.constant 64 : index
      %get3A_599 = tpu.vector_load %arg7[%get3A_598] {strides = array<i32>} : memref<112xi32, #tpu.memory_space<vmem>>, vector<16xi32>,
      %get3A_600 = vector.shape_cast %get3A_599 : vector<16xi32> to vector<16xi32>
      %sub3A_601 = vector.broadcast %mul3A_7 : i32 to vector<16xi32>
      %sub3A_602 = arith.subi %get3A_600, %sub3A_601 : vector<16xi32>
      %lt3A_603 = arith.constant 0 : i32
      %lt3A_604 = vector.broadcast %lt3A_603 : i32 to vector<16xi32>
      %lt3A_605 = arith.cmpi slt, %sub3A_602, %lt3A_604 : vector<16xi32>
      %ge3A_606 = arith.constant 65536 : i32
      %ge3A_607 = vector.broadcast %ge3A_606 : i32 to vector<16xi32>
      %ge3A_608 = arith.cmpi sge, %sub3A_602, %ge3A_607 : vector<16xi32>
      %or3A_609 = arith.ori %lt3A_605, %ge3A_608 : vector<16xi1>
      %add3A_610 = arith.constant 64 : i32
      %add3A_611 = vector.broadcast %add3A_610 : i32 to vector<16xi32>
      %add3A_612 = arith.addi %iota3A, %add3A_611 : vector<16xi32>
      %mul3A_613 = arith.constant 112 : i32
      %mul3A_614 = arith.muli %arg1, %mul3A_613 : i32
      %add3A_615 = vector.broadcast %mul3A_614 : i32 to vector<16xi32>
      %add3A_616 = arith.addi %add3A_612, %add3A_615 : vector<16xi32>
      %and3A_617 = arith.constant 1023 : i32
      %and3A_618 = vector.broadcast %and3A_617 : i32 to vector<16xi32>
      %and3A_619 = arith.andi %add3A_616, %and3A_618 : vector<16xi32>
      %add3A_620 = arith.constant 65536 : i32
      %add3A_621 = vector.broadcast %add3A_620 : i32 to vector<16xi32>
      %add3A_622 = arith.addi %add3A_621, %and3A_619 : vector<16xi32>
      %select_n3A_623 = arith.select %or3A_609, %add3A_622, %sub3A_602 : vector<16xi1>, vector<16xi32>
      %swap3A_624 = arith.constant 64 : index
      %swap3A_625 = tpu.vector_load %arg11[%swap3A_624] {strides = array<i32>} : memref<112xi32, #tpu.memory_space<vmem>>, vector<16xi32>,
      %swap3A_626 = vector.shape_cast %swap3A_625 : vector<16xi32> to vector<16xi32>
      %swap3A_627 = vector.shape_cast %select_n3A_623 : vector<16xi32> to vector<16xi32>
      tpu.vector_store %arg11[%swap3A_624], %swap3A_627 {strides = array<i32>} : memref<112xi32, #tpu.memory_space<vmem>>, vector<16xi32>,
      %get3A_628 = arith.constant 80 : index
      %get3A_629 = tpu.vector_load %arg7[%get3A_628] {strides = array<i32>} : memref<112xi32, #tpu.memory_space<vmem>>, vector<16xi32>,
      %get3A_630 = vector.shape_cast %get3A_629 : vector<16xi32> to vector<16xi32>
      %sub3A_631 = vector.broadcast %mul3A_7 : i32 to vector<16xi32>
      %sub3A_632 = arith.subi %get3A_630, %sub3A_631 : vector<16xi32>
      %lt3A_633 = arith.constant 0 : i32
      %lt3A_634 = vector.broadcast %lt3A_633 : i32 to vector<16xi32>
      %lt3A_635 = arith.cmpi slt, %sub3A_632, %lt3A_634 : vector<16xi32>
      %ge3A_636 = arith.constant 65536 : i32
      %ge3A_637 = vector.broadcast %ge3A_636 : i32 to vector<16xi32>
      %ge3A_638 = arith.cmpi sge, %sub3A_632, %ge3A_637 : vector<16xi32>
      %or3A_639 = arith.ori %lt3A_635, %ge3A_638 : vector<16xi1>
      %add3A_640 = arith.constant 80 : i32
      %add3A_641 = vector.broadcast %add3A_640 : i32 to vector<16xi32>
      %add3A_642 = arith.addi %iota3A, %add3A_641 : vector<16xi32>
      %mul3A_643 = arith.constant 112 : i32
      %mul3A_644 = arith.muli %arg1, %mul3A_643 : i32
      %add3A_645 = vector.broadcast %mul3A_644 : i32 to vector<16xi32>
      %add3A_646 = arith.addi %add3A_642, %add3A_645 : vector<16xi32>
      %and3A_647 = arith.constant 1023 : i32
      %and3A_648 = vector.broadcast %and3A_647 : i32 to vector<16xi32>
      %and3A_649 = arith.andi %add3A_646, %and3A_648 : vector<16xi32>
      %add3A_650 = arith.constant 65536 : i32
      %add3A_651 = vector.broadcast %add3A_650 : i32 to vector<16xi32>
      %add3A_652 = arith.addi %add3A_651, %and3A_649 : vector<16xi32>
      %select_n3A_653 = arith.select %or3A_639, %add3A_652, %sub3A_632 : vector<16xi1>, vector<16xi32>
      %swap3A_654 = arith.constant 80 : index
      %swap3A_655 = tpu.vector_load %arg11[%swap3A_654] {strides = array<i32>} : memref<112xi32, #tpu.memory_space<vmem>>, vector<16xi32>,
      %swap3A_656 = vector.shape_cast %swap3A_655 : vector<16xi32> to vector<16xi32>
      %swap3A_657 = vector.shape_cast %select_n3A_653 : vector<16xi32> to vector<16xi32>
      tpu.vector_store %arg11[%swap3A_654], %swap3A_657 {strides = array<i32>} : memref<112xi32, #tpu.memory_space<vmem>>, vector<16xi32>,
      %get3A_658 = arith.constant 96 : index
      %get3A_659 = tpu.vector_load %arg7[%get3A_658] {strides = array<i32>} : memref<112xi32, #tpu.memory_space<vmem>>, vector<16xi32>,
      %get3A_660 = vector.shape_cast %get3A_659 : vector<16xi32> to vector<16xi32>
      %sub3A_661 = vector.broadcast %mul3A_7 : i32 to vector<16xi32>
      %sub3A_662 = arith.subi %get3A_660, %sub3A_661 : vector<16xi32>
      %lt3A_663 = arith.constant 0 : i32
      %lt3A_664 = vector.broadcast %lt3A_663 : i32 to vector<16xi32>
      %lt3A_665 = arith.cmpi slt, %sub3A_662, %lt3A_664 : vector<16xi32>
      %ge3A_666 = arith.constant 65536 : i32
      %ge3A_667 = vector.broadcast %ge3A_666 : i32 to vector<16xi32>
      %ge3A_668 = arith.cmpi sge, %sub3A_662, %ge3A_667 : vector<16xi32>
      %or3A_669 = arith.ori %lt3A_665, %ge3A_668 : vector<16xi1>
      %add3A_670 = arith.constant 96 : i32
      %add3A_671 = vector.broadcast %add3A_670 : i32 to vector<16xi32>
      %add3A_672 = arith.addi %iota3A, %add3A_671 : vector<16xi32>
      %mul3A_673 = arith.constant 112 : i32
      %mul3A_674 = arith.muli %arg1, %mul3A_673 : i32
      %add3A_675 = vector.broadcast %mul3A_674 : i32 to vector<16xi32>
      %add3A_676 = arith.addi %add3A_672, %add3A_675 : vector<16xi32>
      %and3A_677 = arith.constant 1023 : i32
      %and3A_678 = vector.broadcast %and3A_677 : i32 to vector<16xi32>
      %and3A_679 = arith.andi %add3A_676, %and3A_678 : vector<16xi32>
      %add3A_680 = arith.constant 65536 : i32
      %add3A_681 = vector.broadcast %add3A_680 : i32 to vector<16xi32>
      %add3A_682 = arith.addi %add3A_681, %and3A_679 : vector<16xi32>
      %select_n3A_683 = arith.select %or3A_669, %add3A_682, %sub3A_662 : vector<16xi1>, vector<16xi32>
      %swap3A_684 = arith.constant 96 : index
      %swap3A_685 = tpu.vector_load %arg11[%swap3A_684] {strides = array<i32>} : memref<112xi32, #tpu.memory_space<vmem>>, vector<16xi32>,
      %swap3A_686 = vector.shape_cast %swap3A_685 : vector<16xi32> to vector<16xi32>
      %swap3A_687 = vector.shape_cast %select_n3A_683 : vector<16xi32> to vector<16xi32>
      tpu.vector_store %arg11[%swap3A_684], %swap3A_687 {strides = array<i32>} : memref<112xi32, #tpu.memory_space<vmem>>, vector<16xi32>,
      %dma_start3A_688 = arith.constant 0 : i32
      %dma_start3A_689 = arith.constant 0 : i32
      %dma_start3A_690 = tpu.memref_slice %arg5[%dma_start3A_688, %dma_start3A_689] : memref<66560x32xbf16, #tpu.memory_space<vmem_shared>> -> memref<66560x32xbf16, #tpu.memory_space<vmem_shared>>
      tpu.enqueue_indirect_dma source(%arg15 : memref<112x32xbf16, #tpu.memory_space<vmem>>) target(%dma_start3A_690 : memref<66560x32xbf16, #tpu.memory_space<vmem_shared>>) offsets(%arg11 : memref<112xi32, #tpu.memory_space<vmem>>) semaphore(%arg28 : memref<!tpu.dma_semaphore, #tpu.memory_space<semaphore_mem>>) {add = true}
      %dma_wait3A_691 = arith.constant 0 : i32
      %dma_wait3A_692 = tpu.memref_slice %arg3[%dma_wait3A_691] : memref<100352xi32, #tpu.memory_space<hbm>> -> memref<112xi32, #tpu.memory_space<hbm>>
      %dma_wait3A_693 = arith.constant 0 : i32
      %dma_wait3A_694 = tpu.memref_slice %arg3[%dma_wait3A_693] : memref<100352xi32, #tpu.memory_space<hbm>> -> memref<112xi32, #tpu.memory_space<hbm>>
      tpu.wait_dma2 semaphore(%arg21 : memref<!tpu.dma_semaphore, #tpu.memory_space<semaphore_mem>>) src(%dma_wait3A_694 : memref<112xi32, #tpu.memory_space<hbm>>) dst(%arg8 : memref<112xi32, #tpu.memory_space<vmem>>)
      %dma_wait3A_695 = arith.constant 0 : i32
      %dma_wait3A_696 = arith.constant 0 : i32
      %dma_wait3A_697 = tpu.memref_slice %arg2[%dma_wait3A_695, %dma_wait3A_696] : memref<100352x32xbf16, #tpu.memory_space<hbm>> -> memref<112x32xbf16, #tpu.memory_space<hbm>>
      %dma_wait3A_698 = arith.constant 0 : i32
      %dma_wait3A_699 = arith.constant 0 : i32
      %dma_wait3A_700 = tpu.memref_slice %arg2[%dma_wait3A_698, %dma_wait3A_699] : memref<100352x32xbf16, #tpu.memory_space<hbm>> -> memref<112x32xbf16, #tpu.memory_space<hbm>>
      tpu.wait_dma2 semaphore(%arg25 : memref<!tpu.dma_semaphore, #tpu.memory_space<semaphore_mem>>) src(%dma_wait3A_700 : memref<112x32xbf16, #tpu.memory_space<hbm>>) dst(%arg16 : memref<112x32xbf16, #tpu.memory_space<vmem>>)
      %get3A_701 = arith.constant 0 : index
      %get3A_702 = tpu.vector_load %arg8[%get3A_701] {strides = array<i32>} : memref<112xi32, #tpu.memory_space<vmem>>, vector<16xi32>,
      %get3A_703 = vector.shape_cast %get3A_702 : vector<16xi32> to vector<16xi32>
      %sub3A_704 = vector.broadcast %mul3A_7 : i32 to vector<16xi32>
      %sub3A_705 = arith.subi %get3A_703, %sub3A_704 : vector<16xi32>
      %lt3A_706 = arith.constant 0 : i32
      %lt3A_707 = vector.broadcast %lt3A_706 : i32 to vector<16xi32>
      %lt3A_708 = arith.cmpi slt, %sub3A_705, %lt3A_707 : vector<16xi32>
      %ge3A_709 = arith.constant 65536 : i32
      %ge3A_710 = vector.broadcast %ge3A_709 : i32 to vector<16xi32>
      %ge3A_711 = arith.cmpi sge, %sub3A_705, %ge3A_710 : vector<16xi32>
      %or3A_712 = arith.ori %lt3A_708, %ge3A_711 : vector<16xi1>
      %add3A_713 = arith.constant 0 : i32
      %add3A_714 = vector.broadcast %add3A_713 : i32 to vector<16xi32>
      %add3A_715 = arith.addi %iota3A, %add3A_714 : vector<16xi32>
      %mul3A_716 = arith.constant 112 : i32
      %mul3A_717 = arith.muli %arg1, %mul3A_716 : i32
      %add3A_718 = vector.broadcast %mul3A_717 : i32 to vector<16xi32>
      %add3A_719 = arith.addi %add3A_715, %add3A_718 : vector<16xi32>
      %and3A_720 = arith.constant 1023 : i32
      %and3A_721 = vector.broadcast %and3A_720 : i32 to vector<16xi32>
      %and3A_722 = arith.andi %add3A_719, %and3A_721 : vector<16xi32>
      %add3A_723 = arith.constant 65536 : i32
      %add3A_724 = vector.broadcast %add3A_723 : i32 to vector<16xi32>
      %add3A_725 = arith.addi %add3A_724, %and3A_722 : vector<16xi32>
      %select_n3A_726 = arith.select %or3A_712, %add3A_725, %sub3A_705 : vector<16xi1>, vector<16xi32>
      %swap3A_727 = arith.constant 0 : index
      %swap3A_728 = tpu.vector_load %arg12[%swap3A_727] {strides = array<i32>} : memref<112xi32, #tpu.memory_space<vmem>>, vector<16xi32>,
      %swap3A_729 = vector.shape_cast %swap3A_728 : vector<16xi32> to vector<16xi32>
      %swap3A_730 = vector.shape_cast %select_n3A_726 : vector<16xi32> to vector<16xi32>
      tpu.vector_store %arg12[%swap3A_727], %swap3A_730 {strides = array<i32>} : memref<112xi32, #tpu.memory_space<vmem>>, vector<16xi32>,
      %get3A_731 = arith.constant 16 : index
      %get3A_732 = tpu.vector_load %arg8[%get3A_731] {strides = array<i32>} : memref<112xi32, #tpu.memory_space<vmem>>, vector<16xi32>,
      %get3A_733 = vector.shape_cast %get3A_732 : vector<16xi32> to vector<16xi32>
      %sub3A_734 = vector.broadcast %mul3A_7 : i32 to vector<16xi32>
      %sub3A_735 = arith.subi %get3A_733, %sub3A_734 : vector<16xi32>
      %lt3A_736 = arith.constant 0 : i32
      %lt3A_737 = vector.broadcast %lt3A_736 : i32 to vector<16xi32>
      %lt3A_738 = arith.cmpi slt, %sub3A_735, %lt3A_737 : vector<16xi32>
      %ge3A_739 = arith.constant 65536 : i32
      %ge3A_740 = vector.broadcast %ge3A_739 : i32 to vector<16xi32>
      %ge3A_741 = arith.cmpi sge, %sub3A_735, %ge3A_740 : vector<16xi32>
      %or3A_742 = arith.ori %lt3A_738, %ge3A_741 : vector<16xi1>
      %add3A_743 = arith.constant 16 : i32
      %add3A_744 = vector.broadcast %add3A_743 : i32 to vector<16xi32>
      %add3A_745 = arith.addi %iota3A, %add3A_744 : vector<16xi32>
      %mul3A_746 = arith.constant 112 : i32
      %mul3A_747 = arith.muli %arg1, %mul3A_746 : i32
      %add3A_748 = vector.broadcast %mul3A_747 : i32 to vector<16xi32>
      %add3A_749 = arith.addi %add3A_745, %add3A_748 : vector<16xi32>
      %and3A_750 = arith.constant 1023 : i32
      %and3A_751 = vector.broadcast %and3A_750 : i32 to vector<16xi32>
      %and3A_752 = arith.andi %add3A_749, %and3A_751 : vector<16xi32>
      %add3A_753 = arith.constant 65536 : i32
      %add3A_754 = vector.broadcast %add3A_753 : i32 to vector<16xi32>
      %add3A_755 = arith.addi %add3A_754, %and3A_752 : vector<16xi32>
      %select_n3A_756 = arith.select %or3A_742, %add3A_755, %sub3A_735 : vector<16xi1>, vector<16xi32>
      %swap3A_757 = arith.constant 16 : index
      %swap3A_758 = tpu.vector_load %arg12[%swap3A_757] {strides = array<i32>} : memref<112xi32, #tpu.memory_space<vmem>>, vector<16xi32>,
      %swap3A_759 = vector.shape_cast %swap3A_758 : vector<16xi32> to vector<16xi32>
      %swap3A_760 = vector.shape_cast %select_n3A_756 : vector<16xi32> to vector<16xi32>
      tpu.vector_store %arg12[%swap3A_757], %swap3A_760 {strides = array<i32>} : memref<112xi32, #tpu.memory_space<vmem>>, vector<16xi32>,
      %get3A_761 = arith.constant 32 : index
      %get3A_762 = tpu.vector_load %arg8[%get3A_761] {strides = array<i32>} : memref<112xi32, #tpu.memory_space<vmem>>, vector<16xi32>,
      %get3A_763 = vector.shape_cast %get3A_762 : vector<16xi32> to vector<16xi32>
      %sub3A_764 = vector.broadcast %mul3A_7 : i32 to vector<16xi32>
      %sub3A_765 = arith.subi %get3A_763, %sub3A_764 : vector<16xi32>
      %lt3A_766 = arith.constant 0 : i32
      %lt3A_767 = vector.broadcast %lt3A_766 : i32 to vector<16xi32>
      %lt3A_768 = arith.cmpi slt, %sub3A_765, %lt3A_767 : vector<16xi32>
      %ge3A_769 = arith.constant 65536 : i32
      %ge3A_770 = vector.broadcast %ge3A_769 : i32 to vector<16xi32>
      %ge3A_771 = arith.cmpi sge, %sub3A_765, %ge3A_770 : vector<16xi32>
      %or3A_772 = arith.ori %lt3A_768, %ge3A_771 : vector<16xi1>
      %add3A_773 = arith.constant 32 : i32
      %add3A_774 = vector.broadcast %add3A_773 : i32 to vector<16xi32>
      %add3A_775 = arith.addi %iota3A, %add3A_774 : vector<16xi32>
      %mul3A_776 = arith.constant 112 : i32
      %mul3A_777 = arith.muli %arg1, %mul3A_776 : i32
      %add3A_778 = vector.broadcast %mul3A_777 : i32 to vector<16xi32>
      %add3A_779 = arith.addi %add3A_775, %add3A_778 : vector<16xi32>
      %and3A_780 = arith.constant 1023 : i32
      %and3A_781 = vector.broadcast %and3A_780 : i32 to vector<16xi32>
      %and3A_782 = arith.andi %add3A_779, %and3A_781 : vector<16xi32>
      %add3A_783 = arith.constant 65536 : i32
      %add3A_784 = vector.broadcast %add3A_783 : i32 to vector<16xi32>
      %add3A_785 = arith.addi %add3A_784, %and3A_782 : vector<16xi32>
      %select_n3A_786 = arith.select %or3A_772, %add3A_785, %sub3A_765 : vector<16xi1>, vector<16xi32>
      %swap3A_787 = arith.constant 32 : index
      %swap3A_788 = tpu.vector_load %arg12[%swap3A_787] {strides = array<i32>} : memref<112xi32, #tpu.memory_space<vmem>>, vector<16xi32>,
      %swap3A_789 = vector.shape_cast %swap3A_788 : vector<16xi32> to vector<16xi32>
      %swap3A_790 = vector.shape_cast %select_n3A_786 : vector<16xi32> to vector<16xi32>
      tpu.vector_store %arg12[%swap3A_787], %swap3A_790 {strides = array<i32>} : memref<112xi32, #tpu.memory_space<vmem>>, vector<16xi32>,
      %get3A_791 = arith.constant 48 : index
      %get3A_792 = tpu.vector_load %arg8[%get3A_791] {strides = array<i32>} : memref<112xi32, #tpu.memory_space<vmem>>, vector<16xi32>,
      %get3A_793 = vector.shape_cast %get3A_792 : vector<16xi32> to vector<16xi32>
      %sub3A_794 = vector.broadcast %mul3A_7 : i32 to vector<16xi32>
      %sub3A_795 = arith.subi %get3A_793, %sub3A_794 : vector<16xi32>
      %lt3A_796 = arith.constant 0 : i32
      %lt3A_797 = vector.broadcast %lt3A_796 : i32 to vector<16xi32>
      %lt3A_798 = arith.cmpi slt, %sub3A_795, %lt3A_797 : vector<16xi32>
      %ge3A_799 = arith.constant 65536 : i32
      %ge3A_800 = vector.broadcast %ge3A_799 : i32 to vector<16xi32>
      %ge3A_801 = arith.cmpi sge, %sub3A_795, %ge3A_800 : vector<16xi32>
      %or3A_802 = arith.ori %lt3A_798, %ge3A_801 : vector<16xi1>
      %add3A_803 = arith.constant 48 : i32
      %add3A_804 = vector.broadcast %add3A_803 : i32 to vector<16xi32>
      %add3A_805 = arith.addi %iota3A, %add3A_804 : vector<16xi32>
      %mul3A_806 = arith.constant 112 : i32
      %mul3A_807 = arith.muli %arg1, %mul3A_806 : i32
      %add3A_808 = vector.broadcast %mul3A_807 : i32 to vector<16xi32>
      %add3A_809 = arith.addi %add3A_805, %add3A_808 : vector<16xi32>
      %and3A_810 = arith.constant 1023 : i32
      %and3A_811 = vector.broadcast %and3A_810 : i32 to vector<16xi32>
      %and3A_812 = arith.andi %add3A_809, %and3A_811 : vector<16xi32>
      %add3A_813 = arith.constant 65536 : i32
      %add3A_814 = vector.broadcast %add3A_813 : i32 to vector<16xi32>
      %add3A_815 = arith.addi %add3A_814, %and3A_812 : vector<16xi32>
      %select_n3A_816 = arith.select %or3A_802, %add3A_815, %sub3A_795 : vector<16xi1>, vector<16xi32>
      %swap3A_817 = arith.constant 48 : index
      %swap3A_818 = tpu.vector_load %arg12[%swap3A_817] {strides = array<i32>} : memref<112xi32, #tpu.memory_space<vmem>>, vector<16xi32>,
      %swap3A_819 = vector.shape_cast %swap3A_818 : vector<16xi32> to vector<16xi32>
      %swap3A_820 = vector.shape_cast %select_n3A_816 : vector<16xi32> to vector<16xi32>
      tpu.vector_store %arg12[%swap3A_817], %swap3A_820 {strides = array<i32>} : memref<112xi32, #tpu.memory_space<vmem>>, vector<16xi32>,
      %get3A_821 = arith.constant 64 : index
      %get3A_822 = tpu.vector_load %arg8[%get3A_821] {strides = array<i32>} : memref<112xi32, #tpu.memory_space<vmem>>, vector<16xi32>,
      %get3A_823 = vector.shape_cast %get3A_822 : vector<16xi32> to vector<16xi32>
      %sub3A_824 = vector.broadcast %mul3A_7 : i32 to vector<16xi32>
      %sub3A_825 = arith.subi %get3A_823, %sub3A_824 : vector<16xi32>
      %lt3A_826 = arith.constant 0 : i32
      %lt3A_827 = vector.broadcast %lt3A_826 : i32 to vector<16xi32>
      %lt3A_828 = arith.cmpi slt, %sub3A_825, %lt3A_827 : vector<16xi32>
      %ge3A_829 = arith.constant 65536 : i32
      %ge3A_830 = vector.broadcast %ge3A_829 : i32 to vector<16xi32>
      %ge3A_831 = arith.cmpi sge, %sub3A_825, %ge3A_830 : vector<16xi32>
      %or3A_832 = arith.ori %lt3A_828, %ge3A_831 : vector<16xi1>
      %add3A_833 = arith.constant 64 : i32
      %add3A_834 = vector.broadcast %add3A_833 : i32 to vector<16xi32>
      %add3A_835 = arith.addi %iota3A, %add3A_834 : vector<16xi32>
      %mul3A_836 = arith.constant 112 : i32
      %mul3A_837 = arith.muli %arg1, %mul3A_836 : i32
      %add3A_838 = vector.broadcast %mul3A_837 : i32 to vector<16xi32>
      %add3A_839 = arith.addi %add3A_835, %add3A_838 : vector<16xi32>
      %and3A_840 = arith.constant 1023 : i32
      %and3A_841 = vector.broadcast %and3A_840 : i32 to vector<16xi32>
      %and3A_842 = arith.andi %add3A_839, %and3A_841 : vector<16xi32>
      %add3A_843 = arith.constant 65536 : i32
      %add3A_844 = vector.broadcast %add3A_843 : i32 to vector<16xi32>
      %add3A_845 = arith.addi %add3A_844, %and3A_842 : vector<16xi32>
      %select_n3A_846 = arith.select %or3A_832, %add3A_845, %sub3A_825 : vector<16xi1>, vector<16xi32>
      %swap3A_847 = arith.constant 64 : index
      %swap3A_848 = tpu.vector_load %arg12[%swap3A_847] {strides = array<i32>} : memref<112xi32, #tpu.memory_space<vmem>>, vector<16xi32>,
      %swap3A_849 = vector.shape_cast %swap3A_848 : vector<16xi32> to vector<16xi32>
      %swap3A_850 = vector.shape_cast %select_n3A_846 : vector<16xi32> to vector<16xi32>
      tpu.vector_store %arg12[%swap3A_847], %swap3A_850 {strides = array<i32>} : memref<112xi32, #tpu.memory_space<vmem>>, vector<16xi32>,
      %get3A_851 = arith.constant 80 : index
      %get3A_852 = tpu.vector_load %arg8[%get3A_851] {strides = array<i32>} : memref<112xi32, #tpu.memory_space<vmem>>, vector<16xi32>,
      %get3A_853 = vector.shape_cast %get3A_852 : vector<16xi32> to vector<16xi32>
      %sub3A_854 = vector.broadcast %mul3A_7 : i32 to vector<16xi32>
      %sub3A_855 = arith.subi %get3A_853, %sub3A_854 : vector<16xi32>
      %lt3A_856 = arith.constant 0 : i32
      %lt3A_857 = vector.broadcast %lt3A_856 : i32 to vector<16xi32>
      %lt3A_858 = arith.cmpi slt, %sub3A_855, %lt3A_857 : vector<16xi32>
      %ge3A_859 = arith.constant 65536 : i32
      %ge3A_860 = vector.broadcast %ge3A_859 : i32 to vector<16xi32>
      %ge3A_861 = arith.cmpi sge, %sub3A_855, %ge3A_860 : vector<16xi32>
      %or3A_862 = arith.ori %lt3A_858, %ge3A_861 : vector<16xi1>
      %add3A_863 = arith.constant 80 : i32
      %add3A_864 = vector.broadcast %add3A_863 : i32 to vector<16xi32>
      %add3A_865 = arith.addi %iota3A, %add3A_864 : vector<16xi32>
      %mul3A_866 = arith.constant 112 : i32
      %mul3A_867 = arith.muli %arg1, %mul3A_866 : i32
      %add3A_868 = vector.broadcast %mul3A_867 : i32 to vector<16xi32>
      %add3A_869 = arith.addi %add3A_865, %add3A_868 : vector<16xi32>
      %and3A_870 = arith.constant 1023 : i32
      %and3A_871 = vector.broadcast %and3A_870 : i32 to vector<16xi32>
      %and3A_872 = arith.andi %add3A_869, %and3A_871 : vector<16xi32>
      %add3A_873 = arith.constant 65536 : i32
      %add3A_874 = vector.broadcast %add3A_873 : i32 to vector<16xi32>
      %add3A_875 = arith.addi %add3A_874, %and3A_872 : vector<16xi32>
      %select_n3A_876 = arith.select %or3A_862, %add3A_875, %sub3A_855 : vector<16xi1>, vector<16xi32>
      %swap3A_877 = arith.constant 80 : index
      %swap3A_878 = tpu.vector_load %arg12[%swap3A_877] {strides = array<i32>} : memref<112xi32, #tpu.memory_space<vmem>>, vector<16xi32>,
      %swap3A_879 = vector.shape_cast %swap3A_878 : vector<16xi32> to vector<16xi32>
      %swap3A_880 = vector.shape_cast %select_n3A_876 : vector<16xi32> to vector<16xi32>
      tpu.vector_store %arg12[%swap3A_877], %swap3A_880 {strides = array<i32>} : memref<112xi32, #tpu.memory_space<vmem>>, vector<16xi32>,
      %get3A_881 = arith.constant 96 : index
      %get3A_882 = tpu.vector_load %arg8[%get3A_881] {strides = array<i32>} : memref<112xi32, #tpu.memory_space<vmem>>, vector<16xi32>,
      %get3A_883 = vector.shape_cast %get3A_882 : vector<16xi32> to vector<16xi32>
      %sub3A_884 = vector.broadcast %mul3A_7 : i32 to vector<16xi32>
      %sub3A_885 = arith.subi %get3A_883, %sub3A_884 : vector<16xi32>
      %lt3A_886 = arith.constant 0 : i32
      %lt3A_887 = vector.broadcast %lt3A_886 : i32 to vector<16xi32>
      %lt3A_888 = arith.cmpi slt, %sub3A_885, %lt3A_887 : vector<16xi32>
      %ge3A_889 = arith.constant 65536 : i32
      %ge3A_890 = vector.broadcast %ge3A_889 : i32 to vector<16xi32>
      %ge3A_891 = arith.cmpi sge, %sub3A_885, %ge3A_890 : vector<16xi32>
      %or3A_892 = arith.ori %lt3A_888, %ge3A_891 : vector<16xi1>
      %add3A_893 = arith.constant 96 : i32
      %add3A_894 = vector.broadcast %add3A_893 : i32 to vector<16xi32>
      %add3A_895 = arith.addi %iota3A, %add3A_894 : vector<16xi32>
      %mul3A_896 = arith.constant 112 : i32
      %mul3A_897 = arith.muli %arg1, %mul3A_896 : i32
      %add3A_898 = vector.broadcast %mul3A_897 : i32 to vector<16xi32>
      %add3A_899 = arith.addi %add3A_895, %add3A_898 : vector<16xi32>
      %and3A_900 = arith.constant 1023 : i32
      %and3A_901 = vector.broadcast %and3A_900 : i32 to vector<16xi32>
      %and3A_902 = arith.andi %add3A_899, %and3A_901 : vector<16xi32>
      %add3A_903 = arith.constant 65536 : i32
      %add3A_904 = vector.broadcast %add3A_903 : i32 to vector<16xi32>
      %add3A_905 = arith.addi %add3A_904, %and3A_902 : vector<16xi32>
      %select_n3A_906 = arith.select %or3A_892, %add3A_905, %sub3A_885 : vector<16xi1>, vector<16xi32>
      %swap3A_907 = arith.constant 96 : index
      %swap3A_908 = tpu.vector_load %arg12[%swap3A_907] {strides = array<i32>} : memref<112xi32, #tpu.memory_space<vmem>>, vector<16xi32>,
      %swap3A_909 = vector.shape_cast %swap3A_908 : vector<16xi32> to vector<16xi32>
      %swap3A_910 = vector.shape_cast %select_n3A_906 : vector<16xi32> to vector<16xi32>
      tpu.vector_store %arg12[%swap3A_907], %swap3A_910 {strides = array<i32>} : memref<112xi32, #tpu.memory_space<vmem>>, vector<16xi32>,
      %dma_start3A_911 = arith.constant 0 : i32
      %dma_start3A_912 = arith.constant 0 : i32
      %dma_start3A_913 = tpu.memref_slice %arg5[%dma_start3A_911, %dma_start3A_912] : memref<66560x32xbf16, #tpu.memory_space<vmem_shared>> -> memref<66560x32xbf16, #tpu.memory_space<vmem_shared>>
      tpu.enqueue_indirect_dma source(%arg16 : memref<112x32xbf16, #tpu.memory_space<vmem>>) target(%dma_start3A_913 : memref<66560x32xbf16, #tpu.memory_space<vmem_shared>>) offsets(%arg12 : memref<112xi32, #tpu.memory_space<vmem>>) semaphore(%arg29 : memref<!tpu.dma_semaphore, #tpu.memory_space<semaphore_mem>>) {add = true}
      %dma_wait3A_914 = arith.constant 0 : i32
      %dma_wait3A_915 = tpu.memref_slice %arg3[%dma_wait3A_914] : memref<100352xi32, #tpu.memory_space<hbm>> -> memref<112xi32, #tpu.memory_space<hbm>>
      %dma_wait3A_916 = arith.constant 0 : i32
      %dma_wait3A_917 = tpu.memref_slice %arg3[%dma_wait3A_916] : memref<100352xi32, #tpu.memory_space<hbm>> -> memref<112xi32, #tpu.memory_space<hbm>>
      tpu.wait_dma2 semaphore(%arg22 : memref<!tpu.dma_semaphore, #tpu.memory_space<semaphore_mem>>) src(%dma_wait3A_917 : memref<112xi32, #tpu.memory_space<hbm>>) dst(%arg9 : memref<112xi32, #tpu.memory_space<vmem>>)
      %dma_wait3A_918 = arith.constant 0 : i32
      %dma_wait3A_919 = arith.constant 0 : i32
      %dma_wait3A_920 = tpu.memref_slice %arg2[%dma_wait3A_918, %dma_wait3A_919] : memref<100352x32xbf16, #tpu.memory_space<hbm>> -> memref<112x32xbf16, #tpu.memory_space<hbm>>
      %dma_wait3A_921 = arith.constant 0 : i32
      %dma_wait3A_922 = arith.constant 0 : i32
      %dma_wait3A_923 = tpu.memref_slice %arg2[%dma_wait3A_921, %dma_wait3A_922] : memref<100352x32xbf16, #tpu.memory_space<hbm>> -> memref<112x32xbf16, #tpu.memory_space<hbm>>
      tpu.wait_dma2 semaphore(%arg26 : memref<!tpu.dma_semaphore, #tpu.memory_space<semaphore_mem>>) src(%dma_wait3A_923 : memref<112x32xbf16, #tpu.memory_space<hbm>>) dst(%arg17 : memref<112x32xbf16, #tpu.memory_space<vmem>>)
      %get3A_924 = arith.constant 0 : index
      %get3A_925 = tpu.vector_load %arg9[%get3A_924] {strides = array<i32>} : memref<112xi32, #tpu.memory_space<vmem>>, vector<16xi32>,
      %get3A_926 = vector.shape_cast %get3A_925 : vector<16xi32> to vector<16xi32>
      %sub3A_927 = vector.broadcast %mul3A_7 : i32 to vector<16xi32>
      %sub3A_928 = arith.subi %get3A_926, %sub3A_927 : vector<16xi32>
      %lt3A_929 = arith.constant 0 : i32
      %lt3A_930 = vector.broadcast %lt3A_929 : i32 to vector<16xi32>
      %lt3A_931 = arith.cmpi slt, %sub3A_928, %lt3A_930 : vector<16xi32>
      %ge3A_932 = arith.constant 65536 : i32
      %ge3A_933 = vector.broadcast %ge3A_932 : i32 to vector<16xi32>
      %ge3A_934 = arith.cmpi sge, %sub3A_928, %ge3A_933 : vector<16xi32>
      %or3A_935 = arith.ori %lt3A_931, %ge3A_934 : vector<16xi1>
      %add3A_936 = arith.constant 0 : i32
      %add3A_937 = vector.broadcast %add3A_936 : i32 to vector<16xi32>
      %add3A_938 = arith.addi %iota3A, %add3A_937 : vector<16xi32>
      %mul3A_939 = arith.constant 112 : i32
      %mul3A_940 = arith.muli %arg1, %mul3A_939 : i32
      %add3A_941 = vector.broadcast %mul3A_940 : i32 to vector<16xi32>
      %add3A_942 = arith.addi %add3A_938, %add3A_941 : vector<16xi32>
      %and3A_943 = arith.constant 1023 : i32
      %and3A_944 = vector.broadcast %and3A_943 : i32 to vector<16xi32>
      %and3A_945 = arith.andi %add3A_942, %and3A_944 : vector<16xi32>
      %add3A_946 = arith.constant 65536 : i32
      %add3A_947 = vector.broadcast %add3A_946 : i32 to vector<16xi32>
      %add3A_948 = arith.addi %add3A_947, %and3A_945 : vector<16xi32>
      %select_n3A_949 = arith.select %or3A_935, %add3A_948, %sub3A_928 : vector<16xi1>, vector<16xi32>
      %swap3A_950 = arith.constant 0 : index
      %swap3A_951 = tpu.vector_load %arg13[%swap3A_950] {strides = array<i32>} : memref<112xi32, #tpu.memory_space<vmem>>, vector<16xi32>,
      %swap3A_952 = vector.shape_cast %swap3A_951 : vector<16xi32> to vector<16xi32>
      %swap3A_953 = vector.shape_cast %select_n3A_949 : vector<16xi32> to vector<16xi32>
      tpu.vector_store %arg13[%swap3A_950], %swap3A_953 {strides = array<i32>} : memref<112xi32, #tpu.memory_space<vmem>>, vector<16xi32>,
      %get3A_954 = arith.constant 16 : index
      %get3A_955 = tpu.vector_load %arg9[%get3A_954] {strides = array<i32>} : memref<112xi32, #tpu.memory_space<vmem>>, vector<16xi32>,
      %get3A_956 = vector.shape_cast %get3A_955 : vector<16xi32> to vector<16xi32>
      %sub3A_957 = vector.broadcast %mul3A_7 : i32 to vector<16xi32>
      %sub3A_958 = arith.subi %get3A_956, %sub3A_957 : vector<16xi32>
      %lt3A_959 = arith.constant 0 : i32
      %lt3A_960 = vector.broadcast %lt3A_959 : i32 to vector<16xi32>
      %lt3A_961 = arith.cmpi slt, %sub3A_958, %lt3A_960 : vector<16xi32>
      %ge3A_962 = arith.constant 65536 : i32
      %ge3A_963 = vector.broadcast %ge3A_962 : i32 to vector<16xi32>
      %ge3A_964 = arith.cmpi sge, %sub3A_958, %ge3A_963 : vector<16xi32>
      %or3A_965 = arith.ori %lt3A_961, %ge3A_964 : vector<16xi1>
      %add3A_966 = arith.constant 16 : i32
      %add3A_967 = vector.broadcast %add3A_966 : i32 to vector<16xi32>
      %add3A_968 = arith.addi %iota3A, %add3A_967 : vector<16xi32>
      %mul3A_969 = arith.constant 112 : i32
      %mul3A_970 = arith.muli %arg1, %mul3A_969 : i32
      %add3A_971 = vector.broadcast %mul3A_970 : i32 to vector<16xi32>
      %add3A_972 = arith.addi %add3A_968, %add3A_971 : vector<16xi32>
      %and3A_973 = arith.constant 1023 : i32
      %and3A_974 = vector.broadcast %and3A_973 : i32 to vector<16xi32>
      %and3A_975 = arith.andi %add3A_972, %and3A_974 : vector<16xi32>
      %add3A_976 = arith.constant 65536 : i32
      %add3A_977 = vector.broadcast %add3A_976 : i32 to vector<16xi32>
      %add3A_978 = arith.addi %add3A_977, %and3A_975 : vector<16xi32>
      %select_n3A_979 = arith.select %or3A_965, %add3A_978, %sub3A_958 : vector<16xi1>, vector<16xi32>
      %swap3A_980 = arith.constant 16 : index
      %swap3A_981 = tpu.vector_load %arg13[%swap3A_980] {strides = array<i32>} : memref<112xi32, #tpu.memory_space<vmem>>, vector<16xi32>,
      %swap3A_982 = vector.shape_cast %swap3A_981 : vector<16xi32> to vector<16xi32>
      %swap3A_983 = vector.shape_cast %select_n3A_979 : vector<16xi32> to vector<16xi32>
      tpu.vector_store %arg13[%swap3A_980], %swap3A_983 {strides = array<i32>} : memref<112xi32, #tpu.memory_space<vmem>>, vector<16xi32>,
      %get3A_984 = arith.constant 32 : index
      %get3A_985 = tpu.vector_load %arg9[%get3A_984] {strides = array<i32>} : memref<112xi32, #tpu.memory_space<vmem>>, vector<16xi32>,
      %get3A_986 = vector.shape_cast %get3A_985 : vector<16xi32> to vector<16xi32>
      %sub3A_987 = vector.broadcast %mul3A_7 : i32 to vector<16xi32>
      %sub3A_988 = arith.subi %get3A_986, %sub3A_987 : vector<16xi32>
      %lt3A_989 = arith.constant 0 : i32
      %lt3A_990 = vector.broadcast %lt3A_989 : i32 to vector<16xi32>
      %lt3A_991 = arith.cmpi slt, %sub3A_988, %lt3A_990 : vector<16xi32>
      %ge3A_992 = arith.constant 65536 : i32
      %ge3A_993 = vector.broadcast %ge3A_992 : i32 to vector<16xi32>
      %ge3A_994 = arith.cmpi sge, %sub3A_988, %ge3A_993 : vector<16xi32>
      %or3A_995 = arith.ori %lt3A_991, %ge3A_994 : vector<16xi1>
      %add3A_996 = arith.constant 32 : i32
      %add3A_997 = vector.broadcast %add3A_996 : i32 to vector<16xi32>
      %add3A_998 = arith.addi %iota3A, %add3A_997 : vector<16xi32>
      %mul3A_999 = arith.constant 112 : i32
      %mul3A_1000 = arith.muli %arg1, %mul3A_999 : i32
      %add3A_1001 = vector.broadcast %mul3A_1000 : i32 to vector<16xi32>
      %add3A_1002 = arith.addi %add3A_998, %add3A_1001 : vector<16xi32>
      %and3A_1003 = arith.constant 1023 : i32
      %and3A_1004 = vector.broadcast %and3A_1003 : i32 to vector<16xi32>
      %and3A_1005 = arith.andi %add3A_1002, %and3A_1004 : vector<16xi32>
      %add3A_1006 = arith.constant 65536 : i32
      %add3A_1007 = vector.broadcast %add3A_1006 : i32 to vector<16xi32>
      %add3A_1008 = arith.addi %add3A_1007, %and3A_1005 : vector<16xi32>
      %select_n3A_1009 = arith.select %or3A_995, %add3A_1008, %sub3A_988 : vector<16xi1>, vector<16xi32>
      %swap3A_1010 = arith.constant 32 : index
      %swap3A_1011 = tpu.vector_load %arg13[%swap3A_1010] {strides = array<i32>} : memref<112xi32, #tpu.memory_space<vmem>>, vector<16xi32>,
      %swap3A_1012 = vector.shape_cast %swap3A_1011 : vector<16xi32> to vector<16xi32>
      %swap3A_1013 = vector.shape_cast %select_n3A_1009 : vector<16xi32> to vector<16xi32>
      tpu.vector_store %arg13[%swap3A_1010], %swap3A_1013 {strides = array<i32>} : memref<112xi32, #tpu.memory_space<vmem>>, vector<16xi32>,
      %get3A_1014 = arith.constant 48 : index
      %get3A_1015 = tpu.vector_load %arg9[%get3A_1014] {strides = array<i32>} : memref<112xi32, #tpu.memory_space<vmem>>, vector<16xi32>,
      %get3A_1016 = vector.shape_cast %get3A_1015 : vector<16xi32> to vector<16xi32>
      %sub3A_1017 = vector.broadcast %mul3A_7 : i32 to vector<16xi32>
      %sub3A_1018 = arith.subi %get3A_1016, %sub3A_1017 : vector<16xi32>
      %lt3A_1019 = arith.constant 0 : i32
      %lt3A_1020 = vector.broadcast %lt3A_1019 : i32 to vector<16xi32>
      %lt3A_1021 = arith.cmpi slt, %sub3A_1018, %lt3A_1020 : vector<16xi32>
      %ge3A_1022 = arith.constant 65536 : i32
      %ge3A_1023 = vector.broadcast %ge3A_1022 : i32 to vector<16xi32>
      %ge3A_1024 = arith.cmpi sge, %sub3A_1018, %ge3A_1023 : vector<16xi32>
      %or3A_1025 = arith.ori %lt3A_1021, %ge3A_1024 : vector<16xi1>
      %add3A_1026 = arith.constant 48 : i32
      %add3A_1027 = vector.broadcast %add3A_1026 : i32 to vector<16xi32>
      %add3A_1028 = arith.addi %iota3A, %add3A_1027 : vector<16xi32>
      %mul3A_1029 = arith.constant 112 : i32
      %mul3A_1030 = arith.muli %arg1, %mul3A_1029 : i32
      %add3A_1031 = vector.broadcast %mul3A_1030 : i32 to vector<16xi32>
      %add3A_1032 = arith.addi %add3A_1028, %add3A_1031 : vector<16xi32>
      %and3A_1033 = arith.constant 1023 : i32
      %and3A_1034 = vector.broadcast %and3A_1033 : i32 to vector<16xi32>
      %and3A_1035 = arith.andi %add3A_1032, %and3A_1034 : vector<16xi32>
      %add3A_1036 = arith.constant 65536 : i32
      %add3A_1037 = vector.broadcast %add3A_1036 : i32 to vector<16xi32>
      %add3A_1038 = arith.addi %add3A_1037, %and3A_1035 : vector<16xi32>
      %select_n3A_1039 = arith.select %or3A_1025, %add3A_1038, %sub3A_1018 : vector<16xi1>, vector<16xi32>
      %swap3A_1040 = arith.constant 48 : index
      %swap3A_1041 = tpu.vector_load %arg13[%swap3A_1040] {strides = array<i32>} : memref<112xi32, #tpu.memory_space<vmem>>, vector<16xi32>,
      %swap3A_1042 = vector.shape_cast %swap3A_1041 : vector<16xi32> to vector<16xi32>
      %swap3A_1043 = vector.shape_cast %select_n3A_1039 : vector<16xi32> to vector<16xi32>
      tpu.vector_store %arg13[%swap3A_1040], %swap3A_1043 {strides = array<i32>} : memref<112xi32, #tpu.memory_space<vmem>>, vector<16xi32>,
      %get3A_1044 = arith.constant 64 : index
      %get3A_1045 = tpu.vector_load %arg9[%get3A_1044] {strides = array<i32>} : memref<112xi32, #tpu.memory_space<vmem>>, vector<16xi32>,
      %get3A_1046 = vector.shape_cast %get3A_1045 : vector<16xi32> to vector<16xi32>
      %sub3A_1047 = vector.broadcast %mul3A_7 : i32 to vector<16xi32>
      %sub3A_1048 = arith.subi %get3A_1046, %sub3A_1047 : vector<16xi32>
      %lt3A_1049 = arith.constant 0 : i32
      %lt3A_1050 = vector.broadcast %lt3A_1049 : i32 to vector<16xi32>
      %lt3A_1051 = arith.cmpi slt, %sub3A_1048, %lt3A_1050 : vector<16xi32>
      %ge3A_1052 = arith.constant 65536 : i32
      %ge3A_1053 = vector.broadcast %ge3A_1052 : i32 to vector<16xi32>
      %ge3A_1054 = arith.cmpi sge, %sub3A_1048, %ge3A_1053 : vector<16xi32>
      %or3A_1055 = arith.ori %lt3A_1051, %ge3A_1054 : vector<16xi1>
      %add3A_1056 = arith.constant 64 : i32
      %add3A_1057 = vector.broadcast %add3A_1056 : i32 to vector<16xi32>
      %add3A_1058 = arith.addi %iota3A, %add3A_1057 : vector<16xi32>
      %mul3A_1059 = arith.constant 112 : i32
      %mul3A_1060 = arith.muli %arg1, %mul3A_1059 : i32
      %add3A_1061 = vector.broadcast %mul3A_1060 : i32 to vector<16xi32>
      %add3A_1062 = arith.addi %add3A_1058, %add3A_1061 : vector<16xi32>
      %and3A_1063 = arith.constant 1023 : i32
      %and3A_1064 = vector.broadcast %and3A_1063 : i32 to vector<16xi32>
      %and3A_1065 = arith.andi %add3A_1062, %and3A_1064 : vector<16xi32>
      %add3A_1066 = arith.constant 65536 : i32
      %add3A_1067 = vector.broadcast %add3A_1066 : i32 to vector<16xi32>
      %add3A_1068 = arith.addi %add3A_1067, %and3A_1065 : vector<16xi32>
      %select_n3A_1069 = arith.select %or3A_1055, %add3A_1068, %sub3A_1048 : vector<16xi1>, vector<16xi32>
      %swap3A_1070 = arith.constant 64 : index
      %swap3A_1071 = tpu.vector_load %arg13[%swap3A_1070] {strides = array<i32>} : memref<112xi32, #tpu.memory_space<vmem>>, vector<16xi32>,
      %swap3A_1072 = vector.shape_cast %swap3A_1071 : vector<16xi32> to vector<16xi32>
      %swap3A_1073 = vector.shape_cast %select_n3A_1069 : vector<16xi32> to vector<16xi32>
      tpu.vector_store %arg13[%swap3A_1070], %swap3A_1073 {strides = array<i32>} : memref<112xi32, #tpu.memory_space<vmem>>, vector<16xi32>,
      %get3A_1074 = arith.constant 80 : index
      %get3A_1075 = tpu.vector_load %arg9[%get3A_1074] {strides = array<i32>} : memref<112xi32, #tpu.memory_space<vmem>>, vector<16xi32>,
      %get3A_1076 = vector.shape_cast %get3A_1075 : vector<16xi32> to vector<16xi32>
      %sub3A_1077 = vector.broadcast %mul3A_7 : i32 to vector<16xi32>
      %sub3A_1078 = arith.subi %get3A_1076, %sub3A_1077 : vector<16xi32>
      %lt3A_1079 = arith.constant 0 : i32
      %lt3A_1080 = vector.broadcast %lt3A_1079 : i32 to vector<16xi32>
      %lt3A_1081 = arith.cmpi slt, %sub3A_1078, %lt3A_1080 : vector<16xi32>
      %ge3A_1082 = arith.constant 65536 : i32
      %ge3A_1083 = vector.broadcast %ge3A_1082 : i32 to vector<16xi32>
      %ge3A_1084 = arith.cmpi sge, %sub3A_1078, %ge3A_1083 : vector<16xi32>
      %or3A_1085 = arith.ori %lt3A_1081, %ge3A_1084 : vector<16xi1>
      %add3A_1086 = arith.constant 80 : i32
      %add3A_1087 = vector.broadcast %add3A_1086 : i32 to vector<16xi32>
      %add3A_1088 = arith.addi %iota3A, %add3A_1087 : vector<16xi32>
      %mul3A_1089 = arith.constant 112 : i32
      %mul3A_1090 = arith.muli %arg1, %mul3A_1089 : i32
      %add3A_1091 = vector.broadcast %mul3A_1090 : i32 to vector<16xi32>
      %add3A_1092 = arith.addi %add3A_1088, %add3A_1091 : vector<16xi32>
      %and3A_1093 = arith.constant 1023 : i32
      %and3A_1094 = vector.broadcast %and3A_1093 : i32 to vector<16xi32>
      %and3A_1095 = arith.andi %add3A_1092, %and3A_1094 : vector<16xi32>
      %add3A_1096 = arith.constant 65536 : i32
      %add3A_1097 = vector.broadcast %add3A_1096 : i32 to vector<16xi32>
      %add3A_1098 = arith.addi %add3A_1097, %and3A_1095 : vector<16xi32>
      %select_n3A_1099 = arith.select %or3A_1085, %add3A_1098, %sub3A_1078 : vector<16xi1>, vector<16xi32>
      %swap3A_1100 = arith.constant 80 : index
      %swap3A_1101 = tpu.vector_load %arg13[%swap3A_1100] {strides = array<i32>} : memref<112xi32, #tpu.memory_space<vmem>>, vector<16xi32>,
      %swap3A_1102 = vector.shape_cast %swap3A_1101 : vector<16xi32> to vector<16xi32>
      %swap3A_1103 = vector.shape_cast %select_n3A_1099 : vector<16xi32> to vector<16xi32>
      tpu.vector_store %arg13[%swap3A_1100], %swap3A_1103 {strides = array<i32>} : memref<112xi32, #tpu.memory_space<vmem>>, vector<16xi32>,
      %get3A_1104 = arith.constant 96 : index
      %get3A_1105 = tpu.vector_load %arg9[%get3A_1104] {strides = array<i32>} : memref<112xi32, #tpu.memory_space<vmem>>, vector<16xi32>,
      %get3A_1106 = vector.shape_cast %get3A_1105 : vector<16xi32> to vector<16xi32>
      %sub3A_1107 = vector.broadcast %mul3A_7 : i32 to vector<16xi32>
      %sub3A_1108 = arith.subi %get3A_1106, %sub3A_1107 : vector<16xi32>
      %lt3A_1109 = arith.constant 0 : i32
      %lt3A_1110 = vector.broadcast %lt3A_1109 : i32 to vector<16xi32>
      %lt3A_1111 = arith.cmpi slt, %sub3A_1108, %lt3A_1110 : vector<16xi32>
      %ge3A_1112 = arith.constant 65536 : i32
      %ge3A_1113 = vector.broadcast %ge3A_1112 : i32 to vector<16xi32>
      %ge3A_1114 = arith.cmpi sge, %sub3A_1108, %ge3A_1113 : vector<16xi32>
      %or3A_1115 = arith.ori %lt3A_1111, %ge3A_1114 : vector<16xi1>
      %add3A_1116 = arith.constant 96 : i32
      %add3A_1117 = vector.broadcast %add3A_1116 : i32 to vector<16xi32>
      %add3A_1118 = arith.addi %iota3A, %add3A_1117 : vector<16xi32>
      %mul3A_1119 = arith.constant 112 : i32
      %mul3A_1120 = arith.muli %arg1, %mul3A_1119 : i32
      %add3A_1121 = vector.broadcast %mul3A_1120 : i32 to vector<16xi32>
      %add3A_1122 = arith.addi %add3A_1118, %add3A_1121 : vector<16xi32>
      %and3A_1123 = arith.constant 1023 : i32
      %and3A_1124 = vector.broadcast %and3A_1123 : i32 to vector<16xi32>
      %and3A_1125 = arith.andi %add3A_1122, %and3A_1124 : vector<16xi32>
      %add3A_1126 = arith.constant 65536 : i32
      %add3A_1127 = vector.broadcast %add3A_1126 : i32 to vector<16xi32>
      %add3A_1128 = arith.addi %add3A_1127, %and3A_1125 : vector<16xi32>
      %select_n3A_1129 = arith.select %or3A_1115, %add3A_1128, %sub3A_1108 : vector<16xi1>, vector<16xi32>
      %swap3A_1130 = arith.constant 96 : index
      %swap3A_1131 = tpu.vector_load %arg13[%swap3A_1130] {strides = array<i32>} : memref<112xi32, #tpu.memory_space<vmem>>, vector<16xi32>,
      %swap3A_1132 = vector.shape_cast %swap3A_1131 : vector<16xi32> to vector<16xi32>
      %swap3A_1133 = vector.shape_cast %select_n3A_1129 : vector<16xi32> to vector<16xi32>
      tpu.vector_store %arg13[%swap3A_1130], %swap3A_1133 {strides = array<i32>} : memref<112xi32, #tpu.memory_space<vmem>>, vector<16xi32>,
      %dma_start3A_1134 = arith.constant 0 : i32
      %dma_start3A_1135 = arith.constant 0 : i32
      %dma_start3A_1136 = tpu.memref_slice %arg5[%dma_start3A_1134, %dma_start3A_1135] : memref<66560x32xbf16, #tpu.memory_space<vmem_shared>> -> memref<66560x32xbf16, #tpu.memory_space<vmem_shared>>
      tpu.enqueue_indirect_dma source(%arg17 : memref<112x32xbf16, #tpu.memory_space<vmem>>) target(%dma_start3A_1136 : memref<66560x32xbf16, #tpu.memory_space<vmem_shared>>) offsets(%arg13 : memref<112xi32, #tpu.memory_space<vmem>>) semaphore(%arg30 : memref<!tpu.dma_semaphore, #tpu.memory_space<semaphore_mem>>) {add = true}
      %dma_wait3A_1137 = arith.constant 0 : i32
      %dma_wait3A_1138 = arith.constant 0 : i32
      %dma_wait3A_1139 = tpu.memref_slice %arg5[%dma_wait3A_1137, %dma_wait3A_1138] : memref<66560x32xbf16, #tpu.memory_space<vmem_shared>> -> memref<66560x32xbf16, #tpu.memory_space<vmem_shared>>
      tpu.wait_indirect_dma semaphore(%arg27 : memref<!tpu.dma_semaphore, #tpu.memory_space<semaphore_mem>>) src(%arg14 : memref<112x32xbf16, #tpu.memory_space<vmem>>) dst(%dma_wait3A_1139 : memref<66560x32xbf16, #tpu.memory_space<vmem_shared>>)
      %lt3A_1140 = arith.constant 13 : i32
      %lt3A_1141 = arith.cmpi slt, %scan3A_253, %lt3A_1140 : i32
      %convert_element_type3A = arith.extui %lt3A_1141 : i1 to i32
      %cond3A = arith.constant 0 : i32
      %cond3A_1142 = arith.cmpi ne, %convert_element_type3A, %cond3A : i32
      scf.if %cond3A_1142 {
        %add3A_1167 = arith.constant 1 : i32
        %add3A_1168 = arith.addi %scan3A_253, %add3A_1167 : i32
        %mul3A_1169 = arith.constant 4 : i32
        %mul3A_1170 = arith.muli %mul3A_1169, %add3A_1168 : i32
        %add3A_1171 = arith.constant 0 : i32
        %add3A_1172 = arith.addi %mul3A_1170, %add3A_1171 : i32
        %mul3A_1173 = arith.constant 6272 : i32
        %mul3A_1174 = arith.muli %arg1, %mul3A_1173 : i32
        %mul3A_1175 = arith.constant 112 : i32
        %mul3A_1176 = arith.muli %add3A_1172, %mul3A_1175 : i32
        %add3A_1177 = arith.addi %mul3A_1174, %mul3A_1176 : i32
        %multiple_of3A_1178 = tpu.assume_multiple %add3A_1177, 112 : i32
        %dma_start3A_1179 = tpu.memref_slice %arg3[%multiple_of3A_1178] : memref<100352xi32, #tpu.memory_space<hbm>> -> memref<112xi32, #tpu.memory_space<hbm>>
        %dma_start3A_1180 = tpu.memref_slice %arg3[%multiple_of3A_1178] : memref<100352xi32, #tpu.memory_space<hbm>> -> memref<112xi32, #tpu.memory_space<hbm>>
        tpu.enqueue_dma source(%dma_start3A_1180 : memref<112xi32, #tpu.memory_space<hbm>>) target(%arg6 : memref<112xi32, #tpu.memory_space<vmem>>) target_semaphore(%arg19 : memref<!tpu.dma_semaphore, #tpu.memory_space<semaphore_mem>>)
        %dma_start3A_1181 = arith.constant 0 : i32
        %dma_start3A_1182 = tpu.memref_slice %arg2[%multiple_of3A_1178, %dma_start3A_1181] : memref<100352x32xbf16, #tpu.memory_space<hbm>> -> memref<112x32xbf16, #tpu.memory_space<hbm>>
        %dma_start3A_1183 = arith.constant 0 : i32
        %dma_start3A_1184 = tpu.memref_slice %arg2[%multiple_of3A_1178, %dma_start3A_1183] : memref<100352x32xbf16, #tpu.memory_space<hbm>> -> memref<112x32xbf16, #tpu.memory_space<hbm>>
        tpu.enqueue_dma source(%dma_start3A_1184 : memref<112x32xbf16, #tpu.memory_space<hbm>>) target(%arg14 : memref<112x32xbf16, #tpu.memory_space<vmem>>) target_semaphore(%arg23 : memref<!tpu.dma_semaphore, #tpu.memory_space<semaphore_mem>>)
      } else {
      }
      %dma_wait3A_1143 = arith.constant 0 : i32
      %dma_wait3A_1144 = arith.constant 0 : i32
      %dma_wait3A_1145 = tpu.memref_slice %arg5[%dma_wait3A_1143, %dma_wait3A_1144] : memref<66560x32xbf16, #tpu.memory_space<vmem_shared>> -> memref<66560x32xbf16, #tpu.memory_space<vmem_shared>>
      tpu.wait_indirect_dma semaphore(%arg28 : memref<!tpu.dma_semaphore, #tpu.memory_space<semaphore_mem>>) src(%arg15 : memref<112x32xbf16, #tpu.memory_space<vmem>>) dst(%dma_wait3A_1145 : memref<66560x32xbf16, #tpu.memory_space<vmem_shared>>)
      %lt3A_1146 = arith.constant 13 : i32
      %lt3A_1147 = arith.cmpi slt, %scan3A_253, %lt3A_1146 : i32
      %convert_element_type3A_1148 = arith.extui %lt3A_1147 : i1 to i32
      %cond3A_1149 = arith.constant 0 : i32
      %cond3A_1150 = arith.cmpi ne, %convert_element_type3A_1148, %cond3A_1149 : i32
      scf.if %cond3A_1150 {
        %add3A_1167 = arith.constant 1 : i32
        %add3A_1168 = arith.addi %scan3A_253, %add3A_1167 : i32
        %mul3A_1169 = arith.constant 4 : i32
        %mul3A_1170 = arith.muli %mul3A_1169, %add3A_1168 : i32
        %add3A_1171 = arith.constant 1 : i32
        %add3A_1172 = arith.addi %mul3A_1170, %add3A_1171 : i32
        %mul3A_1173 = arith.constant 6272 : i32
        %mul3A_1174 = arith.muli %arg1, %mul3A_1173 : i32
        %mul3A_1175 = arith.constant 112 : i32
        %mul3A_1176 = arith.muli %add3A_1172, %mul3A_1175 : i32
        %add3A_1177 = arith.addi %mul3A_1174, %mul3A_1176 : i32
        %multiple_of3A_1178 = tpu.assume_multiple %add3A_1177, 112 : i32
        %dma_start3A_1179 = tpu.memref_slice %arg3[%multiple_of3A_1178] : memref<100352xi32, #tpu.memory_space<hbm>> -> memref<112xi32, #tpu.memory_space<hbm>>
        %dma_start3A_1180 = tpu.memref_slice %arg3[%multiple_of3A_1178] : memref<100352xi32, #tpu.memory_space<hbm>> -> memref<112xi32, #tpu.memory_space<hbm>>
        tpu.enqueue_dma source(%dma_start3A_1180 : memref<112xi32, #tpu.memory_space<hbm>>) target(%arg7 : memref<112xi32, #tpu.memory_space<vmem>>) target_semaphore(%arg20 : memref<!tpu.dma_semaphore, #tpu.memory_space<semaphore_mem>>)
        %dma_start3A_1181 = arith.constant 0 : i32
        %dma_start3A_1182 = tpu.memref_slice %arg2[%multiple_of3A_1178, %dma_start3A_1181] : memref<100352x32xbf16, #tpu.memory_space<hbm>> -> memref<112x32xbf16, #tpu.memory_space<hbm>>
        %dma_start3A_1183 = arith.constant 0 : i32
        %dma_start3A_1184 = tpu.memref_slice %arg2[%multiple_of3A_1178, %dma_start3A_1183] : memref<100352x32xbf16, #tpu.memory_space<hbm>> -> memref<112x32xbf16, #tpu.memory_space<hbm>>
        tpu.enqueue_dma source(%dma_start3A_1184 : memref<112x32xbf16, #tpu.memory_space<hbm>>) target(%arg15 : memref<112x32xbf16, #tpu.memory_space<vmem>>) target_semaphore(%arg24 : memref<!tpu.dma_semaphore, #tpu.memory_space<semaphore_mem>>)
      } else {
      }
      %dma_wait3A_1151 = arith.constant 0 : i32
      %dma_wait3A_1152 = arith.constant 0 : i32
      %dma_wait3A_1153 = tpu.memref_slice %arg5[%dma_wait3A_1151, %dma_wait3A_1152] : memref<66560x32xbf16, #tpu.memory_space<vmem_shared>> -> memref<66560x32xbf16, #tpu.memory_space<vmem_shared>>
      tpu.wait_indirect_dma semaphore(%arg29 : memref<!tpu.dma_semaphore, #tpu.memory_space<semaphore_mem>>) src(%arg16 : memref<112x32xbf16, #tpu.memory_space<vmem>>) dst(%dma_wait3A_1153 : memref<66560x32xbf16, #tpu.memory_space<vmem_shared>>)
      %lt3A_1154 = arith.constant 13 : i32
      %lt3A_1155 = arith.cmpi slt, %scan3A_253, %lt3A_1154 : i32
      %convert_element_type3A_1156 = arith.extui %lt3A_1155 : i1 to i32
      %cond3A_1157 = arith.constant 0 : i32
      %cond3A_1158 = arith.cmpi ne, %convert_element_type3A_1156, %cond3A_1157 : i32
      scf.if %cond3A_1158 {
        %add3A_1167 = arith.constant 1 : i32
        %add3A_1168 = arith.addi %scan3A_253, %add3A_1167 : i32
        %mul3A_1169 = arith.constant 4 : i32
        %mul3A_1170 = arith.muli %mul3A_1169, %add3A_1168 : i32
        %add3A_1171 = arith.constant 2 : i32
        %add3A_1172 = arith.addi %mul3A_1170, %add3A_1171 : i32
        %mul3A_1173 = arith.constant 6272 : i32
        %mul3A_1174 = arith.muli %arg1, %mul3A_1173 : i32
        %mul3A_1175 = arith.constant 112 : i32
        %mul3A_1176 = arith.muli %add3A_1172, %mul3A_1175 : i32
        %add3A_1177 = arith.addi %mul3A_1174, %mul3A_1176 : i32
        %multiple_of3A_1178 = tpu.assume_multiple %add3A_1177, 112 : i32
        %dma_start3A_1179 = tpu.memref_slice %arg3[%multiple_of3A_1178] : memref<100352xi32, #tpu.memory_space<hbm>> -> memref<112xi32, #tpu.memory_space<hbm>>
        %dma_start3A_1180 = tpu.memref_slice %arg3[%multiple_of3A_1178] : memref<100352xi32, #tpu.memory_space<hbm>> -> memref<112xi32, #tpu.memory_space<hbm>>
        tpu.enqueue_dma source(%dma_start3A_1180 : memref<112xi32, #tpu.memory_space<hbm>>) target(%arg8 : memref<112xi32, #tpu.memory_space<vmem>>) target_semaphore(%arg21 : memref<!tpu.dma_semaphore, #tpu.memory_space<semaphore_mem>>)
        %dma_start3A_1181 = arith.constant 0 : i32
        %dma_start3A_1182 = tpu.memref_slice %arg2[%multiple_of3A_1178, %dma_start3A_1181] : memref<100352x32xbf16, #tpu.memory_space<hbm>> -> memref<112x32xbf16, #tpu.memory_space<hbm>>
        %dma_start3A_1183 = arith.constant 0 : i32
        %dma_start3A_1184 = tpu.memref_slice %arg2[%multiple_of3A_1178, %dma_start3A_1183] : memref<100352x32xbf16, #tpu.memory_space<hbm>> -> memref<112x32xbf16, #tpu.memory_space<hbm>>
        tpu.enqueue_dma source(%dma_start3A_1184 : memref<112x32xbf16, #tpu.memory_space<hbm>>) target(%arg16 : memref<112x32xbf16, #tpu.memory_space<vmem>>) target_semaphore(%arg25 : memref<!tpu.dma_semaphore, #tpu.memory_space<semaphore_mem>>)
      } else {
      }
      %dma_wait3A_1159 = arith.constant 0 : i32
      %dma_wait3A_1160 = arith.constant 0 : i32
      %dma_wait3A_1161 = tpu.memref_slice %arg5[%dma_wait3A_1159, %dma_wait3A_1160] : memref<66560x32xbf16, #tpu.memory_space<vmem_shared>> -> memref<66560x32xbf16, #tpu.memory_space<vmem_shared>>
      tpu.wait_indirect_dma semaphore(%arg30 : memref<!tpu.dma_semaphore, #tpu.memory_space<semaphore_mem>>) src(%arg17 : memref<112x32xbf16, #tpu.memory_space<vmem>>) dst(%dma_wait3A_1161 : memref<66560x32xbf16, #tpu.memory_space<vmem_shared>>)
      %lt3A_1162 = arith.constant 13 : i32
      %lt3A_1163 = arith.cmpi slt, %scan3A_253, %lt3A_1162 : i32
      %convert_element_type3A_1164 = arith.extui %lt3A_1163 : i1 to i32
      %cond3A_1165 = arith.constant 0 : i32
      %cond3A_1166 = arith.cmpi ne, %convert_element_type3A_1164, %cond3A_1165 : i32
      scf.if %cond3A_1166 {
        %add3A_1167 = arith.constant 1 : i32
        %add3A_1168 = arith.addi %scan3A_253, %add3A_1167 : i32
        %mul3A_1169 = arith.constant 4 : i32
        %mul3A_1170 = arith.muli %mul3A_1169, %add3A_1168 : i32
        %add3A_1171 = arith.constant 3 : i32
        %add3A_1172 = arith.addi %mul3A_1170, %add3A_1171 : i32
        %mul3A_1173 = arith.constant 6272 : i32
        %mul3A_1174 = arith.muli %arg1, %mul3A_1173 : i32
        %mul3A_1175 = arith.constant 112 : i32
        %mul3A_1176 = arith.muli %add3A_1172, %mul3A_1175 : i32
        %add3A_1177 = arith.addi %mul3A_1174, %mul3A_1176 : i32
        %multiple_of3A_1178 = tpu.assume_multiple %add3A_1177, 112 : i32
        %dma_start3A_1179 = tpu.memref_slice %arg3[%multiple_of3A_1178] : memref<100352xi32, #tpu.memory_space<hbm>> -> memref<112xi32, #tpu.memory_space<hbm>>
        %dma_start3A_1180 = tpu.memref_slice %arg3[%multiple_of3A_1178] : memref<100352xi32, #tpu.memory_space<hbm>> -> memref<112xi32, #tpu.memory_space<hbm>>
        tpu.enqueue_dma source(%dma_start3A_1180 : memref<112xi32, #tpu.memory_space<hbm>>) target(%arg9 : memref<112xi32, #tpu.memory_space<vmem>>) target_semaphore(%arg22 : memref<!tpu.dma_semaphore, #tpu.memory_space<semaphore_mem>>)
        %dma_start3A_1181 = arith.constant 0 : i32
        %dma_start3A_1182 = tpu.memref_slice %arg2[%multiple_of3A_1178, %dma_start3A_1181] : memref<100352x32xbf16, #tpu.memory_space<hbm>> -> memref<112x32xbf16, #tpu.memory_space<hbm>>
        %dma_start3A_1183 = arith.constant 0 : i32
        %dma_start3A_1184 = tpu.memref_slice %arg2[%multiple_of3A_1178, %dma_start3A_1183] : memref<100352x32xbf16, #tpu.memory_space<hbm>> -> memref<112x32xbf16, #tpu.memory_space<hbm>>
        tpu.enqueue_dma source(%dma_start3A_1184 : memref<112x32xbf16, #tpu.memory_space<hbm>>) target(%arg17 : memref<112x32xbf16, #tpu.memory_space<vmem>>) target_semaphore(%arg26 : memref<!tpu.dma_semaphore, #tpu.memory_space<semaphore_mem>>)
      } else {
      }
    }
    %scan3A_119 = arith.constant 14 : i32
    %barrier3A_120 = arith.constant 0 : index
    tpu.barrier barrier_id(%barrier3A_120)
    %mul3A_121 = arith.constant 4096 : i32
    %mul3A_122 = arith.muli %arg1, %mul3A_121 : i32
    %mul3A_123 = arith.constant 4096 : i32
    %mul3A_124 = arith.muli %arg1, %mul3A_123 : i32
    %add3A_125 = arith.addi %mul3A_7, %mul3A_124 : i32
    "tpu.region"() ({
      %run_scoped3A = tpu.sem_alloc : memref<!tpu.dma_semaphore, #tpu.memory_space<semaphore_mem>>
      %dma_start3A_253 = arith.constant 0 : i32
      %dma_start3A_254 = tpu.memref_slice %arg4[%add3A_125, %dma_start3A_253] : memref<262144x32xbf16, #tpu.memory_space<hbm>> -> memref<4096x32xbf16, #tpu.memory_space<hbm>>
      %dma_start3A_255 = arith.constant 0 : i32
      %dma_start3A_256 = tpu.memref_slice %arg5[%mul3A_122, %dma_start3A_255] : memref<66560x32xbf16, #tpu.memory_space<vmem_shared>> -> memref<4096x32xbf16, #tpu.memory_space<vmem_shared>>
      tpu.enqueue_dma source(%dma_start3A_256 : memref<4096x32xbf16, #tpu.memory_space<vmem_shared>>) target(%dma_start3A_254 : memref<4096x32xbf16, #tpu.memory_space<hbm>>) target_semaphore(%run_scoped3A : memref<!tpu.dma_semaphore, #tpu.memory_space<semaphore_mem>>)
      %dma_wait3A = arith.constant 0 : i32
      %dma_wait3A_257 = tpu.memref_slice %arg4[%add3A_125, %dma_wait3A] : memref<262144x32xbf16, #tpu.memory_space<hbm>> -> memref<4096x32xbf16, #tpu.memory_space<hbm>>
      %dma_wait3A_258 = arith.constant 0 : i32
      %dma_wait3A_259 = tpu.memref_slice %arg5[%mul3A_122, %dma_wait3A_258] : memref<66560x32xbf16, #tpu.memory_space<vmem_shared>> -> memref<4096x32xbf16, #tpu.memory_space<vmem_shared>>
      tpu.wait_dma2 semaphore(%run_scoped3A : memref<!tpu.dma_semaphore, #tpu.memory_space<semaphore_mem>>) src(%dma_wait3A_259 : memref<4096x32xbf16, #tpu.memory_space<vmem_shared>>) dst(%dma_wait3A_257 : memref<4096x32xbf16, #tpu.memory_space<hbm>>)
      tpu.yield
    }) : () -> ()
    %barrier3A_126 = arith.constant 0 : index
    tpu.barrier barrier_id(%barrier3A_126)
    %add3A_127 = arith.constant 2 : i32
    %add3A_128 = arith.addi %add3A_127, %arg0 : i32
    %mul3A_129 = arith.constant 65536 : i32
    %mul3A_130 = arith.muli %add3A_128, %mul3A_129 : i32
    %mul3A_131 = arith.constant 4160 : i32
    %mul3A_132 = arith.muli %arg1, %mul3A_131 : i32
    %add3A_133 = arith.constant 0 : i32
    %add3A_134 = arith.addi %mul3A_132, %add3A_133 : i32
    "tpu.region"() ({
      %run_scoped3A = tpu.sem_alloc : memref<!tpu.dma_semaphore, #tpu.memory_space<semaphore_mem>>
      %dma_start3A_253 = arith.constant 0 : i32
      %dma_start3A_254 = tpu.memref_slice %arg5[%add3A_134, %dma_start3A_253] : memref<66560x32xbf16, #tpu.memory_space<vmem_shared>> -> memref<260x32xbf16, #tpu.memory_space<vmem_shared>>
      %dma_start3A_255 = arith.constant 0 : i32
      %dma_start3A_256 = tpu.memref_slice %arg5[%add3A_134, %dma_start3A_255] : memref<66560x32xbf16, #tpu.memory_space<vmem_shared>> -> memref<260x32xbf16, #tpu.memory_space<vmem_shared>>
      tpu.enqueue_dma source(%arg18 : memref<260x32xbf16, #tpu.memory_space<vmem>>) target(%dma_start3A_256 : memref<260x32xbf16, #tpu.memory_space<vmem_shared>>) target_semaphore(%run_scoped3A : memref<!tpu.dma_semaphore, #tpu.memory_space<semaphore_mem>>)
      %dma_wait3A = arith.constant 0 : i32
      %dma_wait3A_257 = tpu.memref_slice %arg5[%add3A_134, %dma_wait3A] : memref<66560x32xbf16, #tpu.memory_space<vmem_shared>> -> memref<260x32xbf16, #tpu.memory_space<vmem_shared>>
      %dma_wait3A_258 = arith.constant 0 : i32
      %dma_wait3A_259 = tpu.memref_slice %arg5[%add3A_134, %dma_wait3A_258] : memref<66560x32xbf16, #tpu.memory_space<vmem_shared>> -> memref<260x32xbf16, #tpu.memory_space<vmem_shared>>
      tpu.wait_dma2 semaphore(%run_scoped3A : memref<!tpu.dma_semaphore, #tpu.memory_space<semaphore_mem>>) src(%arg18 : memref<260x32xbf16, #tpu.memory_space<vmem>>) dst(%dma_wait3A_259 : memref<260x32xbf16, #tpu.memory_space<vmem_shared>>)
      tpu.yield
    }) : () -> ()
    %mul3A_135 = arith.constant 4160 : i32
    %mul3A_136 = arith.muli %arg1, %mul3A_135 : i32
    %add3A_137 = arith.constant 260 : i32
    %add3A_138 = arith.addi %mul3A_136, %add3A_137 : i32
    "tpu.region"() ({
      %run_scoped3A = tpu.sem_alloc : memref<!tpu.dma_semaphore, #tpu.memory_space<semaphore_mem>>
      %dma_start3A_253 = arith.constant 0 : i32
      %dma_start3A_254 = tpu.memref_slice %arg5[%add3A_138, %dma_start3A_253] : memref<66560x32xbf16, #tpu.memory_space<vmem_shared>> -> memref<260x32xbf16, #tpu.memory_space<vmem_shared>>
      %dma_start3A_255 = arith.constant 0 : i32
      %dma_start3A_256 = tpu.memref_slice %arg5[%add3A_138, %dma_start3A_255] : memref<66560x32xbf16, #tpu.memory_space<vmem_shared>> -> memref<260x32xbf16, #tpu.memory_space<vmem_shared>>
      tpu.enqueue_dma source(%arg18 : memref<260x32xbf16, #tpu.memory_space<vmem>>) target(%dma_start3A_256 : memref<260x32xbf16, #tpu.memory_space<vmem_shared>>) target_semaphore(%run_scoped3A : memref<!tpu.dma_semaphore, #tpu.memory_space<semaphore_mem>>)
      %dma_wait3A = arith.constant 0 : i32
      %dma_wait3A_257 = tpu.memref_slice %arg5[%add3A_138, %dma_wait3A] : memref<66560x32xbf16, #tpu.memory_space<vmem_shared>> -> memref<260x32xbf16, #tpu.memory_space<vmem_shared>>
      %dma_wait3A_258 = arith.constant 0 : i32
      %dma_wait3A_259 = tpu.memref_slice %arg5[%add3A_138, %dma_wait3A_258] : memref<66560x32xbf16, #tpu.memory_space<vmem_shared>> -> memref<260x32xbf16, #tpu.memory_space<vmem_shared>>
      tpu.wait_dma2 semaphore(%run_scoped3A : memref<!tpu.dma_semaphore, #tpu.memory_space<semaphore_mem>>) src(%arg18 : memref<260x32xbf16, #tpu.memory_space<vmem>>) dst(%dma_wait3A_259 : memref<260x32xbf16, #tpu.memory_space<vmem_shared>>)
      tpu.yield
    }) : () -> ()
    %mul3A_139 = arith.constant 4160 : i32
    %mul3A_140 = arith.muli %arg1, %mul3A_139 : i32
    %add3A_141 = arith.constant 520 : i32
    %add3A_142 = arith.addi %mul3A_140, %add3A_141 : i32
    "tpu.region"() ({
      %run_scoped3A = tpu.sem_alloc : memref<!tpu.dma_semaphore, #tpu.memory_space<semaphore_mem>>
      %dma_start3A_253 = arith.constant 0 : i32
      %dma_start3A_254 = tpu.memref_slice %arg5[%add3A_142, %dma_start3A_253] : memref<66560x32xbf16, #tpu.memory_space<vmem_shared>> -> memref<260x32xbf16, #tpu.memory_space<vmem_shared>>
      %dma_start3A_255 = arith.constant 0 : i32
      %dma_start3A_256 = tpu.memref_slice %arg5[%add3A_142, %dma_start3A_255] : memref<66560x32xbf16, #tpu.memory_space<vmem_shared>> -> memref<260x32xbf16, #tpu.memory_space<vmem_shared>>
      tpu.enqueue_dma source(%arg18 : memref<260x32xbf16, #tpu.memory_space<vmem>>) target(%dma_start3A_256 : memref<260x32xbf16, #tpu.memory_space<vmem_shared>>) target_semaphore(%run_scoped3A : memref<!tpu.dma_semaphore, #tpu.memory_space<semaphore_mem>>)
      %dma_wait3A = arith.constant 0 : i32
      %dma_wait3A_257 = tpu.memref_slice %arg5[%add3A_142, %dma_wait3A] : memref<66560x32xbf16, #tpu.memory_space<vmem_shared>> -> memref<260x32xbf16, #tpu.memory_space<vmem_shared>>
      %dma_wait3A_258 = arith.constant 0 : i32
      %dma_wait3A_259 = tpu.memref_slice %arg5[%add3A_142, %dma_wait3A_258] : memref<66560x32xbf16, #tpu.memory_space<vmem_shared>> -> memref<260x32xbf16, #tpu.memory_space<vmem_shared>>
      tpu.wait_dma2 semaphore(%run_scoped3A : memref<!tpu.dma_semaphore, #tpu.memory_space<semaphore_mem>>) src(%arg18 : memref<260x32xbf16, #tpu.memory_space<vmem>>) dst(%dma_wait3A_259 : memref<260x32xbf16, #tpu.memory_space<vmem_shared>>)
      tpu.yield
    }) : () -> ()
    %mul3A_143 = arith.constant 4160 : i32
    %mul3A_144 = arith.muli %arg1, %mul3A_143 : i32
    %add3A_145 = arith.constant 780 : i32
    %add3A_146 = arith.addi %mul3A_144, %add3A_145 : i32
    "tpu.region"() ({
      %run_scoped3A = tpu.sem_alloc : memref<!tpu.dma_semaphore, #tpu.memory_space<semaphore_mem>>
      %dma_start3A_253 = arith.constant 0 : i32
      %dma_start3A_254 = tpu.memref_slice %arg5[%add3A_146, %dma_start3A_253] : memref<66560x32xbf16, #tpu.memory_space<vmem_shared>> -> memref<260x32xbf16, #tpu.memory_space<vmem_shared>>
      %dma_start3A_255 = arith.constant 0 : i32
      %dma_start3A_256 = tpu.memref_slice %arg5[%add3A_146, %dma_start3A_255] : memref<66560x32xbf16, #tpu.memory_space<vmem_shared>> -> memref<260x32xbf16, #tpu.memory_space<vmem_shared>>
      tpu.enqueue_dma source(%arg18 : memref<260x32xbf16, #tpu.memory_space<vmem>>) target(%dma_start3A_256 : memref<260x32xbf16, #tpu.memory_space<vmem_shared>>) target_semaphore(%run_scoped3A : memref<!tpu.dma_semaphore, #tpu.memory_space<semaphore_mem>>)
      %dma_wait3A = arith.constant 0 : i32
      %dma_wait3A_257 = tpu.memref_slice %arg5[%add3A_146, %dma_wait3A] : memref<66560x32xbf16, #tpu.memory_space<vmem_shared>> -> memref<260x32xbf16, #tpu.memory_space<vmem_shared>>
      %dma_wait3A_258 = arith.constant 0 : i32
      %dma_wait3A_259 = tpu.memref_slice %arg5[%add3A_146, %dma_wait3A_258] : memref<66560x32xbf16, #tpu.memory_space<vmem_shared>> -> memref<260x32xbf16, #tpu.memory_space<vmem_shared>>
      tpu.wait_dma2 semaphore(%run_scoped3A : memref<!tpu.dma_semaphore, #tpu.memory_space<semaphore_mem>>) src(%arg18 : memref<260x32xbf16, #tpu.memory_space<vmem>>) dst(%dma_wait3A_259 : memref<260x32xbf16, #tpu.memory_space<vmem_shared>>)
      tpu.yield
    }) : () -> ()
    %mul3A_147 = arith.constant 4160 : i32
    %mul3A_148 = arith.muli %arg1, %mul3A_147 : i32
    %add3A_149 = arith.constant 1040 : i32
    %add3A_150 = arith.addi %mul3A_148, %add3A_149 : i32
    "tpu.region"() ({
      %run_scoped3A = tpu.sem_alloc : memref<!tpu.dma_semaphore, #tpu.memory_space<semaphore_mem>>
      %dma_start3A_253 = arith.constant 0 : i32
      %dma_start3A_254 = tpu.memref_slice %arg5[%add3A_150, %dma_start3A_253] : memref<66560x32xbf16, #tpu.memory_space<vmem_shared>> -> memref<260x32xbf16, #tpu.memory_space<vmem_shared>>
      %dma_start3A_255 = arith.constant 0 : i32
      %dma_start3A_256 = tpu.memref_slice %arg5[%add3A_150, %dma_start3A_255] : memref<66560x32xbf16, #tpu.memory_space<vmem_shared>> -> memref<260x32xbf16, #tpu.memory_space<vmem_shared>>
      tpu.enqueue_dma source(%arg18 : memref<260x32xbf16, #tpu.memory_space<vmem>>) target(%dma_start3A_256 : memref<260x32xbf16, #tpu.memory_space<vmem_shared>>) target_semaphore(%run_scoped3A : memref<!tpu.dma_semaphore, #tpu.memory_space<semaphore_mem>>)
      %dma_wait3A = arith.constant 0 : i32
      %dma_wait3A_257 = tpu.memref_slice %arg5[%add3A_150, %dma_wait3A] : memref<66560x32xbf16, #tpu.memory_space<vmem_shared>> -> memref<260x32xbf16, #tpu.memory_space<vmem_shared>>
      %dma_wait3A_258 = arith.constant 0 : i32
      %dma_wait3A_259 = tpu.memref_slice %arg5[%add3A_150, %dma_wait3A_258] : memref<66560x32xbf16, #tpu.memory_space<vmem_shared>> -> memref<260x32xbf16, #tpu.memory_space<vmem_shared>>
      tpu.wait_dma2 semaphore(%run_scoped3A : memref<!tpu.dma_semaphore, #tpu.memory_space<semaphore_mem>>) src(%arg18 : memref<260x32xbf16, #tpu.memory_space<vmem>>) dst(%dma_wait3A_259 : memref<260x32xbf16, #tpu.memory_space<vmem_shared>>)
      tpu.yield
    }) : () -> ()
    %mul3A_151 = arith.constant 4160 : i32
    %mul3A_152 = arith.muli %arg1, %mul3A_151 : i32
    %add3A_153 = arith.constant 1300 : i32
    %add3A_154 = arith.addi %mul3A_152, %add3A_153 : i32
    "tpu.region"() ({
      %run_scoped3A = tpu.sem_alloc : memref<!tpu.dma_semaphore, #tpu.memory_space<semaphore_mem>>
      %dma_start3A_253 = arith.constant 0 : i32
      %dma_start3A_254 = tpu.memref_slice %arg5[%add3A_154, %dma_start3A_253] : memref<66560x32xbf16, #tpu.memory_space<vmem_shared>> -> memref<260x32xbf16, #tpu.memory_space<vmem_shared>>
      %dma_start3A_255 = arith.constant 0 : i32
      %dma_start3A_256 = tpu.memref_slice %arg5[%add3A_154, %dma_start3A_255] : memref<66560x32xbf16, #tpu.memory_space<vmem_shared>> -> memref<260x32xbf16, #tpu.memory_space<vmem_shared>>
      tpu.enqueue_dma source(%arg18 : memref<260x32xbf16, #tpu.memory_space<vmem>>) target(%dma_start3A_256 : memref<260x32xbf16, #tpu.memory_space<vmem_shared>>) target_semaphore(%run_scoped3A : memref<!tpu.dma_semaphore, #tpu.memory_space<semaphore_mem>>)
      %dma_wait3A = arith.constant 0 : i32
      %dma_wait3A_257 = tpu.memref_slice %arg5[%add3A_154, %dma_wait3A] : memref<66560x32xbf16, #tpu.memory_space<vmem_shared>> -> memref<260x32xbf16, #tpu.memory_space<vmem_shared>>
      %dma_wait3A_258 = arith.constant 0 : i32
      %dma_wait3A_259 = tpu.memref_slice %arg5[%add3A_154, %dma_wait3A_258] : memref<66560x32xbf16, #tpu.memory_space<vmem_shared>> -> memref<260x32xbf16, #tpu.memory_space<vmem_shared>>
      tpu.wait_dma2 semaphore(%run_scoped3A : memref<!tpu.dma_semaphore, #tpu.memory_space<semaphore_mem>>) src(%arg18 : memref<260x32xbf16, #tpu.memory_space<vmem>>) dst(%dma_wait3A_259 : memref<260x32xbf16, #tpu.memory_space<vmem_shared>>)
      tpu.yield
    }) : () -> ()
    %mul3A_155 = arith.constant 4160 : i32
    %mul3A_156 = arith.muli %arg1, %mul3A_155 : i32
    %add3A_157 = arith.constant 1560 : i32
    %add3A_158 = arith.addi %mul3A_156, %add3A_157 : i32
    "tpu.region"() ({
      %run_scoped3A = tpu.sem_alloc : memref<!tpu.dma_semaphore, #tpu.memory_space<semaphore_mem>>
      %dma_start3A_253 = arith.constant 0 : i32
      %dma_start3A_254 = tpu.memref_slice %arg5[%add3A_158, %dma_start3A_253] : memref<66560x32xbf16, #tpu.memory_space<vmem_shared>> -> memref<260x32xbf16, #tpu.memory_space<vmem_shared>>
      %dma_start3A_255 = arith.constant 0 : i32
      %dma_start3A_256 = tpu.memref_slice %arg5[%add3A_158, %dma_start3A_255] : memref<66560x32xbf16, #tpu.memory_space<vmem_shared>> -> memref<260x32xbf16, #tpu.memory_space<vmem_shared>>
      tpu.enqueue_dma source(%arg18 : memref<260x32xbf16, #tpu.memory_space<vmem>>) target(%dma_start3A_256 : memref<260x32xbf16, #tpu.memory_space<vmem_shared>>) target_semaphore(%run_scoped3A : memref<!tpu.dma_semaphore, #tpu.memory_space<semaphore_mem>>)
      %dma_wait3A = arith.constant 0 : i32
      %dma_wait3A_257 = tpu.memref_slice %arg5[%add3A_158, %dma_wait3A] : memref<66560x32xbf16, #tpu.memory_space<vmem_shared>> -> memref<260x32xbf16, #tpu.memory_space<vmem_shared>>
      %dma_wait3A_258 = arith.constant 0 : i32
      %dma_wait3A_259 = tpu.memref_slice %arg5[%add3A_158, %dma_wait3A_258] : memref<66560x32xbf16, #tpu.memory_space<vmem_shared>> -> memref<260x32xbf16, #tpu.memory_space<vmem_shared>>
      tpu.wait_dma2 semaphore(%run_scoped3A : memref<!tpu.dma_semaphore, #tpu.memory_space<semaphore_mem>>) src(%arg18 : memref<260x32xbf16, #tpu.memory_space<vmem>>) dst(%dma_wait3A_259 : memref<260x32xbf16, #tpu.memory_space<vmem_shared>>)
      tpu.yield
    }) : () -> ()
    %mul3A_159 = arith.constant 4160 : i32
    %mul3A_160 = arith.muli %arg1, %mul3A_159 : i32
    %add3A_161 = arith.constant 1820 : i32
    %add3A_162 = arith.addi %mul3A_160, %add3A_161 : i32
    "tpu.region"() ({
      %run_scoped3A = tpu.sem_alloc : memref<!tpu.dma_semaphore, #tpu.memory_space<semaphore_mem>>
      %dma_start3A_253 = arith.constant 0 : i32
      %dma_start3A_254 = tpu.memref_slice %arg5[%add3A_162, %dma_start3A_253] : memref<66560x32xbf16, #tpu.memory_space<vmem_shared>> -> memref<260x32xbf16, #tpu.memory_space<vmem_shared>>
      %dma_start3A_255 = arith.constant 0 : i32
      %dma_start3A_256 = tpu.memref_slice %arg5[%add3A_162, %dma_start3A_255] : memref<66560x32xbf16, #tpu.memory_space<vmem_shared>> -> memref<260x32xbf16, #tpu.memory_space<vmem_shared>>
      tpu.enqueue_dma source(%arg18 : memref<260x32xbf16, #tpu.memory_space<vmem>>) target(%dma_start3A_256 : memref<260x32xbf16, #tpu.memory_space<vmem_shared>>) target_semaphore(%run_scoped3A : memref<!tpu.dma_semaphore, #tpu.memory_space<semaphore_mem>>)
      %dma_wait3A = arith.constant 0 : i32
      %dma_wait3A_257 = tpu.memref_slice %arg5[%add3A_162, %dma_wait3A] : memref<66560x32xbf16, #tpu.memory_space<vmem_shared>> -> memref<260x32xbf16, #tpu.memory_space<vmem_shared>>
      %dma_wait3A_258 = arith.constant 0 : i32
      %dma_wait3A_259 = tpu.memref_slice %arg5[%add3A_162, %dma_wait3A_258] : memref<66560x32xbf16, #tpu.memory_space<vmem_shared>> -> memref<260x32xbf16, #tpu.memory_space<vmem_shared>>
      tpu.wait_dma2 semaphore(%run_scoped3A : memref<!tpu.dma_semaphore, #tpu.memory_space<semaphore_mem>>) src(%arg18 : memref<260x32xbf16, #tpu.memory_space<vmem>>) dst(%dma_wait3A_259 : memref<260x32xbf16, #tpu.memory_space<vmem_shared>>)
      tpu.yield
    }) : () -> ()
    %mul3A_163 = arith.constant 4160 : i32
    %mul3A_164 = arith.muli %arg1, %mul3A_163 : i32
    %add3A_165 = arith.constant 2080 : i32
    %add3A_166 = arith.addi %mul3A_164, %add3A_165 : i32
    "tpu.region"() ({
      %run_scoped3A = tpu.sem_alloc : memref<!tpu.dma_semaphore, #tpu.memory_space<semaphore_mem>>
      %dma_start3A_253 = arith.constant 0 : i32
      %dma_start3A_254 = tpu.memref_slice %arg5[%add3A_166, %dma_start3A_253] : memref<66560x32xbf16, #tpu.memory_space<vmem_shared>> -> memref<260x32xbf16, #tpu.memory_space<vmem_shared>>
      %dma_start3A_255 = arith.constant 0 : i32
      %dma_start3A_256 = tpu.memref_slice %arg5[%add3A_166, %dma_start3A_255] : memref<66560x32xbf16, #tpu.memory_space<vmem_shared>> -> memref<260x32xbf16, #tpu.memory_space<vmem_shared>>
      tpu.enqueue_dma source(%arg18 : memref<260x32xbf16, #tpu.memory_space<vmem>>) target(%dma_start3A_256 : memref<260x32xbf16, #tpu.memory_space<vmem_shared>>) target_semaphore(%run_scoped3A : memref<!tpu.dma_semaphore, #tpu.memory_space<semaphore_mem>>)
      %dma_wait3A = arith.constant 0 : i32
      %dma_wait3A_257 = tpu.memref_slice %arg5[%add3A_166, %dma_wait3A] : memref<66560x32xbf16, #tpu.memory_space<vmem_shared>> -> memref<260x32xbf16, #tpu.memory_space<vmem_shared>>
      %dma_wait3A_258 = arith.constant 0 : i32
      %dma_wait3A_259 = tpu.memref_slice %arg5[%add3A_166, %dma_wait3A_258] : memref<66560x32xbf16, #tpu.memory_space<vmem_shared>> -> memref<260x32xbf16, #tpu.memory_space<vmem_shared>>
      tpu.wait_dma2 semaphore(%run_scoped3A : memref<!tpu.dma_semaphore, #tpu.memory_space<semaphore_mem>>) src(%arg18 : memref<260x32xbf16, #tpu.memory_space<vmem>>) dst(%dma_wait3A_259 : memref<260x32xbf16, #tpu.memory_space<vmem_shared>>)
      tpu.yield
    }) : () -> ()
    %mul3A_167 = arith.constant 4160 : i32
    %mul3A_168 = arith.muli %arg1, %mul3A_167 : i32
    %add3A_169 = arith.constant 2340 : i32
    %add3A_170 = arith.addi %mul3A_168, %add3A_169 : i32
    "tpu.region"() ({
      %run_scoped3A = tpu.sem_alloc : memref<!tpu.dma_semaphore, #tpu.memory_space<semaphore_mem>>
      %dma_start3A_253 = arith.constant 0 : i32
      %dma_start3A_254 = tpu.memref_slice %arg5[%add3A_170, %dma_start3A_253] : memref<66560x32xbf16, #tpu.memory_space<vmem_shared>> -> memref<260x32xbf16, #tpu.memory_space<vmem_shared>>
      %dma_start3A_255 = arith.constant 0 : i32
      %dma_start3A_256 = tpu.memref_slice %arg5[%add3A_170, %dma_start3A_255] : memref<66560x32xbf16, #tpu.memory_space<vmem_shared>> -> memref<260x32xbf16, #tpu.memory_space<vmem_shared>>
      tpu.enqueue_dma source(%arg18 : memref<260x32xbf16, #tpu.memory_space<vmem>>) target(%dma_start3A_256 : memref<260x32xbf16, #tpu.memory_space<vmem_shared>>) target_semaphore(%run_scoped3A : memref<!tpu.dma_semaphore, #tpu.memory_space<semaphore_mem>>)
      %dma_wait3A = arith.constant 0 : i32
      %dma_wait3A_257 = tpu.memref_slice %arg5[%add3A_170, %dma_wait3A] : memref<66560x32xbf16, #tpu.memory_space<vmem_shared>> -> memref<260x32xbf16, #tpu.memory_space<vmem_shared>>
      %dma_wait3A_258 = arith.constant 0 : i32
      %dma_wait3A_259 = tpu.memref_slice %arg5[%add3A_170, %dma_wait3A_258] : memref<66560x32xbf16, #tpu.memory_space<vmem_shared>> -> memref<260x32xbf16, #tpu.memory_space<vmem_shared>>
      tpu.wait_dma2 semaphore(%run_scoped3A : memref<!tpu.dma_semaphore, #tpu.memory_space<semaphore_mem>>) src(%arg18 : memref<260x32xbf16, #tpu.memory_space<vmem>>) dst(%dma_wait3A_259 : memref<260x32xbf16, #tpu.memory_space<vmem_shared>>)
      tpu.yield
    }) : () -> ()
    %mul3A_171 = arith.constant 4160 : i32
    %mul3A_172 = arith.muli %arg1, %mul3A_171 : i32
    %add3A_173 = arith.constant 2600 : i32
    %add3A_174 = arith.addi %mul3A_172, %add3A_173 : i32
    "tpu.region"() ({
      %run_scoped3A = tpu.sem_alloc : memref<!tpu.dma_semaphore, #tpu.memory_space<semaphore_mem>>
      %dma_start3A_253 = arith.constant 0 : i32
      %dma_start3A_254 = tpu.memref_slice %arg5[%add3A_174, %dma_start3A_253] : memref<66560x32xbf16, #tpu.memory_space<vmem_shared>> -> memref<260x32xbf16, #tpu.memory_space<vmem_shared>>
      %dma_start3A_255 = arith.constant 0 : i32
      %dma_start3A_256 = tpu.memref_slice %arg5[%add3A_174, %dma_start3A_255] : memref<66560x32xbf16, #tpu.memory_space<vmem_shared>> -> memref<260x32xbf16, #tpu.memory_space<vmem_shared>>
      tpu.enqueue_dma source(%arg18 : memref<260x32xbf16, #tpu.memory_space<vmem>>) target(%dma_start3A_256 : memref<260x32xbf16, #tpu.memory_space<vmem_shared>>) target_semaphore(%run_scoped3A : memref<!tpu.dma_semaphore, #tpu.memory_space<semaphore_mem>>)
      %dma_wait3A = arith.constant 0 : i32
      %dma_wait3A_257 = tpu.memref_slice %arg5[%add3A_174, %dma_wait3A] : memref<66560x32xbf16, #tpu.memory_space<vmem_shared>> -> memref<260x32xbf16, #tpu.memory_space<vmem_shared>>
      %dma_wait3A_258 = arith.constant 0 : i32
      %dma_wait3A_259 = tpu.memref_slice %arg5[%add3A_174, %dma_wait3A_258] : memref<66560x32xbf16, #tpu.memory_space<vmem_shared>> -> memref<260x32xbf16, #tpu.memory_space<vmem_shared>>
      tpu.wait_dma2 semaphore(%run_scoped3A : memref<!tpu.dma_semaphore, #tpu.memory_space<semaphore_mem>>) src(%arg18 : memref<260x32xbf16, #tpu.memory_space<vmem>>) dst(%dma_wait3A_259 : memref<260x32xbf16, #tpu.memory_space<vmem_shared>>)
      tpu.yield
    }) : () -> ()
    %mul3A_175 = arith.constant 4160 : i32
    %mul3A_176 = arith.muli %arg1, %mul3A_175 : i32
    %add3A_177 = arith.constant 2860 : i32
    %add3A_178 = arith.addi %mul3A_176, %add3A_177 : i32
    "tpu.region"() ({
      %run_scoped3A = tpu.sem_alloc : memref<!tpu.dma_semaphore, #tpu.memory_space<semaphore_mem>>
      %dma_start3A_253 = arith.constant 0 : i32
      %dma_start3A_254 = tpu.memref_slice %arg5[%add3A_178, %dma_start3A_253] : memref<66560x32xbf16, #tpu.memory_space<vmem_shared>> -> memref<260x32xbf16, #tpu.memory_space<vmem_shared>>
      %dma_start3A_255 = arith.constant 0 : i32
      %dma_start3A_256 = tpu.memref_slice %arg5[%add3A_178, %dma_start3A_255] : memref<66560x32xbf16, #tpu.memory_space<vmem_shared>> -> memref<260x32xbf16, #tpu.memory_space<vmem_shared>>
      tpu.enqueue_dma source(%arg18 : memref<260x32xbf16, #tpu.memory_space<vmem>>) target(%dma_start3A_256 : memref<260x32xbf16, #tpu.memory_space<vmem_shared>>) target_semaphore(%run_scoped3A : memref<!tpu.dma_semaphore, #tpu.memory_space<semaphore_mem>>)
      %dma_wait3A = arith.constant 0 : i32
      %dma_wait3A_257 = tpu.memref_slice %arg5[%add3A_178, %dma_wait3A] : memref<66560x32xbf16, #tpu.memory_space<vmem_shared>> -> memref<260x32xbf16, #tpu.memory_space<vmem_shared>>
      %dma_wait3A_258 = arith.constant 0 : i32
      %dma_wait3A_259 = tpu.memref_slice %arg5[%add3A_178, %dma_wait3A_258] : memref<66560x32xbf16, #tpu.memory_space<vmem_shared>> -> memref<260x32xbf16, #tpu.memory_space<vmem_shared>>
      tpu.wait_dma2 semaphore(%run_scoped3A : memref<!tpu.dma_semaphore, #tpu.memory_space<semaphore_mem>>) src(%arg18 : memref<260x32xbf16, #tpu.memory_space<vmem>>) dst(%dma_wait3A_259 : memref<260x32xbf16, #tpu.memory_space<vmem_shared>>)
      tpu.yield
    }) : () -> ()
    %mul3A_179 = arith.constant 4160 : i32
    %mul3A_180 = arith.muli %arg1, %mul3A_179 : i32
    %add3A_181 = arith.constant 3120 : i32
    %add3A_182 = arith.addi %mul3A_180, %add3A_181 : i32
    "tpu.region"() ({
      %run_scoped3A = tpu.sem_alloc : memref<!tpu.dma_semaphore, #tpu.memory_space<semaphore_mem>>
      %dma_start3A_253 = arith.constant 0 : i32
      %dma_start3A_254 = tpu.memref_slice %arg5[%add3A_182, %dma_start3A_253] : memref<66560x32xbf16, #tpu.memory_space<vmem_shared>> -> memref<260x32xbf16, #tpu.memory_space<vmem_shared>>
      %dma_start3A_255 = arith.constant 0 : i32
      %dma_start3A_256 = tpu.memref_slice %arg5[%add3A_182, %dma_start3A_255] : memref<66560x32xbf16, #tpu.memory_space<vmem_shared>> -> memref<260x32xbf16, #tpu.memory_space<vmem_shared>>
      tpu.enqueue_dma source(%arg18 : memref<260x32xbf16, #tpu.memory_space<vmem>>) target(%dma_start3A_256 : memref<260x32xbf16, #tpu.memory_space<vmem_shared>>) target_semaphore(%run_scoped3A : memref<!tpu.dma_semaphore, #tpu.memory_space<semaphore_mem>>)
      %dma_wait3A = arith.constant 0 : i32
      %dma_wait3A_257 = tpu.memref_slice %arg5[%add3A_182, %dma_wait3A] : memref<66560x32xbf16, #tpu.memory_space<vmem_shared>> -> memref<260x32xbf16, #tpu.memory_space<vmem_shared>>
      %dma_wait3A_258 = arith.constant 0 : i32
      %dma_wait3A_259 = tpu.memref_slice %arg5[%add3A_182, %dma_wait3A_258] : memref<66560x32xbf16, #tpu.memory_space<vmem_shared>> -> memref<260x32xbf16, #tpu.memory_space<vmem_shared>>
      tpu.wait_dma2 semaphore(%run_scoped3A : memref<!tpu.dma_semaphore, #tpu.memory_space<semaphore_mem>>) src(%arg18 : memref<260x32xbf16, #tpu.memory_space<vmem>>) dst(%dma_wait3A_259 : memref<260x32xbf16, #tpu.memory_space<vmem_shared>>)
      tpu.yield
    }) : () -> ()
    %mul3A_183 = arith.constant 4160 : i32
    %mul3A_184 = arith.muli %arg1, %mul3A_183 : i32
    %add3A_185 = arith.constant 3380 : i32
    %add3A_186 = arith.addi %mul3A_184, %add3A_185 : i32
    "tpu.region"() ({
      %run_scoped3A = tpu.sem_alloc : memref<!tpu.dma_semaphore, #tpu.memory_space<semaphore_mem>>
      %dma_start3A_253 = arith.constant 0 : i32
      %dma_start3A_254 = tpu.memref_slice %arg5[%add3A_186, %dma_start3A_253] : memref<66560x32xbf16, #tpu.memory_space<vmem_shared>> -> memref<260x32xbf16, #tpu.memory_space<vmem_shared>>
      %dma_start3A_255 = arith.constant 0 : i32
      %dma_start3A_256 = tpu.memref_slice %arg5[%add3A_186, %dma_start3A_255] : memref<66560x32xbf16, #tpu.memory_space<vmem_shared>> -> memref<260x32xbf16, #tpu.memory_space<vmem_shared>>
      tpu.enqueue_dma source(%arg18 : memref<260x32xbf16, #tpu.memory_space<vmem>>) target(%dma_start3A_256 : memref<260x32xbf16, #tpu.memory_space<vmem_shared>>) target_semaphore(%run_scoped3A : memref<!tpu.dma_semaphore, #tpu.memory_space<semaphore_mem>>)
      %dma_wait3A = arith.constant 0 : i32
      %dma_wait3A_257 = tpu.memref_slice %arg5[%add3A_186, %dma_wait3A] : memref<66560x32xbf16, #tpu.memory_space<vmem_shared>> -> memref<260x32xbf16, #tpu.memory_space<vmem_shared>>
      %dma_wait3A_258 = arith.constant 0 : i32
      %dma_wait3A_259 = tpu.memref_slice %arg5[%add3A_186, %dma_wait3A_258] : memref<66560x32xbf16, #tpu.memory_space<vmem_shared>> -> memref<260x32xbf16, #tpu.memory_space<vmem_shared>>
      tpu.wait_dma2 semaphore(%run_scoped3A : memref<!tpu.dma_semaphore, #tpu.memory_space<semaphore_mem>>) src(%arg18 : memref<260x32xbf16, #tpu.memory_space<vmem>>) dst(%dma_wait3A_259 : memref<260x32xbf16, #tpu.memory_space<vmem_shared>>)
      tpu.yield
    }) : () -> ()
    %mul3A_187 = arith.constant 4160 : i32
    %mul3A_188 = arith.muli %arg1, %mul3A_187 : i32
    %add3A_189 = arith.constant 3640 : i32
    %add3A_190 = arith.addi %mul3A_188, %add3A_189 : i32
    "tpu.region"() ({
      %run_scoped3A = tpu.sem_alloc : memref<!tpu.dma_semaphore, #tpu.memory_space<semaphore_mem>>
      %dma_start3A_253 = arith.constant 0 : i32
      %dma_start3A_254 = tpu.memref_slice %arg5[%add3A_190, %dma_start3A_253] : memref<66560x32xbf16, #tpu.memory_space<vmem_shared>> -> memref<260x32xbf16, #tpu.memory_space<vmem_shared>>
      %dma_start3A_255 = arith.constant 0 : i32
      %dma_start3A_256 = tpu.memref_slice %arg5[%add3A_190, %dma_start3A_255] : memref<66560x32xbf16, #tpu.memory_space<vmem_shared>> -> memref<260x32xbf16, #tpu.memory_space<vmem_shared>>
      tpu.enqueue_dma source(%arg18 : memref<260x32xbf16, #tpu.memory_space<vmem>>) target(%dma_start3A_256 : memref<260x32xbf16, #tpu.memory_space<vmem_shared>>) target_semaphore(%run_scoped3A : memref<!tpu.dma_semaphore, #tpu.memory_space<semaphore_mem>>)
      %dma_wait3A = arith.constant 0 : i32
      %dma_wait3A_257 = tpu.memref_slice %arg5[%add3A_190, %dma_wait3A] : memref<66560x32xbf16, #tpu.memory_space<vmem_shared>> -> memref<260x32xbf16, #tpu.memory_space<vmem_shared>>
      %dma_wait3A_258 = arith.constant 0 : i32
      %dma_wait3A_259 = tpu.memref_slice %arg5[%add3A_190, %dma_wait3A_258] : memref<66560x32xbf16, #tpu.memory_space<vmem_shared>> -> memref<260x32xbf16, #tpu.memory_space<vmem_shared>>
      tpu.wait_dma2 semaphore(%run_scoped3A : memref<!tpu.dma_semaphore, #tpu.memory_space<semaphore_mem>>) src(%arg18 : memref<260x32xbf16, #tpu.memory_space<vmem>>) dst(%dma_wait3A_259 : memref<260x32xbf16, #tpu.memory_space<vmem_shared>>)
      tpu.yield
    }) : () -> ()
    %mul3A_191 = arith.constant 4160 : i32
    %mul3A_192 = arith.muli %arg1, %mul3A_191 : i32
    %add3A_193 = arith.constant 3900 : i32
    %add3A_194 = arith.addi %mul3A_192, %add3A_193 : i32
    "tpu.region"() ({
      %run_scoped3A = tpu.sem_alloc : memref<!tpu.dma_semaphore, #tpu.memory_space<semaphore_mem>>
      %dma_start3A_253 = arith.constant 0 : i32
      %dma_start3A_254 = tpu.memref_slice %arg5[%add3A_194, %dma_start3A_253] : memref<66560x32xbf16, #tpu.memory_space<vmem_shared>> -> memref<260x32xbf16, #tpu.memory_space<vmem_shared>>
      %dma_start3A_255 = arith.constant 0 : i32
      %dma_start3A_256 = tpu.memref_slice %arg5[%add3A_194, %dma_start3A_255] : memref<66560x32xbf16, #tpu.memory_space<vmem_shared>> -> memref<260x32xbf16, #tpu.memory_space<vmem_shared>>
      tpu.enqueue_dma source(%arg18 : memref<260x32xbf16, #tpu.memory_space<vmem>>) target(%dma_start3A_256 : memref<260x32xbf16, #tpu.memory_space<vmem_shared>>) target_semaphore(%run_scoped3A : memref<!tpu.dma_semaphore, #tpu.memory_space<semaphore_mem>>)
      %dma_wait3A = arith.constant 0 : i32
      %dma_wait3A_257 = tpu.memref_slice %arg5[%add3A_194, %dma_wait3A] : memref<66560x32xbf16, #tpu.memory_space<vmem_shared>> -> memref<260x32xbf16, #tpu.memory_space<vmem_shared>>
      %dma_wait3A_258 = arith.constant 0 : i32
      %dma_wait3A_259 = tpu.memref_slice %arg5[%add3A_194, %dma_wait3A_258] : memref<66560x32xbf16, #tpu.memory_space<vmem_shared>> -> memref<260x32xbf16, #tpu.memory_space<vmem_shared>>
      tpu.wait_dma2 semaphore(%run_scoped3A : memref<!tpu.dma_semaphore, #tpu.memory_space<semaphore_mem>>) src(%arg18 : memref<260x32xbf16, #tpu.memory_space<vmem>>) dst(%dma_wait3A_259 : memref<260x32xbf16, #tpu.memory_space<vmem_shared>>)
      tpu.yield
    }) : () -> ()
    %barrier3A_195 = arith.constant 0 : index
    tpu.barrier barrier_id(%barrier3A_195)
    %mul3A_196 = arith.constant 6272 : i32
    %mul3A_197 = arith.muli %arg1, %mul3A_196 : i32
    %add3A_198 = arith.constant 0 : i32
    %add3A_199 = arith.addi %mul3A_197, %add3A_198 : i32
    %multiple_of3A_200 = tpu.assume_multiple %add3A_199, 112 : i32
    %dma_start3A_201 = tpu.memref_slice %arg3[%multiple_of3A_200] : memref<100352xi32, #tpu.memory_space<hbm>> -> memref<112xi32, #tpu.memory_space<hbm>>
    %dma_start3A_202 = tpu.memref_slice %arg3[%multiple_of3A_200] : memref<100352xi32, #tpu.memory_space<hbm>> -> memref<112xi32, #tpu.memory_space<hbm>>
    tpu.enqueue_dma source(%dma_start3A_202 : memref<112xi32, #tpu.memory_space<hbm>>) target(%arg6 : memref<112xi32, #tpu.memory_space<vmem>>) target_semaphore(%arg19 : memref<!tpu.dma_semaphore, #tpu.memory_space<semaphore_mem>>)
    %dma_start3A_203 = arith.constant 0 : i32
    %dma_start3A_204 = tpu.memref_slice %arg2[%multiple_of3A_200, %dma_start3A_203] : memref<100352x32xbf16, #tpu.memory_space<hbm>> -> memref<112x32xbf16, #tpu.memory_space<hbm>>
    %dma_start3A_205 = arith.constant 0 : i32
    %dma_start3A_206 = tpu.memref_slice %arg2[%multiple_of3A_200, %dma_start3A_205] : memref<100352x32xbf16, #tpu.memory_space<hbm>> -> memref<112x32xbf16, #tpu.memory_space<hbm>>
    tpu.enqueue_dma source(%dma_start3A_206 : memref<112x32xbf16, #tpu.memory_space<hbm>>) target(%arg14 : memref<112x32xbf16, #tpu.memory_space<vmem>>) target_semaphore(%arg23 : memref<!tpu.dma_semaphore, #tpu.memory_space<semaphore_mem>>)
    %mul3A_207 = arith.constant 6272 : i32
    %mul3A_208 = arith.muli %arg1, %mul3A_207 : i32
    %add3A_209 = arith.constant 112 : i32
    %add3A_210 = arith.addi %mul3A_208, %add3A_209 : i32
    %multiple_of3A_211 = tpu.assume_multiple %add3A_210, 112 : i32
    %dma_start3A_212 = tpu.memref_slice %arg3[%multiple_of3A_211] : memref<100352xi32, #tpu.memory_space<hbm>> -> memref<112xi32, #tpu.memory_space<hbm>>
    %dma_start3A_213 = tpu.memref_slice %arg3[%multiple_of3A_211] : memref<100352xi32, #tpu.memory_space<hbm>> -> memref<112xi32, #tpu.memory_space<hbm>>
    tpu.enqueue_dma source(%dma_start3A_213 : memref<112xi32, #tpu.memory_space<hbm>>) target(%arg7 : memref<112xi32, #tpu.memory_space<vmem>>) target_semaphore(%arg20 : memref<!tpu.dma_semaphore, #tpu.memory_space<semaphore_mem>>)
    %dma_start3A_214 = arith.constant 0 : i32
    %dma_start3A_215 = tpu.memref_slice %arg2[%multiple_of3A_211, %dma_start3A_214] : memref<100352x32xbf16, #tpu.memory_space<hbm>> -> memref<112x32xbf16, #tpu.memory_space<hbm>>
    %dma_start3A_216 = arith.constant 0 : i32
    %dma_start3A_217 = tpu.memref_slice %arg2[%multiple_of3A_211, %dma_start3A_216] : memref<100352x32xbf16, #tpu.memory_space<hbm>> -> memref<112x32xbf16, #tpu.memory_space<hbm>>
    tpu.enqueue_dma source(%dma_start3A_217 : memref<112x32xbf16, #tpu.memory_space<hbm>>) target(%arg15 : memref<112x32xbf16, #tpu.memory_space<vmem>>) target_semaphore(%arg24 : memref<!tpu.dma_semaphore, #tpu.memory_space<semaphore_mem>>)
    %mul3A_218 = arith.constant 6272 : i32
    %mul3A_219 = arith.muli %arg1, %mul3A_218 : i32
    %add3A_220 = arith.constant 224 : i32
    %add3A_221 = arith.addi %mul3A_219, %add3A_220 : i32
    %multiple_of3A_222 = tpu.assume_multiple %add3A_221, 112 : i32
    %dma_start3A_223 = tpu.memref_slice %arg3[%multiple_of3A_222] : memref<100352xi32, #tpu.memory_space<hbm>> -> memref<112xi32, #tpu.memory_space<hbm>>
    %dma_start3A_224 = tpu.memref_slice %arg3[%multiple_of3A_222] : memref<100352xi32, #tpu.memory_space<hbm>> -> memref<112xi32, #tpu.memory_space<hbm>>
    tpu.enqueue_dma source(%dma_start3A_224 : memref<112xi32, #tpu.memory_space<hbm>>) target(%arg8 : memref<112xi32, #tpu.memory_space<vmem>>) target_semaphore(%arg21 : memref<!tpu.dma_semaphore, #tpu.memory_space<semaphore_mem>>)
    %dma_start3A_225 = arith.constant 0 : i32
    %dma_start3A_226 = tpu.memref_slice %arg2[%multiple_of3A_222, %dma_start3A_225] : memref<100352x32xbf16, #tpu.memory_space<hbm>> -> memref<112x32xbf16, #tpu.memory_space<hbm>>
    %dma_start3A_227 = arith.constant 0 : i32
    %dma_start3A_228 = tpu.memref_slice %arg2[%multiple_of3A_222, %dma_start3A_227] : memref<100352x32xbf16, #tpu.memory_space<hbm>> -> memref<112x32xbf16, #tpu.memory_space<hbm>>
    tpu.enqueue_dma source(%dma_start3A_228 : memref<112x32xbf16, #tpu.memory_space<hbm>>) target(%arg16 : memref<112x32xbf16, #tpu.memory_space<vmem>>) target_semaphore(%arg25 : memref<!tpu.dma_semaphore, #tpu.memory_space<semaphore_mem>>)
    %mul3A_229 = arith.constant 6272 : i32
    %mul3A_230 = arith.muli %arg1, %mul3A_229 : i32
    %add3A_231 = arith.constant 336 : i32
    %add3A_232 = arith.addi %mul3A_230, %add3A_231 : i32
    %multiple_of3A_233 = tpu.assume_multiple %add3A_232, 112 : i32
    %dma_start3A_234 = tpu.memref_slice %arg3[%multiple_of3A_233] : memref<100352xi32, #tpu.memory_space<hbm>> -> memref<112xi32, #tpu.memory_space<hbm>>
    %dma_start3A_235 = tpu.memref_slice %arg3[%multiple_of3A_233] : memref<100352xi32, #tpu.memory_space<hbm>> -> memref<112xi32, #tpu.memory_space<hbm>>
    tpu.enqueue_dma source(%dma_start3A_235 : memref<112xi32, #tpu.memory_space<hbm>>) target(%arg9 : memref<112xi32, #tpu.memory_space<vmem>>) target_semaphore(%arg22 : memref<!tpu.dma_semaphore, #tpu.memory_space<semaphore_mem>>)
    %dma_start3A_236 = arith.constant 0 : i32
    %dma_start3A_237 = tpu.memref_slice %arg2[%multiple_of3A_233, %dma_start3A_236] : memref<100352x32xbf16, #tpu.memory_space<hbm>> -> memref<112x32xbf16, #tpu.memory_space<hbm>>
    %dma_start3A_238 = arith.constant 0 : i32
    %dma_start3A_239 = tpu.memref_slice %arg2[%multiple_of3A_233, %dma_start3A_238] : memref<100352x32xbf16, #tpu.memory_space<hbm>> -> memref<112x32xbf16, #tpu.memory_space<hbm>>
    tpu.enqueue_dma source(%dma_start3A_239 : memref<112x32xbf16, #tpu.memory_space<hbm>>) target(%arg17 : memref<112x32xbf16, #tpu.memory_space<vmem>>) target_semaphore(%arg26 : memref<!tpu.dma_semaphore, #tpu.memory_space<semaphore_mem>>)
    %scan3A_240 = arith.constant 0 : i32
    %scan3A_241 = arith.constant 0 : i32
    %scan3A_242 = arith.constant 14 : i32
    %scan3A_243 = arith.addi %scan3A_241, %scan3A_242 : i32
    %scan3A_244 = arith.constant 1 : i32
    scf.for %scan3A_253 = %scan3A_241 to %scan3A_243 step %scan3A_244  : i32 {
      %dma_wait3A = arith.constant 0 : i32
      %dma_wait3A_254 = tpu.memref_slice %arg3[%dma_wait3A] : memref<100352xi32, #tpu.memory_space<hbm>> -> memref<112xi32, #tpu.memory_space<hbm>>
      %dma_wait3A_255 = arith.constant 0 : i32
      %dma_wait3A_256 = tpu.memref_slice %arg3[%dma_wait3A_255] : memref<100352xi32, #tpu.memory_space<hbm>> -> memref<112xi32, #tpu.memory_space<hbm>>
      tpu.wait_dma2 semaphore(%arg19 : memref<!tpu.dma_semaphore, #tpu.memory_space<semaphore_mem>>) src(%dma_wait3A_256 : memref<112xi32, #tpu.memory_space<hbm>>) dst(%arg6 : memref<112xi32, #tpu.memory_space<vmem>>)
      %dma_wait3A_257 = arith.constant 0 : i32
      %dma_wait3A_258 = arith.constant 0 : i32
      %dma_wait3A_259 = tpu.memref_slice %arg2[%dma_wait3A_257, %dma_wait3A_258] : memref<100352x32xbf16, #tpu.memory_space<hbm>> -> memref<112x32xbf16, #tpu.memory_space<hbm>>
      %dma_wait3A_260 = arith.constant 0 : i32
      %dma_wait3A_261 = arith.constant 0 : i32
      %dma_wait3A_262 = tpu.memref_slice %arg2[%dma_wait3A_260, %dma_wait3A_261] : memref<100352x32xbf16, #tpu.memory_space<hbm>> -> memref<112x32xbf16, #tpu.memory_space<hbm>>
      tpu.wait_dma2 semaphore(%arg23 : memref<!tpu.dma_semaphore, #tpu.memory_space<semaphore_mem>>) src(%dma_wait3A_262 : memref<112x32xbf16, #tpu.memory_space<hbm>>) dst(%arg14 : memref<112x32xbf16, #tpu.memory_space<vmem>>)
      %get3A = arith.constant 0 : index
      %get3A_263 = tpu.vector_load %arg6[%get3A] {strides = array<i32>} : memref<112xi32, #tpu.memory_space<vmem>>, vector<16xi32>,
      %get3A_264 = vector.shape_cast %get3A_263 : vector<16xi32> to vector<16xi32>
      %sub3A = vector.broadcast %mul3A_130 : i32 to vector<16xi32>
      %sub3A_265 = arith.subi %get3A_264, %sub3A : vector<16xi32>
      %lt3A = arith.constant 0 : i32
      %lt3A_266 = vector.broadcast %lt3A : i32 to vector<16xi32>
      %lt3A_267 = arith.cmpi slt, %sub3A_265, %lt3A_266 : vector<16xi32>
      %ge3A = arith.constant 65536 : i32
      %ge3A_268 = vector.broadcast %ge3A : i32 to vector<16xi32>
      %ge3A_269 = arith.cmpi sge, %sub3A_265, %ge3A_268 : vector<16xi32>
      %or3A = arith.ori %lt3A_267, %ge3A_269 : vector<16xi1>
      %add3A_270 = arith.constant 0 : i32
      %add3A_271 = vector.broadcast %add3A_270 : i32 to vector<16xi32>
      %add3A_272 = arith.addi %iota3A, %add3A_271 : vector<16xi32>
      %mul3A_273 = arith.constant 112 : i32
      %mul3A_274 = arith.muli %arg1, %mul3A_273 : i32
      %add3A_275 = vector.broadcast %mul3A_274 : i32 to vector<16xi32>
      %add3A_276 = arith.addi %add3A_272, %add3A_275 : vector<16xi32>
      %and3A = arith.constant 1023 : i32
      %and3A_277 = vector.broadcast %and3A : i32 to vector<16xi32>
      %and3A_278 = arith.andi %add3A_276, %and3A_277 : vector<16xi32>
      %add3A_279 = arith.constant 65536 : i32
      %add3A_280 = vector.broadcast %add3A_279 : i32 to vector<16xi32>
      %add3A_281 = arith.addi %add3A_280, %and3A_278 : vector<16xi32>
      %select_n3A = arith.select %or3A, %add3A_281, %sub3A_265 : vector<16xi1>, vector<16xi32>
      %swap3A = arith.constant 0 : index
      %swap3A_282 = tpu.vector_load %arg10[%swap3A] {strides = array<i32>} : memref<112xi32, #tpu.memory_space<vmem>>, vector<16xi32>,
      %swap3A_283 = vector.shape_cast %swap3A_282 : vector<16xi32> to vector<16xi32>
      %swap3A_284 = vector.shape_cast %select_n3A : vector<16xi32> to vector<16xi32>
      tpu.vector_store %arg10[%swap3A], %swap3A_284 {strides = array<i32>} : memref<112xi32, #tpu.memory_space<vmem>>, vector<16xi32>,
      %get3A_285 = arith.constant 16 : index
      %get3A_286 = tpu.vector_load %arg6[%get3A_285] {strides = array<i32>} : memref<112xi32, #tpu.memory_space<vmem>>, vector<16xi32>,
      %get3A_287 = vector.shape_cast %get3A_286 : vector<16xi32> to vector<16xi32>
      %sub3A_288 = vector.broadcast %mul3A_130 : i32 to vector<16xi32>
      %sub3A_289 = arith.subi %get3A_287, %sub3A_288 : vector<16xi32>
      %lt3A_290 = arith.constant 0 : i32
      %lt3A_291 = vector.broadcast %lt3A_290 : i32 to vector<16xi32>
      %lt3A_292 = arith.cmpi slt, %sub3A_289, %lt3A_291 : vector<16xi32>
      %ge3A_293 = arith.constant 65536 : i32
      %ge3A_294 = vector.broadcast %ge3A_293 : i32 to vector<16xi32>
      %ge3A_295 = arith.cmpi sge, %sub3A_289, %ge3A_294 : vector<16xi32>
      %or3A_296 = arith.ori %lt3A_292, %ge3A_295 : vector<16xi1>
      %add3A_297 = arith.constant 16 : i32
      %add3A_298 = vector.broadcast %add3A_297 : i32 to vector<16xi32>
      %add3A_299 = arith.addi %iota3A, %add3A_298 : vector<16xi32>
      %mul3A_300 = arith.constant 112 : i32
      %mul3A_301 = arith.muli %arg1, %mul3A_300 : i32
      %add3A_302 = vector.broadcast %mul3A_301 : i32 to vector<16xi32>
      %add3A_303 = arith.addi %add3A_299, %add3A_302 : vector<16xi32>
      %and3A_304 = arith.constant 1023 : i32
      %and3A_305 = vector.broadcast %and3A_304 : i32 to vector<16xi32>
      %and3A_306 = arith.andi %add3A_303, %and3A_305 : vector<16xi32>
      %add3A_307 = arith.constant 65536 : i32
      %add3A_308 = vector.broadcast %add3A_307 : i32 to vector<16xi32>
      %add3A_309 = arith.addi %add3A_308, %and3A_306 : vector<16xi32>
      %select_n3A_310 = arith.select %or3A_296, %add3A_309, %sub3A_289 : vector<16xi1>, vector<16xi32>
      %swap3A_311 = arith.constant 16 : index
      %swap3A_312 = tpu.vector_load %arg10[%swap3A_311] {strides = array<i32>} : memref<112xi32, #tpu.memory_space<vmem>>, vector<16xi32>,
      %swap3A_313 = vector.shape_cast %swap3A_312 : vector<16xi32> to vector<16xi32>
      %swap3A_314 = vector.shape_cast %select_n3A_310 : vector<16xi32> to vector<16xi32>
      tpu.vector_store %arg10[%swap3A_311], %swap3A_314 {strides = array<i32>} : memref<112xi32, #tpu.memory_space<vmem>>, vector<16xi32>,
      %get3A_315 = arith.constant 32 : index
      %get3A_316 = tpu.vector_load %arg6[%get3A_315] {strides = array<i32>} : memref<112xi32, #tpu.memory_space<vmem>>, vector<16xi32>,
      %get3A_317 = vector.shape_cast %get3A_316 : vector<16xi32> to vector<16xi32>
      %sub3A_318 = vector.broadcast %mul3A_130 : i32 to vector<16xi32>
      %sub3A_319 = arith.subi %get3A_317, %sub3A_318 : vector<16xi32>
      %lt3A_320 = arith.constant 0 : i32
      %lt3A_321 = vector.broadcast %lt3A_320 : i32 to vector<16xi32>
      %lt3A_322 = arith.cmpi slt, %sub3A_319, %lt3A_321 : vector<16xi32>
      %ge3A_323 = arith.constant 65536 : i32
      %ge3A_324 = vector.broadcast %ge3A_323 : i32 to vector<16xi32>
      %ge3A_325 = arith.cmpi sge, %sub3A_319, %ge3A_324 : vector<16xi32>
      %or3A_326 = arith.ori %lt3A_322, %ge3A_325 : vector<16xi1>
      %add3A_327 = arith.constant 32 : i32
      %add3A_328 = vector.broadcast %add3A_327 : i32 to vector<16xi32>
      %add3A_329 = arith.addi %iota3A, %add3A_328 : vector<16xi32>
      %mul3A_330 = arith.constant 112 : i32
      %mul3A_331 = arith.muli %arg1, %mul3A_330 : i32
      %add3A_332 = vector.broadcast %mul3A_331 : i32 to vector<16xi32>
      %add3A_333 = arith.addi %add3A_329, %add3A_332 : vector<16xi32>
      %and3A_334 = arith.constant 1023 : i32
      %and3A_335 = vector.broadcast %and3A_334 : i32 to vector<16xi32>
      %and3A_336 = arith.andi %add3A_333, %and3A_335 : vector<16xi32>
      %add3A_337 = arith.constant 65536 : i32
      %add3A_338 = vector.broadcast %add3A_337 : i32 to vector<16xi32>
      %add3A_339 = arith.addi %add3A_338, %and3A_336 : vector<16xi32>
      %select_n3A_340 = arith.select %or3A_326, %add3A_339, %sub3A_319 : vector<16xi1>, vector<16xi32>
      %swap3A_341 = arith.constant 32 : index
      %swap3A_342 = tpu.vector_load %arg10[%swap3A_341] {strides = array<i32>} : memref<112xi32, #tpu.memory_space<vmem>>, vector<16xi32>,
      %swap3A_343 = vector.shape_cast %swap3A_342 : vector<16xi32> to vector<16xi32>
      %swap3A_344 = vector.shape_cast %select_n3A_340 : vector<16xi32> to vector<16xi32>
      tpu.vector_store %arg10[%swap3A_341], %swap3A_344 {strides = array<i32>} : memref<112xi32, #tpu.memory_space<vmem>>, vector<16xi32>,
      %get3A_345 = arith.constant 48 : index
      %get3A_346 = tpu.vector_load %arg6[%get3A_345] {strides = array<i32>} : memref<112xi32, #tpu.memory_space<vmem>>, vector<16xi32>,
      %get3A_347 = vector.shape_cast %get3A_346 : vector<16xi32> to vector<16xi32>
      %sub3A_348 = vector.broadcast %mul3A_130 : i32 to vector<16xi32>
      %sub3A_349 = arith.subi %get3A_347, %sub3A_348 : vector<16xi32>
      %lt3A_350 = arith.constant 0 : i32
      %lt3A_351 = vector.broadcast %lt3A_350 : i32 to vector<16xi32>
      %lt3A_352 = arith.cmpi slt, %sub3A_349, %lt3A_351 : vector<16xi32>
      %ge3A_353 = arith.constant 65536 : i32
      %ge3A_354 = vector.broadcast %ge3A_353 : i32 to vector<16xi32>
      %ge3A_355 = arith.cmpi sge, %sub3A_349, %ge3A_354 : vector<16xi32>
      %or3A_356 = arith.ori %lt3A_352, %ge3A_355 : vector<16xi1>
      %add3A_357 = arith.constant 48 : i32
      %add3A_358 = vector.broadcast %add3A_357 : i32 to vector<16xi32>
      %add3A_359 = arith.addi %iota3A, %add3A_358 : vector<16xi32>
      %mul3A_360 = arith.constant 112 : i32
      %mul3A_361 = arith.muli %arg1, %mul3A_360 : i32
      %add3A_362 = vector.broadcast %mul3A_361 : i32 to vector<16xi32>
      %add3A_363 = arith.addi %add3A_359, %add3A_362 : vector<16xi32>
      %and3A_364 = arith.constant 1023 : i32
      %and3A_365 = vector.broadcast %and3A_364 : i32 to vector<16xi32>
      %and3A_366 = arith.andi %add3A_363, %and3A_365 : vector<16xi32>
      %add3A_367 = arith.constant 65536 : i32
      %add3A_368 = vector.broadcast %add3A_367 : i32 to vector<16xi32>
      %add3A_369 = arith.addi %add3A_368, %and3A_366 : vector<16xi32>
      %select_n3A_370 = arith.select %or3A_356, %add3A_369, %sub3A_349 : vector<16xi1>, vector<16xi32>
      %swap3A_371 = arith.constant 48 : index
      %swap3A_372 = tpu.vector_load %arg10[%swap3A_371] {strides = array<i32>} : memref<112xi32, #tpu.memory_space<vmem>>, vector<16xi32>,
      %swap3A_373 = vector.shape_cast %swap3A_372 : vector<16xi32> to vector<16xi32>
      %swap3A_374 = vector.shape_cast %select_n3A_370 : vector<16xi32> to vector<16xi32>
      tpu.vector_store %arg10[%swap3A_371], %swap3A_374 {strides = array<i32>} : memref<112xi32, #tpu.memory_space<vmem>>, vector<16xi32>,
      %get3A_375 = arith.constant 64 : index
      %get3A_376 = tpu.vector_load %arg6[%get3A_375] {strides = array<i32>} : memref<112xi32, #tpu.memory_space<vmem>>, vector<16xi32>,
      %get3A_377 = vector.shape_cast %get3A_376 : vector<16xi32> to vector<16xi32>
      %sub3A_378 = vector.broadcast %mul3A_130 : i32 to vector<16xi32>
      %sub3A_379 = arith.subi %get3A_377, %sub3A_378 : vector<16xi32>
      %lt3A_380 = arith.constant 0 : i32
      %lt3A_381 = vector.broadcast %lt3A_380 : i32 to vector<16xi32>
      %lt3A_382 = arith.cmpi slt, %sub3A_379, %lt3A_381 : vector<16xi32>
      %ge3A_383 = arith.constant 65536 : i32
      %ge3A_384 = vector.broadcast %ge3A_383 : i32 to vector<16xi32>
      %ge3A_385 = arith.cmpi sge, %sub3A_379, %ge3A_384 : vector<16xi32>
      %or3A_386 = arith.ori %lt3A_382, %ge3A_385 : vector<16xi1>
      %add3A_387 = arith.constant 64 : i32
      %add3A_388 = vector.broadcast %add3A_387 : i32 to vector<16xi32>
      %add3A_389 = arith.addi %iota3A, %add3A_388 : vector<16xi32>
      %mul3A_390 = arith.constant 112 : i32
      %mul3A_391 = arith.muli %arg1, %mul3A_390 : i32
      %add3A_392 = vector.broadcast %mul3A_391 : i32 to vector<16xi32>
      %add3A_393 = arith.addi %add3A_389, %add3A_392 : vector<16xi32>
      %and3A_394 = arith.constant 1023 : i32
      %and3A_395 = vector.broadcast %and3A_394 : i32 to vector<16xi32>
      %and3A_396 = arith.andi %add3A_393, %and3A_395 : vector<16xi32>
      %add3A_397 = arith.constant 65536 : i32
      %add3A_398 = vector.broadcast %add3A_397 : i32 to vector<16xi32>
      %add3A_399 = arith.addi %add3A_398, %and3A_396 : vector<16xi32>
      %select_n3A_400 = arith.select %or3A_386, %add3A_399, %sub3A_379 : vector<16xi1>, vector<16xi32>
      %swap3A_401 = arith.constant 64 : index
      %swap3A_402 = tpu.vector_load %arg10[%swap3A_401] {strides = array<i32>} : memref<112xi32, #tpu.memory_space<vmem>>, vector<16xi32>,
      %swap3A_403 = vector.shape_cast %swap3A_402 : vector<16xi32> to vector<16xi32>
      %swap3A_404 = vector.shape_cast %select_n3A_400 : vector<16xi32> to vector<16xi32>
      tpu.vector_store %arg10[%swap3A_401], %swap3A_404 {strides = array<i32>} : memref<112xi32, #tpu.memory_space<vmem>>, vector<16xi32>,
      %get3A_405 = arith.constant 80 : index
      %get3A_406 = tpu.vector_load %arg6[%get3A_405] {strides = array<i32>} : memref<112xi32, #tpu.memory_space<vmem>>, vector<16xi32>,
      %get3A_407 = vector.shape_cast %get3A_406 : vector<16xi32> to vector<16xi32>
      %sub3A_408 = vector.broadcast %mul3A_130 : i32 to vector<16xi32>
      %sub3A_409 = arith.subi %get3A_407, %sub3A_408 : vector<16xi32>
      %lt3A_410 = arith.constant 0 : i32
      %lt3A_411 = vector.broadcast %lt3A_410 : i32 to vector<16xi32>
      %lt3A_412 = arith.cmpi slt, %sub3A_409, %lt3A_411 : vector<16xi32>
      %ge3A_413 = arith.constant 65536 : i32
      %ge3A_414 = vector.broadcast %ge3A_413 : i32 to vector<16xi32>
      %ge3A_415 = arith.cmpi sge, %sub3A_409, %ge3A_414 : vector<16xi32>
      %or3A_416 = arith.ori %lt3A_412, %ge3A_415 : vector<16xi1>
      %add3A_417 = arith.constant 80 : i32
      %add3A_418 = vector.broadcast %add3A_417 : i32 to vector<16xi32>
      %add3A_419 = arith.addi %iota3A, %add3A_418 : vector<16xi32>
      %mul3A_420 = arith.constant 112 : i32
      %mul3A_421 = arith.muli %arg1, %mul3A_420 : i32
      %add3A_422 = vector.broadcast %mul3A_421 : i32 to vector<16xi32>
      %add3A_423 = arith.addi %add3A_419, %add3A_422 : vector<16xi32>
      %and3A_424 = arith.constant 1023 : i32
      %and3A_425 = vector.broadcast %and3A_424 : i32 to vector<16xi32>
      %and3A_426 = arith.andi %add3A_423, %and3A_425 : vector<16xi32>
      %add3A_427 = arith.constant 65536 : i32
      %add3A_428 = vector.broadcast %add3A_427 : i32 to vector<16xi32>
      %add3A_429 = arith.addi %add3A_428, %and3A_426 : vector<16xi32>
      %select_n3A_430 = arith.select %or3A_416, %add3A_429, %sub3A_409 : vector<16xi1>, vector<16xi32>
      %swap3A_431 = arith.constant 80 : index
      %swap3A_432 = tpu.vector_load %arg10[%swap3A_431] {strides = array<i32>} : memref<112xi32, #tpu.memory_space<vmem>>, vector<16xi32>,
      %swap3A_433 = vector.shape_cast %swap3A_432 : vector<16xi32> to vector<16xi32>
      %swap3A_434 = vector.shape_cast %select_n3A_430 : vector<16xi32> to vector<16xi32>
      tpu.vector_store %arg10[%swap3A_431], %swap3A_434 {strides = array<i32>} : memref<112xi32, #tpu.memory_space<vmem>>, vector<16xi32>,
      %get3A_435 = arith.constant 96 : index
      %get3A_436 = tpu.vector_load %arg6[%get3A_435] {strides = array<i32>} : memref<112xi32, #tpu.memory_space<vmem>>, vector<16xi32>,
      %get3A_437 = vector.shape_cast %get3A_436 : vector<16xi32> to vector<16xi32>
      %sub3A_438 = vector.broadcast %mul3A_130 : i32 to vector<16xi32>
      %sub3A_439 = arith.subi %get3A_437, %sub3A_438 : vector<16xi32>
      %lt3A_440 = arith.constant 0 : i32
      %lt3A_441 = vector.broadcast %lt3A_440 : i32 to vector<16xi32>
      %lt3A_442 = arith.cmpi slt, %sub3A_439, %lt3A_441 : vector<16xi32>
      %ge3A_443 = arith.constant 65536 : i32
      %ge3A_444 = vector.broadcast %ge3A_443 : i32 to vector<16xi32>
      %ge3A_445 = arith.cmpi sge, %sub3A_439, %ge3A_444 : vector<16xi32>
      %or3A_446 = arith.ori %lt3A_442, %ge3A_445 : vector<16xi1>
      %add3A_447 = arith.constant 96 : i32
      %add3A_448 = vector.broadcast %add3A_447 : i32 to vector<16xi32>
      %add3A_449 = arith.addi %iota3A, %add3A_448 : vector<16xi32>
      %mul3A_450 = arith.constant 112 : i32
      %mul3A_451 = arith.muli %arg1, %mul3A_450 : i32
      %add3A_452 = vector.broadcast %mul3A_451 : i32 to vector<16xi32>
      %add3A_453 = arith.addi %add3A_449, %add3A_452 : vector<16xi32>
      %and3A_454 = arith.constant 1023 : i32
      %and3A_455 = vector.broadcast %and3A_454 : i32 to vector<16xi32>
      %and3A_456 = arith.andi %add3A_453, %and3A_455 : vector<16xi32>
      %add3A_457 = arith.constant 65536 : i32
      %add3A_458 = vector.broadcast %add3A_457 : i32 to vector<16xi32>
      %add3A_459 = arith.addi %add3A_458, %and3A_456 : vector<16xi32>
      %select_n3A_460 = arith.select %or3A_446, %add3A_459, %sub3A_439 : vector<16xi1>, vector<16xi32>
      %swap3A_461 = arith.constant 96 : index
      %swap3A_462 = tpu.vector_load %arg10[%swap3A_461] {strides = array<i32>} : memref<112xi32, #tpu.memory_space<vmem>>, vector<16xi32>,
      %swap3A_463 = vector.shape_cast %swap3A_462 : vector<16xi32> to vector<16xi32>
      %swap3A_464 = vector.shape_cast %select_n3A_460 : vector<16xi32> to vector<16xi32>
      tpu.vector_store %arg10[%swap3A_461], %swap3A_464 {strides = array<i32>} : memref<112xi32, #tpu.memory_space<vmem>>, vector<16xi32>,
      %dma_start3A_465 = arith.constant 0 : i32
      %dma_start3A_466 = arith.constant 0 : i32
      %dma_start3A_467 = tpu.memref_slice %arg5[%dma_start3A_465, %dma_start3A_466] : memref<66560x32xbf16, #tpu.memory_space<vmem_shared>> -> memref<66560x32xbf16, #tpu.memory_space<vmem_shared>>
      tpu.enqueue_indirect_dma source(%arg14 : memref<112x32xbf16, #tpu.memory_space<vmem>>) target(%dma_start3A_467 : memref<66560x32xbf16, #tpu.memory_space<vmem_shared>>) offsets(%arg10 : memref<112xi32, #tpu.memory_space<vmem>>) semaphore(%arg27 : memref<!tpu.dma_semaphore, #tpu.memory_space<semaphore_mem>>) {add = true}
      %dma_wait3A_468 = arith.constant 0 : i32
      %dma_wait3A_469 = tpu.memref_slice %arg3[%dma_wait3A_468] : memref<100352xi32, #tpu.memory_space<hbm>> -> memref<112xi32, #tpu.memory_space<hbm>>
      %dma_wait3A_470 = arith.constant 0 : i32
      %dma_wait3A_471 = tpu.memref_slice %arg3[%dma_wait3A_470] : memref<100352xi32, #tpu.memory_space<hbm>> -> memref<112xi32, #tpu.memory_space<hbm>>
      tpu.wait_dma2 semaphore(%arg20 : memref<!tpu.dma_semaphore, #tpu.memory_space<semaphore_mem>>) src(%dma_wait3A_471 : memref<112xi32, #tpu.memory_space<hbm>>) dst(%arg7 : memref<112xi32, #tpu.memory_space<vmem>>)
      %dma_wait3A_472 = arith.constant 0 : i32
      %dma_wait3A_473 = arith.constant 0 : i32
      %dma_wait3A_474 = tpu.memref_slice %arg2[%dma_wait3A_472, %dma_wait3A_473] : memref<100352x32xbf16, #tpu.memory_space<hbm>> -> memref<112x32xbf16, #tpu.memory_space<hbm>>
      %dma_wait3A_475 = arith.constant 0 : i32
      %dma_wait3A_476 = arith.constant 0 : i32
      %dma_wait3A_477 = tpu.memref_slice %arg2[%dma_wait3A_475, %dma_wait3A_476] : memref<100352x32xbf16, #tpu.memory_space<hbm>> -> memref<112x32xbf16, #tpu.memory_space<hbm>>
      tpu.wait_dma2 semaphore(%arg24 : memref<!tpu.dma_semaphore, #tpu.memory_space<semaphore_mem>>) src(%dma_wait3A_477 : memref<112x32xbf16, #tpu.memory_space<hbm>>) dst(%arg15 : memref<112x32xbf16, #tpu.memory_space<vmem>>)
      %get3A_478 = arith.constant 0 : index
      %get3A_479 = tpu.vector_load %arg7[%get3A_478] {strides = array<i32>} : memref<112xi32, #tpu.memory_space<vmem>>, vector<16xi32>,
      %get3A_480 = vector.shape_cast %get3A_479 : vector<16xi32> to vector<16xi32>
      %sub3A_481 = vector.broadcast %mul3A_130 : i32 to vector<16xi32>
      %sub3A_482 = arith.subi %get3A_480, %sub3A_481 : vector<16xi32>
      %lt3A_483 = arith.constant 0 : i32
      %lt3A_484 = vector.broadcast %lt3A_483 : i32 to vector<16xi32>
      %lt3A_485 = arith.cmpi slt, %sub3A_482, %lt3A_484 : vector<16xi32>
      %ge3A_486 = arith.constant 65536 : i32
      %ge3A_487 = vector.broadcast %ge3A_486 : i32 to vector<16xi32>
      %ge3A_488 = arith.cmpi sge, %sub3A_482, %ge3A_487 : vector<16xi32>
      %or3A_489 = arith.ori %lt3A_485, %ge3A_488 : vector<16xi1>
      %add3A_490 = arith.constant 0 : i32
      %add3A_491 = vector.broadcast %add3A_490 : i32 to vector<16xi32>
      %add3A_492 = arith.addi %iota3A, %add3A_491 : vector<16xi32>
      %mul3A_493 = arith.constant 112 : i32
      %mul3A_494 = arith.muli %arg1, %mul3A_493 : i32
      %add3A_495 = vector.broadcast %mul3A_494 : i32 to vector<16xi32>
      %add3A_496 = arith.addi %add3A_492, %add3A_495 : vector<16xi32>
      %and3A_497 = arith.constant 1023 : i32
      %and3A_498 = vector.broadcast %and3A_497 : i32 to vector<16xi32>
      %and3A_499 = arith.andi %add3A_496, %and3A_498 : vector<16xi32>
      %add3A_500 = arith.constant 65536 : i32
      %add3A_501 = vector.broadcast %add3A_500 : i32 to vector<16xi32>
      %add3A_502 = arith.addi %add3A_501, %and3A_499 : vector<16xi32>
      %select_n3A_503 = arith.select %or3A_489, %add3A_502, %sub3A_482 : vector<16xi1>, vector<16xi32>
      %swap3A_504 = arith.constant 0 : index
      %swap3A_505 = tpu.vector_load %arg11[%swap3A_504] {strides = array<i32>} : memref<112xi32, #tpu.memory_space<vmem>>, vector<16xi32>,
      %swap3A_506 = vector.shape_cast %swap3A_505 : vector<16xi32> to vector<16xi32>
      %swap3A_507 = vector.shape_cast %select_n3A_503 : vector<16xi32> to vector<16xi32>
      tpu.vector_store %arg11[%swap3A_504], %swap3A_507 {strides = array<i32>} : memref<112xi32, #tpu.memory_space<vmem>>, vector<16xi32>,
      %get3A_508 = arith.constant 16 : index
      %get3A_509 = tpu.vector_load %arg7[%get3A_508] {strides = array<i32>} : memref<112xi32, #tpu.memory_space<vmem>>, vector<16xi32>,
      %get3A_510 = vector.shape_cast %get3A_509 : vector<16xi32> to vector<16xi32>
      %sub3A_511 = vector.broadcast %mul3A_130 : i32 to vector<16xi32>
      %sub3A_512 = arith.subi %get3A_510, %sub3A_511 : vector<16xi32>
      %lt3A_513 = arith.constant 0 : i32
      %lt3A_514 = vector.broadcast %lt3A_513 : i32 to vector<16xi32>
      %lt3A_515 = arith.cmpi slt, %sub3A_512, %lt3A_514 : vector<16xi32>
      %ge3A_516 = arith.constant 65536 : i32
      %ge3A_517 = vector.broadcast %ge3A_516 : i32 to vector<16xi32>
      %ge3A_518 = arith.cmpi sge, %sub3A_512, %ge3A_517 : vector<16xi32>
      %or3A_519 = arith.ori %lt3A_515, %ge3A_518 : vector<16xi1>
      %add3A_520 = arith.constant 16 : i32
      %add3A_521 = vector.broadcast %add3A_520 : i32 to vector<16xi32>
      %add3A_522 = arith.addi %iota3A, %add3A_521 : vector<16xi32>
      %mul3A_523 = arith.constant 112 : i32
      %mul3A_524 = arith.muli %arg1, %mul3A_523 : i32
      %add3A_525 = vector.broadcast %mul3A_524 : i32 to vector<16xi32>
      %add3A_526 = arith.addi %add3A_522, %add3A_525 : vector<16xi32>
      %and3A_527 = arith.constant 1023 : i32
      %and3A_528 = vector.broadcast %and3A_527 : i32 to vector<16xi32>
      %and3A_529 = arith.andi %add3A_526, %and3A_528 : vector<16xi32>
      %add3A_530 = arith.constant 65536 : i32
      %add3A_531 = vector.broadcast %add3A_530 : i32 to vector<16xi32>
      %add3A_532 = arith.addi %add3A_531, %and3A_529 : vector<16xi32>
      %select_n3A_533 = arith.select %or3A_519, %add3A_532, %sub3A_512 : vector<16xi1>, vector<16xi32>
      %swap3A_534 = arith.constant 16 : index
      %swap3A_535 = tpu.vector_load %arg11[%swap3A_534] {strides = array<i32>} : memref<112xi32, #tpu.memory_space<vmem>>, vector<16xi32>,
      %swap3A_536 = vector.shape_cast %swap3A_535 : vector<16xi32> to vector<16xi32>
      %swap3A_537 = vector.shape_cast %select_n3A_533 : vector<16xi32> to vector<16xi32>
      tpu.vector_store %arg11[%swap3A_534], %swap3A_537 {strides = array<i32>} : memref<112xi32, #tpu.memory_space<vmem>>, vector<16xi32>,
      %get3A_538 = arith.constant 32 : index
      %get3A_539 = tpu.vector_load %arg7[%get3A_538] {strides = array<i32>} : memref<112xi32, #tpu.memory_space<vmem>>, vector<16xi32>,
      %get3A_540 = vector.shape_cast %get3A_539 : vector<16xi32> to vector<16xi32>
      %sub3A_541 = vector.broadcast %mul3A_130 : i32 to vector<16xi32>
      %sub3A_542 = arith.subi %get3A_540, %sub3A_541 : vector<16xi32>
      %lt3A_543 = arith.constant 0 : i32
      %lt3A_544 = vector.broadcast %lt3A_543 : i32 to vector<16xi32>
      %lt3A_545 = arith.cmpi slt, %sub3A_542, %lt3A_544 : vector<16xi32>
      %ge3A_546 = arith.constant 65536 : i32
      %ge3A_547 = vector.broadcast %ge3A_546 : i32 to vector<16xi32>
      %ge3A_548 = arith.cmpi sge, %sub3A_542, %ge3A_547 : vector<16xi32>
      %or3A_549 = arith.ori %lt3A_545, %ge3A_548 : vector<16xi1>
      %add3A_550 = arith.constant 32 : i32
      %add3A_551 = vector.broadcast %add3A_550 : i32 to vector<16xi32>
      %add3A_552 = arith.addi %iota3A, %add3A_551 : vector<16xi32>
      %mul3A_553 = arith.constant 112 : i32
      %mul3A_554 = arith.muli %arg1, %mul3A_553 : i32
      %add3A_555 = vector.broadcast %mul3A_554 : i32 to vector<16xi32>
      %add3A_556 = arith.addi %add3A_552, %add3A_555 : vector<16xi32>
      %and3A_557 = arith.constant 1023 : i32
      %and3A_558 = vector.broadcast %and3A_557 : i32 to vector<16xi32>
      %and3A_559 = arith.andi %add3A_556, %and3A_558 : vector<16xi32>
      %add3A_560 = arith.constant 65536 : i32
      %add3A_561 = vector.broadcast %add3A_560 : i32 to vector<16xi32>
      %add3A_562 = arith.addi %add3A_561, %and3A_559 : vector<16xi32>
      %select_n3A_563 = arith.select %or3A_549, %add3A_562, %sub3A_542 : vector<16xi1>, vector<16xi32>
      %swap3A_564 = arith.constant 32 : index
      %swap3A_565 = tpu.vector_load %arg11[%swap3A_564] {strides = array<i32>} : memref<112xi32, #tpu.memory_space<vmem>>, vector<16xi32>,
      %swap3A_566 = vector.shape_cast %swap3A_565 : vector<16xi32> to vector<16xi32>
      %swap3A_567 = vector.shape_cast %select_n3A_563 : vector<16xi32> to vector<16xi32>
      tpu.vector_store %arg11[%swap3A_564], %swap3A_567 {strides = array<i32>} : memref<112xi32, #tpu.memory_space<vmem>>, vector<16xi32>,
      %get3A_568 = arith.constant 48 : index
      %get3A_569 = tpu.vector_load %arg7[%get3A_568] {strides = array<i32>} : memref<112xi32, #tpu.memory_space<vmem>>, vector<16xi32>,
      %get3A_570 = vector.shape_cast %get3A_569 : vector<16xi32> to vector<16xi32>
      %sub3A_571 = vector.broadcast %mul3A_130 : i32 to vector<16xi32>
      %sub3A_572 = arith.subi %get3A_570, %sub3A_571 : vector<16xi32>
      %lt3A_573 = arith.constant 0 : i32
      %lt3A_574 = vector.broadcast %lt3A_573 : i32 to vector<16xi32>
      %lt3A_575 = arith.cmpi slt, %sub3A_572, %lt3A_574 : vector<16xi32>
      %ge3A_576 = arith.constant 65536 : i32
      %ge3A_577 = vector.broadcast %ge3A_576 : i32 to vector<16xi32>
      %ge3A_578 = arith.cmpi sge, %sub3A_572, %ge3A_577 : vector<16xi32>
      %or3A_579 = arith.ori %lt3A_575, %ge3A_578 : vector<16xi1>
      %add3A_580 = arith.constant 48 : i32
      %add3A_581 = vector.broadcast %add3A_580 : i32 to vector<16xi32>
      %add3A_582 = arith.addi %iota3A, %add3A_581 : vector<16xi32>
      %mul3A_583 = arith.constant 112 : i32
      %mul3A_584 = arith.muli %arg1, %mul3A_583 : i32
      %add3A_585 = vector.broadcast %mul3A_584 : i32 to vector<16xi32>
      %add3A_586 = arith.addi %add3A_582, %add3A_585 : vector<16xi32>
      %and3A_587 = arith.constant 1023 : i32
      %and3A_588 = vector.broadcast %and3A_587 : i32 to vector<16xi32>
      %and3A_589 = arith.andi %add3A_586, %and3A_588 : vector<16xi32>
      %add3A_590 = arith.constant 65536 : i32
      %add3A_591 = vector.broadcast %add3A_590 : i32 to vector<16xi32>
      %add3A_592 = arith.addi %add3A_591, %and3A_589 : vector<16xi32>
      %select_n3A_593 = arith.select %or3A_579, %add3A_592, %sub3A_572 : vector<16xi1>, vector<16xi32>
      %swap3A_594 = arith.constant 48 : index
      %swap3A_595 = tpu.vector_load %arg11[%swap3A_594] {strides = array<i32>} : memref<112xi32, #tpu.memory_space<vmem>>, vector<16xi32>,
      %swap3A_596 = vector.shape_cast %swap3A_595 : vector<16xi32> to vector<16xi32>
      %swap3A_597 = vector.shape_cast %select_n3A_593 : vector<16xi32> to vector<16xi32>
      tpu.vector_store %arg11[%swap3A_594], %swap3A_597 {strides = array<i32>} : memref<112xi32, #tpu.memory_space<vmem>>, vector<16xi32>,
      %get3A_598 = arith.constant 64 : index
      %get3A_599 = tpu.vector_load %arg7[%get3A_598] {strides = array<i32>} : memref<112xi32, #tpu.memory_space<vmem>>, vector<16xi32>,
      %get3A_600 = vector.shape_cast %get3A_599 : vector<16xi32> to vector<16xi32>
      %sub3A_601 = vector.broadcast %mul3A_130 : i32 to vector<16xi32>
      %sub3A_602 = arith.subi %get3A_600, %sub3A_601 : vector<16xi32>
      %lt3A_603 = arith.constant 0 : i32
      %lt3A_604 = vector.broadcast %lt3A_603 : i32 to vector<16xi32>
      %lt3A_605 = arith.cmpi slt, %sub3A_602, %lt3A_604 : vector<16xi32>
      %ge3A_606 = arith.constant 65536 : i32
      %ge3A_607 = vector.broadcast %ge3A_606 : i32 to vector<16xi32>
      %ge3A_608 = arith.cmpi sge, %sub3A_602, %ge3A_607 : vector<16xi32>
      %or3A_609 = arith.ori %lt3A_605, %ge3A_608 : vector<16xi1>
      %add3A_610 = arith.constant 64 : i32
      %add3A_611 = vector.broadcast %add3A_610 : i32 to vector<16xi32>
      %add3A_612 = arith.addi %iota3A, %add3A_611 : vector<16xi32>
      %mul3A_613 = arith.constant 112 : i32
      %mul3A_614 = arith.muli %arg1, %mul3A_613 : i32
      %add3A_615 = vector.broadcast %mul3A_614 : i32 to vector<16xi32>
      %add3A_616 = arith.addi %add3A_612, %add3A_615 : vector<16xi32>
      %and3A_617 = arith.constant 1023 : i32
      %and3A_618 = vector.broadcast %and3A_617 : i32 to vector<16xi32>
      %and3A_619 = arith.andi %add3A_616, %and3A_618 : vector<16xi32>
      %add3A_620 = arith.constant 65536 : i32
      %add3A_621 = vector.broadcast %add3A_620 : i32 to vector<16xi32>
      %add3A_622 = arith.addi %add3A_621, %and3A_619 : vector<16xi32>
      %select_n3A_623 = arith.select %or3A_609, %add3A_622, %sub3A_602 : vector<16xi1>, vector<16xi32>
      %swap3A_624 = arith.constant 64 : index
      %swap3A_625 = tpu.vector_load %arg11[%swap3A_624] {strides = array<i32>} : memref<112xi32, #tpu.memory_space<vmem>>, vector<16xi32>,
      %swap3A_626 = vector.shape_cast %swap3A_625 : vector<16xi32> to vector<16xi32>
      %swap3A_627 = vector.shape_cast %select_n3A_623 : vector<16xi32> to vector<16xi32>
      tpu.vector_store %arg11[%swap3A_624], %swap3A_627 {strides = array<i32>} : memref<112xi32, #tpu.memory_space<vmem>>, vector<16xi32>,
      %get3A_628 = arith.constant 80 : index
      %get3A_629 = tpu.vector_load %arg7[%get3A_628] {strides = array<i32>} : memref<112xi32, #tpu.memory_space<vmem>>, vector<16xi32>,
      %get3A_630 = vector.shape_cast %get3A_629 : vector<16xi32> to vector<16xi32>
      %sub3A_631 = vector.broadcast %mul3A_130 : i32 to vector<16xi32>
      %sub3A_632 = arith.subi %get3A_630, %sub3A_631 : vector<16xi32>
      %lt3A_633 = arith.constant 0 : i32
      %lt3A_634 = vector.broadcast %lt3A_633 : i32 to vector<16xi32>
      %lt3A_635 = arith.cmpi slt, %sub3A_632, %lt3A_634 : vector<16xi32>
      %ge3A_636 = arith.constant 65536 : i32
      %ge3A_637 = vector.broadcast %ge3A_636 : i32 to vector<16xi32>
      %ge3A_638 = arith.cmpi sge, %sub3A_632, %ge3A_637 : vector<16xi32>
      %or3A_639 = arith.ori %lt3A_635, %ge3A_638 : vector<16xi1>
      %add3A_640 = arith.constant 80 : i32
      %add3A_641 = vector.broadcast %add3A_640 : i32 to vector<16xi32>
      %add3A_642 = arith.addi %iota3A, %add3A_641 : vector<16xi32>
      %mul3A_643 = arith.constant 112 : i32
      %mul3A_644 = arith.muli %arg1, %mul3A_643 : i32
      %add3A_645 = vector.broadcast %mul3A_644 : i32 to vector<16xi32>
      %add3A_646 = arith.addi %add3A_642, %add3A_645 : vector<16xi32>
      %and3A_647 = arith.constant 1023 : i32
      %and3A_648 = vector.broadcast %and3A_647 : i32 to vector<16xi32>
      %and3A_649 = arith.andi %add3A_646, %and3A_648 : vector<16xi32>
      %add3A_650 = arith.constant 65536 : i32
      %add3A_651 = vector.broadcast %add3A_650 : i32 to vector<16xi32>
      %add3A_652 = arith.addi %add3A_651, %and3A_649 : vector<16xi32>
      %select_n3A_653 = arith.select %or3A_639, %add3A_652, %sub3A_632 : vector<16xi1>, vector<16xi32>
      %swap3A_654 = arith.constant 80 : index
      %swap3A_655 = tpu.vector_load %arg11[%swap3A_654] {strides = array<i32>} : memref<112xi32, #tpu.memory_space<vmem>>, vector<16xi32>,
      %swap3A_656 = vector.shape_cast %swap3A_655 : vector<16xi32> to vector<16xi32>
      %swap3A_657 = vector.shape_cast %select_n3A_653 : vector<16xi32> to vector<16xi32>
      tpu.vector_store %arg11[%swap3A_654], %swap3A_657 {strides = array<i32>} : memref<112xi32, #tpu.memory_space<vmem>>, vector<16xi32>,
      %get3A_658 = arith.constant 96 : index
      %get3A_659 = tpu.vector_load %arg7[%get3A_658] {strides = array<i32>} : memref<112xi32, #tpu.memory_space<vmem>>, vector<16xi32>,
      %get3A_660 = vector.shape_cast %get3A_659 : vector<16xi32> to vector<16xi32>
      %sub3A_661 = vector.broadcast %mul3A_130 : i32 to vector<16xi32>
      %sub3A_662 = arith.subi %get3A_660, %sub3A_661 : vector<16xi32>
      %lt3A_663 = arith.constant 0 : i32
      %lt3A_664 = vector.broadcast %lt3A_663 : i32 to vector<16xi32>
      %lt3A_665 = arith.cmpi slt, %sub3A_662, %lt3A_664 : vector<16xi32>
      %ge3A_666 = arith.constant 65536 : i32
      %ge3A_667 = vector.broadcast %ge3A_666 : i32 to vector<16xi32>
      %ge3A_668 = arith.cmpi sge, %sub3A_662, %ge3A_667 : vector<16xi32>
      %or3A_669 = arith.ori %lt3A_665, %ge3A_668 : vector<16xi1>
      %add3A_670 = arith.constant 96 : i32
      %add3A_671 = vector.broadcast %add3A_670 : i32 to vector<16xi32>
      %add3A_672 = arith.addi %iota3A, %add3A_671 : vector<16xi32>
      %mul3A_673 = arith.constant 112 : i32
      %mul3A_674 = arith.muli %arg1, %mul3A_673 : i32
      %add3A_675 = vector.broadcast %mul3A_674 : i32 to vector<16xi32>
      %add3A_676 = arith.addi %add3A_672, %add3A_675 : vector<16xi32>
      %and3A_677 = arith.constant 1023 : i32
      %and3A_678 = vector.broadcast %and3A_677 : i32 to vector<16xi32>
      %and3A_679 = arith.andi %add3A_676, %and3A_678 : vector<16xi32>
      %add3A_680 = arith.constant 65536 : i32
      %add3A_681 = vector.broadcast %add3A_680 : i32 to vector<16xi32>
      %add3A_682 = arith.addi %add3A_681, %and3A_679 : vector<16xi32>
      %select_n3A_683 = arith.select %or3A_669, %add3A_682, %sub3A_662 : vector<16xi1>, vector<16xi32>
      %swap3A_684 = arith.constant 96 : index
      %swap3A_685 = tpu.vector_load %arg11[%swap3A_684] {strides = array<i32>} : memref<112xi32, #tpu.memory_space<vmem>>, vector<16xi32>,
      %swap3A_686 = vector.shape_cast %swap3A_685 : vector<16xi32> to vector<16xi32>
      %swap3A_687 = vector.shape_cast %select_n3A_683 : vector<16xi32> to vector<16xi32>
      tpu.vector_store %arg11[%swap3A_684], %swap3A_687 {strides = array<i32>} : memref<112xi32, #tpu.memory_space<vmem>>, vector<16xi32>,
      %dma_start3A_688 = arith.constant 0 : i32
      %dma_start3A_689 = arith.constant 0 : i32
      %dma_start3A_690 = tpu.memref_slice %arg5[%dma_start3A_688, %dma_start3A_689] : memref<66560x32xbf16, #tpu.memory_space<vmem_shared>> -> memref<66560x32xbf16, #tpu.memory_space<vmem_shared>>
      tpu.enqueue_indirect_dma source(%arg15 : memref<112x32xbf16, #tpu.memory_space<vmem>>) target(%dma_start3A_690 : memref<66560x32xbf16, #tpu.memory_space<vmem_shared>>) offsets(%arg11 : memref<112xi32, #tpu.memory_space<vmem>>) semaphore(%arg28 : memref<!tpu.dma_semaphore, #tpu.memory_space<semaphore_mem>>) {add = true}
      %dma_wait3A_691 = arith.constant 0 : i32
      %dma_wait3A_692 = tpu.memref_slice %arg3[%dma_wait3A_691] : memref<100352xi32, #tpu.memory_space<hbm>> -> memref<112xi32, #tpu.memory_space<hbm>>
      %dma_wait3A_693 = arith.constant 0 : i32
      %dma_wait3A_694 = tpu.memref_slice %arg3[%dma_wait3A_693] : memref<100352xi32, #tpu.memory_space<hbm>> -> memref<112xi32, #tpu.memory_space<hbm>>
      tpu.wait_dma2 semaphore(%arg21 : memref<!tpu.dma_semaphore, #tpu.memory_space<semaphore_mem>>) src(%dma_wait3A_694 : memref<112xi32, #tpu.memory_space<hbm>>) dst(%arg8 : memref<112xi32, #tpu.memory_space<vmem>>)
      %dma_wait3A_695 = arith.constant 0 : i32
      %dma_wait3A_696 = arith.constant 0 : i32
      %dma_wait3A_697 = tpu.memref_slice %arg2[%dma_wait3A_695, %dma_wait3A_696] : memref<100352x32xbf16, #tpu.memory_space<hbm>> -> memref<112x32xbf16, #tpu.memory_space<hbm>>
      %dma_wait3A_698 = arith.constant 0 : i32
      %dma_wait3A_699 = arith.constant 0 : i32
      %dma_wait3A_700 = tpu.memref_slice %arg2[%dma_wait3A_698, %dma_wait3A_699] : memref<100352x32xbf16, #tpu.memory_space<hbm>> -> memref<112x32xbf16, #tpu.memory_space<hbm>>
      tpu.wait_dma2 semaphore(%arg25 : memref<!tpu.dma_semaphore, #tpu.memory_space<semaphore_mem>>) src(%dma_wait3A_700 : memref<112x32xbf16, #tpu.memory_space<hbm>>) dst(%arg16 : memref<112x32xbf16, #tpu.memory_space<vmem>>)
      %get3A_701 = arith.constant 0 : index
      %get3A_702 = tpu.vector_load %arg8[%get3A_701] {strides = array<i32>} : memref<112xi32, #tpu.memory_space<vmem>>, vector<16xi32>,
      %get3A_703 = vector.shape_cast %get3A_702 : vector<16xi32> to vector<16xi32>
      %sub3A_704 = vector.broadcast %mul3A_130 : i32 to vector<16xi32>
      %sub3A_705 = arith.subi %get3A_703, %sub3A_704 : vector<16xi32>
      %lt3A_706 = arith.constant 0 : i32
      %lt3A_707 = vector.broadcast %lt3A_706 : i32 to vector<16xi32>
      %lt3A_708 = arith.cmpi slt, %sub3A_705, %lt3A_707 : vector<16xi32>
      %ge3A_709 = arith.constant 65536 : i32
      %ge3A_710 = vector.broadcast %ge3A_709 : i32 to vector<16xi32>
      %ge3A_711 = arith.cmpi sge, %sub3A_705, %ge3A_710 : vector<16xi32>
      %or3A_712 = arith.ori %lt3A_708, %ge3A_711 : vector<16xi1>
      %add3A_713 = arith.constant 0 : i32
      %add3A_714 = vector.broadcast %add3A_713 : i32 to vector<16xi32>
      %add3A_715 = arith.addi %iota3A, %add3A_714 : vector<16xi32>
      %mul3A_716 = arith.constant 112 : i32
      %mul3A_717 = arith.muli %arg1, %mul3A_716 : i32
      %add3A_718 = vector.broadcast %mul3A_717 : i32 to vector<16xi32>
      %add3A_719 = arith.addi %add3A_715, %add3A_718 : vector<16xi32>
      %and3A_720 = arith.constant 1023 : i32
      %and3A_721 = vector.broadcast %and3A_720 : i32 to vector<16xi32>
      %and3A_722 = arith.andi %add3A_719, %and3A_721 : vector<16xi32>
      %add3A_723 = arith.constant 65536 : i32
      %add3A_724 = vector.broadcast %add3A_723 : i32 to vector<16xi32>
      %add3A_725 = arith.addi %add3A_724, %and3A_722 : vector<16xi32>
      %select_n3A_726 = arith.select %or3A_712, %add3A_725, %sub3A_705 : vector<16xi1>, vector<16xi32>
      %swap3A_727 = arith.constant 0 : index
      %swap3A_728 = tpu.vector_load %arg12[%swap3A_727] {strides = array<i32>} : memref<112xi32, #tpu.memory_space<vmem>>, vector<16xi32>,
      %swap3A_729 = vector.shape_cast %swap3A_728 : vector<16xi32> to vector<16xi32>
      %swap3A_730 = vector.shape_cast %select_n3A_726 : vector<16xi32> to vector<16xi32>
      tpu.vector_store %arg12[%swap3A_727], %swap3A_730 {strides = array<i32>} : memref<112xi32, #tpu.memory_space<vmem>>, vector<16xi32>,
      %get3A_731 = arith.constant 16 : index
      %get3A_732 = tpu.vector_load %arg8[%get3A_731] {strides = array<i32>} : memref<112xi32, #tpu.memory_space<vmem>>, vector<16xi32>,
      %get3A_733 = vector.shape_cast %get3A_732 : vector<16xi32> to vector<16xi32>
      %sub3A_734 = vector.broadcast %mul3A_130 : i32 to vector<16xi32>
      %sub3A_735 = arith.subi %get3A_733, %sub3A_734 : vector<16xi32>
      %lt3A_736 = arith.constant 0 : i32
      %lt3A_737 = vector.broadcast %lt3A_736 : i32 to vector<16xi32>
      %lt3A_738 = arith.cmpi slt, %sub3A_735, %lt3A_737 : vector<16xi32>
      %ge3A_739 = arith.constant 65536 : i32
      %ge3A_740 = vector.broadcast %ge3A_739 : i32 to vector<16xi32>
      %ge3A_741 = arith.cmpi sge, %sub3A_735, %ge3A_740 : vector<16xi32>
      %or3A_742 = arith.ori %lt3A_738, %ge3A_741 : vector<16xi1>
      %add3A_743 = arith.constant 16 : i32
      %add3A_744 = vector.broadcast %add3A_743 : i32 to vector<16xi32>
      %add3A_745 = arith.addi %iota3A, %add3A_744 : vector<16xi32>
      %mul3A_746 = arith.constant 112 : i32
      %mul3A_747 = arith.muli %arg1, %mul3A_746 : i32
      %add3A_748 = vector.broadcast %mul3A_747 : i32 to vector<16xi32>
      %add3A_749 = arith.addi %add3A_745, %add3A_748 : vector<16xi32>
      %and3A_750 = arith.constant 1023 : i32
      %and3A_751 = vector.broadcast %and3A_750 : i32 to vector<16xi32>
      %and3A_752 = arith.andi %add3A_749, %and3A_751 : vector<16xi32>
      %add3A_753 = arith.constant 65536 : i32
      %add3A_754 = vector.broadcast %add3A_753 : i32 to vector<16xi32>
      %add3A_755 = arith.addi %add3A_754, %and3A_752 : vector<16xi32>
      %select_n3A_756 = arith.select %or3A_742, %add3A_755, %sub3A_735 : vector<16xi1>, vector<16xi32>
      %swap3A_757 = arith.constant 16 : index
      %swap3A_758 = tpu.vector_load %arg12[%swap3A_757] {strides = array<i32>} : memref<112xi32, #tpu.memory_space<vmem>>, vector<16xi32>,
      %swap3A_759 = vector.shape_cast %swap3A_758 : vector<16xi32> to vector<16xi32>
      %swap3A_760 = vector.shape_cast %select_n3A_756 : vector<16xi32> to vector<16xi32>
      tpu.vector_store %arg12[%swap3A_757], %swap3A_760 {strides = array<i32>} : memref<112xi32, #tpu.memory_space<vmem>>, vector<16xi32>,
      %get3A_761 = arith.constant 32 : index
      %get3A_762 = tpu.vector_load %arg8[%get3A_761] {strides = array<i32>} : memref<112xi32, #tpu.memory_space<vmem>>, vector<16xi32>,
      %get3A_763 = vector.shape_cast %get3A_762 : vector<16xi32> to vector<16xi32>
      %sub3A_764 = vector.broadcast %mul3A_130 : i32 to vector<16xi32>
      %sub3A_765 = arith.subi %get3A_763, %sub3A_764 : vector<16xi32>
      %lt3A_766 = arith.constant 0 : i32
      %lt3A_767 = vector.broadcast %lt3A_766 : i32 to vector<16xi32>
      %lt3A_768 = arith.cmpi slt, %sub3A_765, %lt3A_767 : vector<16xi32>
      %ge3A_769 = arith.constant 65536 : i32
      %ge3A_770 = vector.broadcast %ge3A_769 : i32 to vector<16xi32>
      %ge3A_771 = arith.cmpi sge, %sub3A_765, %ge3A_770 : vector<16xi32>
      %or3A_772 = arith.ori %lt3A_768, %ge3A_771 : vector<16xi1>
      %add3A_773 = arith.constant 32 : i32
      %add3A_774 = vector.broadcast %add3A_773 : i32 to vector<16xi32>
      %add3A_775 = arith.addi %iota3A, %add3A_774 : vector<16xi32>
      %mul3A_776 = arith.constant 112 : i32
      %mul3A_777 = arith.muli %arg1, %mul3A_776 : i32
      %add3A_778 = vector.broadcast %mul3A_777 : i32 to vector<16xi32>
      %add3A_779 = arith.addi %add3A_775, %add3A_778 : vector<16xi32>
      %and3A_780 = arith.constant 1023 : i32
      %and3A_781 = vector.broadcast %and3A_780 : i32 to vector<16xi32>
      %and3A_782 = arith.andi %add3A_779, %and3A_781 : vector<16xi32>
      %add3A_783 = arith.constant 65536 : i32
      %add3A_784 = vector.broadcast %add3A_783 : i32 to vector<16xi32>
      %add3A_785 = arith.addi %add3A_784, %and3A_782 : vector<16xi32>
      %select_n3A_786 = arith.select %or3A_772, %add3A_785, %sub3A_765 : vector<16xi1>, vector<16xi32>
      %swap3A_787 = arith.constant 32 : index
      %swap3A_788 = tpu.vector_load %arg12[%swap3A_787] {strides = array<i32>} : memref<112xi32, #tpu.memory_space<vmem>>, vector<16xi32>,
      %swap3A_789 = vector.shape_cast %swap3A_788 : vector<16xi32> to vector<16xi32>
      %swap3A_790 = vector.shape_cast %select_n3A_786 : vector<16xi32> to vector<16xi32>
      tpu.vector_store %arg12[%swap3A_787], %swap3A_790 {strides = array<i32>} : memref<112xi32, #tpu.memory_space<vmem>>, vector<16xi32>,
      %get3A_791 = arith.constant 48 : index
      %get3A_792 = tpu.vector_load %arg8[%get3A_791] {strides = array<i32>} : memref<112xi32, #tpu.memory_space<vmem>>, vector<16xi32>,
      %get3A_793 = vector.shape_cast %get3A_792 : vector<16xi32> to vector<16xi32>
      %sub3A_794 = vector.broadcast %mul3A_130 : i32 to vector<16xi32>
      %sub3A_795 = arith.subi %get3A_793, %sub3A_794 : vector<16xi32>
      %lt3A_796 = arith.constant 0 : i32
      %lt3A_797 = vector.broadcast %lt3A_796 : i32 to vector<16xi32>
      %lt3A_798 = arith.cmpi slt, %sub3A_795, %lt3A_797 : vector<16xi32>
      %ge3A_799 = arith.constant 65536 : i32
      %ge3A_800 = vector.broadcast %ge3A_799 : i32 to vector<16xi32>
      %ge3A_801 = arith.cmpi sge, %sub3A_795, %ge3A_800 : vector<16xi32>
      %or3A_802 = arith.ori %lt3A_798, %ge3A_801 : vector<16xi1>
      %add3A_803 = arith.constant 48 : i32
      %add3A_804 = vector.broadcast %add3A_803 : i32 to vector<16xi32>
      %add3A_805 = arith.addi %iota3A, %add3A_804 : vector<16xi32>
      %mul3A_806 = arith.constant 112 : i32
      %mul3A_807 = arith.muli %arg1, %mul3A_806 : i32
      %add3A_808 = vector.broadcast %mul3A_807 : i32 to vector<16xi32>
      %add3A_809 = arith.addi %add3A_805, %add3A_808 : vector<16xi32>
      %and3A_810 = arith.constant 1023 : i32
      %and3A_811 = vector.broadcast %and3A_810 : i32 to vector<16xi32>
      %and3A_812 = arith.andi %add3A_809, %and3A_811 : vector<16xi32>
      %add3A_813 = arith.constant 65536 : i32
      %add3A_814 = vector.broadcast %add3A_813 : i32 to vector<16xi32>
      %add3A_815 = arith.addi %add3A_814, %and3A_812 : vector<16xi32>
      %select_n3A_816 = arith.select %or3A_802, %add3A_815, %sub3A_795 : vector<16xi1>, vector<16xi32>
      %swap3A_817 = arith.constant 48 : index
      %swap3A_818 = tpu.vector_load %arg12[%swap3A_817] {strides = array<i32>} : memref<112xi32, #tpu.memory_space<vmem>>, vector<16xi32>,
      %swap3A_819 = vector.shape_cast %swap3A_818 : vector<16xi32> to vector<16xi32>
      %swap3A_820 = vector.shape_cast %select_n3A_816 : vector<16xi32> to vector<16xi32>
      tpu.vector_store %arg12[%swap3A_817], %swap3A_820 {strides = array<i32>} : memref<112xi32, #tpu.memory_space<vmem>>, vector<16xi32>,
      %get3A_821 = arith.constant 64 : index
      %get3A_822 = tpu.vector_load %arg8[%get3A_821] {strides = array<i32>} : memref<112xi32, #tpu.memory_space<vmem>>, vector<16xi32>,
      %get3A_823 = vector.shape_cast %get3A_822 : vector<16xi32> to vector<16xi32>
      %sub3A_824 = vector.broadcast %mul3A_130 : i32 to vector<16xi32>
      %sub3A_825 = arith.subi %get3A_823, %sub3A_824 : vector<16xi32>
      %lt3A_826 = arith.constant 0 : i32
      %lt3A_827 = vector.broadcast %lt3A_826 : i32 to vector<16xi32>
      %lt3A_828 = arith.cmpi slt, %sub3A_825, %lt3A_827 : vector<16xi32>
      %ge3A_829 = arith.constant 65536 : i32
      %ge3A_830 = vector.broadcast %ge3A_829 : i32 to vector<16xi32>
      %ge3A_831 = arith.cmpi sge, %sub3A_825, %ge3A_830 : vector<16xi32>
      %or3A_832 = arith.ori %lt3A_828, %ge3A_831 : vector<16xi1>
      %add3A_833 = arith.constant 64 : i32
      %add3A_834 = vector.broadcast %add3A_833 : i32 to vector<16xi32>
      %add3A_835 = arith.addi %iota3A, %add3A_834 : vector<16xi32>
      %mul3A_836 = arith.constant 112 : i32
      %mul3A_837 = arith.muli %arg1, %mul3A_836 : i32
      %add3A_838 = vector.broadcast %mul3A_837 : i32 to vector<16xi32>
      %add3A_839 = arith.addi %add3A_835, %add3A_838 : vector<16xi32>
      %and3A_840 = arith.constant 1023 : i32
      %and3A_841 = vector.broadcast %and3A_840 : i32 to vector<16xi32>
      %and3A_842 = arith.andi %add3A_839, %and3A_841 : vector<16xi32>
      %add3A_843 = arith.constant 65536 : i32
      %add3A_844 = vector.broadcast %add3A_843 : i32 to vector<16xi32>
      %add3A_845 = arith.addi %add3A_844, %and3A_842 : vector<16xi32>
      %select_n3A_846 = arith.select %or3A_832, %add3A_845, %sub3A_825 : vector<16xi1>, vector<16xi32>
      %swap3A_847 = arith.constant 64 : index
      %swap3A_848 = tpu.vector_load %arg12[%swap3A_847] {strides = array<i32>} : memref<112xi32, #tpu.memory_space<vmem>>, vector<16xi32>,
      %swap3A_849 = vector.shape_cast %swap3A_848 : vector<16xi32> to vector<16xi32>
      %swap3A_850 = vector.shape_cast %select_n3A_846 : vector<16xi32> to vector<16xi32>
      tpu.vector_store %arg12[%swap3A_847], %swap3A_850 {strides = array<i32>} : memref<112xi32, #tpu.memory_space<vmem>>, vector<16xi32>,
      %get3A_851 = arith.constant 80 : index
      %get3A_852 = tpu.vector_load %arg8[%get3A_851] {strides = array<i32>} : memref<112xi32, #tpu.memory_space<vmem>>, vector<16xi32>,
      %get3A_853 = vector.shape_cast %get3A_852 : vector<16xi32> to vector<16xi32>
      %sub3A_854 = vector.broadcast %mul3A_130 : i32 to vector<16xi32>
      %sub3A_855 = arith.subi %get3A_853, %sub3A_854 : vector<16xi32>
      %lt3A_856 = arith.constant 0 : i32
      %lt3A_857 = vector.broadcast %lt3A_856 : i32 to vector<16xi32>
      %lt3A_858 = arith.cmpi slt, %sub3A_855, %lt3A_857 : vector<16xi32>
      %ge3A_859 = arith.constant 65536 : i32
      %ge3A_860 = vector.broadcast %ge3A_859 : i32 to vector<16xi32>
      %ge3A_861 = arith.cmpi sge, %sub3A_855, %ge3A_860 : vector<16xi32>
      %or3A_862 = arith.ori %lt3A_858, %ge3A_861 : vector<16xi1>
      %add3A_863 = arith.constant 80 : i32
      %add3A_864 = vector.broadcast %add3A_863 : i32 to vector<16xi32>
      %add3A_865 = arith.addi %iota3A, %add3A_864 : vector<16xi32>
      %mul3A_866 = arith.constant 112 : i32
      %mul3A_867 = arith.muli %arg1, %mul3A_866 : i32
      %add3A_868 = vector.broadcast %mul3A_867 : i32 to vector<16xi32>
      %add3A_869 = arith.addi %add3A_865, %add3A_868 : vector<16xi32>
      %and3A_870 = arith.constant 1023 : i32
      %and3A_871 = vector.broadcast %and3A_870 : i32 to vector<16xi32>
      %and3A_872 = arith.andi %add3A_869, %and3A_871 : vector<16xi32>
      %add3A_873 = arith.constant 65536 : i32
      %add3A_874 = vector.broadcast %add3A_873 : i32 to vector<16xi32>
      %add3A_875 = arith.addi %add3A_874, %and3A_872 : vector<16xi32>
      %select_n3A_876 = arith.select %or3A_862, %add3A_875, %sub3A_855 : vector<16xi1>, vector<16xi32>
      %swap3A_877 = arith.constant 80 : index
      %swap3A_878 = tpu.vector_load %arg12[%swap3A_877] {strides = array<i32>} : memref<112xi32, #tpu.memory_space<vmem>>, vector<16xi32>,
      %swap3A_879 = vector.shape_cast %swap3A_878 : vector<16xi32> to vector<16xi32>
      %swap3A_880 = vector.shape_cast %select_n3A_876 : vector<16xi32> to vector<16xi32>
      tpu.vector_store %arg12[%swap3A_877], %swap3A_880 {strides = array<i32>} : memref<112xi32, #tpu.memory_space<vmem>>, vector<16xi32>,
      %get3A_881 = arith.constant 96 : index
      %get3A_882 = tpu.vector_load %arg8[%get3A_881] {strides = array<i32>} : memref<112xi32, #tpu.memory_space<vmem>>, vector<16xi32>,
      %get3A_883 = vector.shape_cast %get3A_882 : vector<16xi32> to vector<16xi32>
      %sub3A_884 = vector.broadcast %mul3A_130 : i32 to vector<16xi32>
      %sub3A_885 = arith.subi %get3A_883, %sub3A_884 : vector<16xi32>
      %lt3A_886 = arith.constant 0 : i32
      %lt3A_887 = vector.broadcast %lt3A_886 : i32 to vector<16xi32>
      %lt3A_888 = arith.cmpi slt, %sub3A_885, %lt3A_887 : vector<16xi32>
      %ge3A_889 = arith.constant 65536 : i32
      %ge3A_890 = vector.broadcast %ge3A_889 : i32 to vector<16xi32>
      %ge3A_891 = arith.cmpi sge, %sub3A_885, %ge3A_890 : vector<16xi32>
      %or3A_892 = arith.ori %lt3A_888, %ge3A_891 : vector<16xi1>
      %add3A_893 = arith.constant 96 : i32
      %add3A_894 = vector.broadcast %add3A_893 : i32 to vector<16xi32>
      %add3A_895 = arith.addi %iota3A, %add3A_894 : vector<16xi32>
      %mul3A_896 = arith.constant 112 : i32
      %mul3A_897 = arith.muli %arg1, %mul3A_896 : i32
      %add3A_898 = vector.broadcast %mul3A_897 : i32 to vector<16xi32>
      %add3A_899 = arith.addi %add3A_895, %add3A_898 : vector<16xi32>
      %and3A_900 = arith.constant 1023 : i32
      %and3A_901 = vector.broadcast %and3A_900 : i32 to vector<16xi32>
      %and3A_902 = arith.andi %add3A_899, %and3A_901 : vector<16xi32>
      %add3A_903 = arith.constant 65536 : i32
      %add3A_904 = vector.broadcast %add3A_903 : i32 to vector<16xi32>
      %add3A_905 = arith.addi %add3A_904, %and3A_902 : vector<16xi32>
      %select_n3A_906 = arith.select %or3A_892, %add3A_905, %sub3A_885 : vector<16xi1>, vector<16xi32>
      %swap3A_907 = arith.constant 96 : index
      %swap3A_908 = tpu.vector_load %arg12[%swap3A_907] {strides = array<i32>} : memref<112xi32, #tpu.memory_space<vmem>>, vector<16xi32>,
      %swap3A_909 = vector.shape_cast %swap3A_908 : vector<16xi32> to vector<16xi32>
      %swap3A_910 = vector.shape_cast %select_n3A_906 : vector<16xi32> to vector<16xi32>
      tpu.vector_store %arg12[%swap3A_907], %swap3A_910 {strides = array<i32>} : memref<112xi32, #tpu.memory_space<vmem>>, vector<16xi32>,
      %dma_start3A_911 = arith.constant 0 : i32
      %dma_start3A_912 = arith.constant 0 : i32
      %dma_start3A_913 = tpu.memref_slice %arg5[%dma_start3A_911, %dma_start3A_912] : memref<66560x32xbf16, #tpu.memory_space<vmem_shared>> -> memref<66560x32xbf16, #tpu.memory_space<vmem_shared>>
      tpu.enqueue_indirect_dma source(%arg16 : memref<112x32xbf16, #tpu.memory_space<vmem>>) target(%dma_start3A_913 : memref<66560x32xbf16, #tpu.memory_space<vmem_shared>>) offsets(%arg12 : memref<112xi32, #tpu.memory_space<vmem>>) semaphore(%arg29 : memref<!tpu.dma_semaphore, #tpu.memory_space<semaphore_mem>>) {add = true}
      %dma_wait3A_914 = arith.constant 0 : i32
      %dma_wait3A_915 = tpu.memref_slice %arg3[%dma_wait3A_914] : memref<100352xi32, #tpu.memory_space<hbm>> -> memref<112xi32, #tpu.memory_space<hbm>>
      %dma_wait3A_916 = arith.constant 0 : i32
      %dma_wait3A_917 = tpu.memref_slice %arg3[%dma_wait3A_916] : memref<100352xi32, #tpu.memory_space<hbm>> -> memref<112xi32, #tpu.memory_space<hbm>>
      tpu.wait_dma2 semaphore(%arg22 : memref<!tpu.dma_semaphore, #tpu.memory_space<semaphore_mem>>) src(%dma_wait3A_917 : memref<112xi32, #tpu.memory_space<hbm>>) dst(%arg9 : memref<112xi32, #tpu.memory_space<vmem>>)
      %dma_wait3A_918 = arith.constant 0 : i32
      %dma_wait3A_919 = arith.constant 0 : i32
      %dma_wait3A_920 = tpu.memref_slice %arg2[%dma_wait3A_918, %dma_wait3A_919] : memref<100352x32xbf16, #tpu.memory_space<hbm>> -> memref<112x32xbf16, #tpu.memory_space<hbm>>
      %dma_wait3A_921 = arith.constant 0 : i32
      %dma_wait3A_922 = arith.constant 0 : i32
      %dma_wait3A_923 = tpu.memref_slice %arg2[%dma_wait3A_921, %dma_wait3A_922] : memref<100352x32xbf16, #tpu.memory_space<hbm>> -> memref<112x32xbf16, #tpu.memory_space<hbm>>
      tpu.wait_dma2 semaphore(%arg26 : memref<!tpu.dma_semaphore, #tpu.memory_space<semaphore_mem>>) src(%dma_wait3A_923 : memref<112x32xbf16, #tpu.memory_space<hbm>>) dst(%arg17 : memref<112x32xbf16, #tpu.memory_space<vmem>>)
      %get3A_924 = arith.constant 0 : index
      %get3A_925 = tpu.vector_load %arg9[%get3A_924] {strides = array<i32>} : memref<112xi32, #tpu.memory_space<vmem>>, vector<16xi32>,
      %get3A_926 = vector.shape_cast %get3A_925 : vector<16xi32> to vector<16xi32>
      %sub3A_927 = vector.broadcast %mul3A_130 : i32 to vector<16xi32>
      %sub3A_928 = arith.subi %get3A_926, %sub3A_927 : vector<16xi32>
      %lt3A_929 = arith.constant 0 : i32
      %lt3A_930 = vector.broadcast %lt3A_929 : i32 to vector<16xi32>
      %lt3A_931 = arith.cmpi slt, %sub3A_928, %lt3A_930 : vector<16xi32>
      %ge3A_932 = arith.constant 65536 : i32
      %ge3A_933 = vector.broadcast %ge3A_932 : i32 to vector<16xi32>
      %ge3A_934 = arith.cmpi sge, %sub3A_928, %ge3A_933 : vector<16xi32>
      %or3A_935 = arith.ori %lt3A_931, %ge3A_934 : vector<16xi1>
      %add3A_936 = arith.constant 0 : i32
      %add3A_937 = vector.broadcast %add3A_936 : i32 to vector<16xi32>
      %add3A_938 = arith.addi %iota3A, %add3A_937 : vector<16xi32>
      %mul3A_939 = arith.constant 112 : i32
      %mul3A_940 = arith.muli %arg1, %mul3A_939 : i32
      %add3A_941 = vector.broadcast %mul3A_940 : i32 to vector<16xi32>
      %add3A_942 = arith.addi %add3A_938, %add3A_941 : vector<16xi32>
      %and3A_943 = arith.constant 1023 : i32
      %and3A_944 = vector.broadcast %and3A_943 : i32 to vector<16xi32>
      %and3A_945 = arith.andi %add3A_942, %and3A_944 : vector<16xi32>
      %add3A_946 = arith.constant 65536 : i32
      %add3A_947 = vector.broadcast %add3A_946 : i32 to vector<16xi32>
      %add3A_948 = arith.addi %add3A_947, %and3A_945 : vector<16xi32>
      %select_n3A_949 = arith.select %or3A_935, %add3A_948, %sub3A_928 : vector<16xi1>, vector<16xi32>
      %swap3A_950 = arith.constant 0 : index
      %swap3A_951 = tpu.vector_load %arg13[%swap3A_950] {strides = array<i32>} : memref<112xi32, #tpu.memory_space<vmem>>, vector<16xi32>,
      %swap3A_952 = vector.shape_cast %swap3A_951 : vector<16xi32> to vector<16xi32>
      %swap3A_953 = vector.shape_cast %select_n3A_949 : vector<16xi32> to vector<16xi32>
      tpu.vector_store %arg13[%swap3A_950], %swap3A_953 {strides = array<i32>} : memref<112xi32, #tpu.memory_space<vmem>>, vector<16xi32>,
      %get3A_954 = arith.constant 16 : index
      %get3A_955 = tpu.vector_load %arg9[%get3A_954] {strides = array<i32>} : memref<112xi32, #tpu.memory_space<vmem>>, vector<16xi32>,
      %get3A_956 = vector.shape_cast %get3A_955 : vector<16xi32> to vector<16xi32>
      %sub3A_957 = vector.broadcast %mul3A_130 : i32 to vector<16xi32>
      %sub3A_958 = arith.subi %get3A_956, %sub3A_957 : vector<16xi32>
      %lt3A_959 = arith.constant 0 : i32
      %lt3A_960 = vector.broadcast %lt3A_959 : i32 to vector<16xi32>
      %lt3A_961 = arith.cmpi slt, %sub3A_958, %lt3A_960 : vector<16xi32>
      %ge3A_962 = arith.constant 65536 : i32
      %ge3A_963 = vector.broadcast %ge3A_962 : i32 to vector<16xi32>
      %ge3A_964 = arith.cmpi sge, %sub3A_958, %ge3A_963 : vector<16xi32>
      %or3A_965 = arith.ori %lt3A_961, %ge3A_964 : vector<16xi1>
      %add3A_966 = arith.constant 16 : i32
      %add3A_967 = vector.broadcast %add3A_966 : i32 to vector<16xi32>
      %add3A_968 = arith.addi %iota3A, %add3A_967 : vector<16xi32>
      %mul3A_969 = arith.constant 112 : i32
      %mul3A_970 = arith.muli %arg1, %mul3A_969 : i32
      %add3A_971 = vector.broadcast %mul3A_970 : i32 to vector<16xi32>
      %add3A_972 = arith.addi %add3A_968, %add3A_971 : vector<16xi32>
      %and3A_973 = arith.constant 1023 : i32
      %and3A_974 = vector.broadcast %and3A_973 : i32 to vector<16xi32>
      %and3A_975 = arith.andi %add3A_972, %and3A_974 : vector<16xi32>
      %add3A_976 = arith.constant 65536 : i32
      %add3A_977 = vector.broadcast %add3A_976 : i32 to vector<16xi32>
      %add3A_978 = arith.addi %add3A_977, %and3A_975 : vector<16xi32>
      %select_n3A_979 = arith.select %or3A_965, %add3A_978, %sub3A_958 : vector<16xi1>, vector<16xi32>
      %swap3A_980 = arith.constant 16 : index
      %swap3A_981 = tpu.vector_load %arg13[%swap3A_980] {strides = array<i32>} : memref<112xi32, #tpu.memory_space<vmem>>, vector<16xi32>,
      %swap3A_982 = vector.shape_cast %swap3A_981 : vector<16xi32> to vector<16xi32>
      %swap3A_983 = vector.shape_cast %select_n3A_979 : vector<16xi32> to vector<16xi32>
      tpu.vector_store %arg13[%swap3A_980], %swap3A_983 {strides = array<i32>} : memref<112xi32, #tpu.memory_space<vmem>>, vector<16xi32>,
      %get3A_984 = arith.constant 32 : index
      %get3A_985 = tpu.vector_load %arg9[%get3A_984] {strides = array<i32>} : memref<112xi32, #tpu.memory_space<vmem>>, vector<16xi32>,
      %get3A_986 = vector.shape_cast %get3A_985 : vector<16xi32> to vector<16xi32>
      %sub3A_987 = vector.broadcast %mul3A_130 : i32 to vector<16xi32>
      %sub3A_988 = arith.subi %get3A_986, %sub3A_987 : vector<16xi32>
      %lt3A_989 = arith.constant 0 : i32
      %lt3A_990 = vector.broadcast %lt3A_989 : i32 to vector<16xi32>
      %lt3A_991 = arith.cmpi slt, %sub3A_988, %lt3A_990 : vector<16xi32>
      %ge3A_992 = arith.constant 65536 : i32
      %ge3A_993 = vector.broadcast %ge3A_992 : i32 to vector<16xi32>
      %ge3A_994 = arith.cmpi sge, %sub3A_988, %ge3A_993 : vector<16xi32>
      %or3A_995 = arith.ori %lt3A_991, %ge3A_994 : vector<16xi1>
      %add3A_996 = arith.constant 32 : i32
      %add3A_997 = vector.broadcast %add3A_996 : i32 to vector<16xi32>
      %add3A_998 = arith.addi %iota3A, %add3A_997 : vector<16xi32>
      %mul3A_999 = arith.constant 112 : i32
      %mul3A_1000 = arith.muli %arg1, %mul3A_999 : i32
      %add3A_1001 = vector.broadcast %mul3A_1000 : i32 to vector<16xi32>
      %add3A_1002 = arith.addi %add3A_998, %add3A_1001 : vector<16xi32>
      %and3A_1003 = arith.constant 1023 : i32
      %and3A_1004 = vector.broadcast %and3A_1003 : i32 to vector<16xi32>
      %and3A_1005 = arith.andi %add3A_1002, %and3A_1004 : vector<16xi32>
      %add3A_1006 = arith.constant 65536 : i32
      %add3A_1007 = vector.broadcast %add3A_1006 : i32 to vector<16xi32>
      %add3A_1008 = arith.addi %add3A_1007, %and3A_1005 : vector<16xi32>
      %select_n3A_1009 = arith.select %or3A_995, %add3A_1008, %sub3A_988 : vector<16xi1>, vector<16xi32>
      %swap3A_1010 = arith.constant 32 : index
      %swap3A_1011 = tpu.vector_load %arg13[%swap3A_1010] {strides = array<i32>} : memref<112xi32, #tpu.memory_space<vmem>>, vector<16xi32>,
      %swap3A_1012 = vector.shape_cast %swap3A_1011 : vector<16xi32> to vector<16xi32>
      %swap3A_1013 = vector.shape_cast %select_n3A_1009 : vector<16xi32> to vector<16xi32>
      tpu.vector_store %arg13[%swap3A_1010], %swap3A_1013 {strides = array<i32>} : memref<112xi32, #tpu.memory_space<vmem>>, vector<16xi32>,
      %get3A_1014 = arith.constant 48 : index
      %get3A_1015 = tpu.vector_load %arg9[%get3A_1014] {strides = array<i32>} : memref<112xi32, #tpu.memory_space<vmem>>, vector<16xi32>,
      %get3A_1016 = vector.shape_cast %get3A_1015 : vector<16xi32> to vector<16xi32>
      %sub3A_1017 = vector.broadcast %mul3A_130 : i32 to vector<16xi32>
      %sub3A_1018 = arith.subi %get3A_1016, %sub3A_1017 : vector<16xi32>
      %lt3A_1019 = arith.constant 0 : i32
      %lt3A_1020 = vector.broadcast %lt3A_1019 : i32 to vector<16xi32>
      %lt3A_1021 = arith.cmpi slt, %sub3A_1018, %lt3A_1020 : vector<16xi32>
      %ge3A_1022 = arith.constant 65536 : i32
      %ge3A_1023 = vector.broadcast %ge3A_1022 : i32 to vector<16xi32>
      %ge3A_1024 = arith.cmpi sge, %sub3A_1018, %ge3A_1023 : vector<16xi32>
      %or3A_1025 = arith.ori %lt3A_1021, %ge3A_1024 : vector<16xi1>
      %add3A_1026 = arith.constant 48 : i32
      %add3A_1027 = vector.broadcast %add3A_1026 : i32 to vector<16xi32>
      %add3A_1028 = arith.addi %iota3A, %add3A_1027 : vector<16xi32>
      %mul3A_1029 = arith.constant 112 : i32
      %mul3A_1030 = arith.muli %arg1, %mul3A_1029 : i32
      %add3A_1031 = vector.broadcast %mul3A_1030 : i32 to vector<16xi32>
      %add3A_1032 = arith.addi %add3A_1028, %add3A_1031 : vector<16xi32>
      %and3A_1033 = arith.constant 1023 : i32
      %and3A_1034 = vector.broadcast %and3A_1033 : i32 to vector<16xi32>
      %and3A_1035 = arith.andi %add3A_1032, %and3A_1034 : vector<16xi32>
      %add3A_1036 = arith.constant 65536 : i32
      %add3A_1037 = vector.broadcast %add3A_1036 : i32 to vector<16xi32>
      %add3A_1038 = arith.addi %add3A_1037, %and3A_1035 : vector<16xi32>
      %select_n3A_1039 = arith.select %or3A_1025, %add3A_1038, %sub3A_1018 : vector<16xi1>, vector<16xi32>
      %swap3A_1040 = arith.constant 48 : index
      %swap3A_1041 = tpu.vector_load %arg13[%swap3A_1040] {strides = array<i32>} : memref<112xi32, #tpu.memory_space<vmem>>, vector<16xi32>,
      %swap3A_1042 = vector.shape_cast %swap3A_1041 : vector<16xi32> to vector<16xi32>
      %swap3A_1043 = vector.shape_cast %select_n3A_1039 : vector<16xi32> to vector<16xi32>
      tpu.vector_store %arg13[%swap3A_1040], %swap3A_1043 {strides = array<i32>} : memref<112xi32, #tpu.memory_space<vmem>>, vector<16xi32>,
      %get3A_1044 = arith.constant 64 : index
      %get3A_1045 = tpu.vector_load %arg9[%get3A_1044] {strides = array<i32>} : memref<112xi32, #tpu.memory_space<vmem>>, vector<16xi32>,
      %get3A_1046 = vector.shape_cast %get3A_1045 : vector<16xi32> to vector<16xi32>
      %sub3A_1047 = vector.broadcast %mul3A_130 : i32 to vector<16xi32>
      %sub3A_1048 = arith.subi %get3A_1046, %sub3A_1047 : vector<16xi32>
      %lt3A_1049 = arith.constant 0 : i32
      %lt3A_1050 = vector.broadcast %lt3A_1049 : i32 to vector<16xi32>
      %lt3A_1051 = arith.cmpi slt, %sub3A_1048, %lt3A_1050 : vector<16xi32>
      %ge3A_1052 = arith.constant 65536 : i32
      %ge3A_1053 = vector.broadcast %ge3A_1052 : i32 to vector<16xi32>
      %ge3A_1054 = arith.cmpi sge, %sub3A_1048, %ge3A_1053 : vector<16xi32>
      %or3A_1055 = arith.ori %lt3A_1051, %ge3A_1054 : vector<16xi1>
      %add3A_1056 = arith.constant 64 : i32
      %add3A_1057 = vector.broadcast %add3A_1056 : i32 to vector<16xi32>
      %add3A_1058 = arith.addi %iota3A, %add3A_1057 : vector<16xi32>
      %mul3A_1059 = arith.constant 112 : i32
      %mul3A_1060 = arith.muli %arg1, %mul3A_1059 : i32
      %add3A_1061 = vector.broadcast %mul3A_1060 : i32 to vector<16xi32>
      %add3A_1062 = arith.addi %add3A_1058, %add3A_1061 : vector<16xi32>
      %and3A_1063 = arith.constant 1023 : i32
      %and3A_1064 = vector.broadcast %and3A_1063 : i32 to vector<16xi32>
      %and3A_1065 = arith.andi %add3A_1062, %and3A_1064 : vector<16xi32>
      %add3A_1066 = arith.constant 65536 : i32
      %add3A_1067 = vector.broadcast %add3A_1066 : i32 to vector<16xi32>
      %add3A_1068 = arith.addi %add3A_1067, %and3A_1065 : vector<16xi32>
      %select_n3A_1069 = arith.select %or3A_1055, %add3A_1068, %sub3A_1048 : vector<16xi1>, vector<16xi32>
      %swap3A_1070 = arith.constant 64 : index
      %swap3A_1071 = tpu.vector_load %arg13[%swap3A_1070] {strides = array<i32>} : memref<112xi32, #tpu.memory_space<vmem>>, vector<16xi32>,
      %swap3A_1072 = vector.shape_cast %swap3A_1071 : vector<16xi32> to vector<16xi32>
      %swap3A_1073 = vector.shape_cast %select_n3A_1069 : vector<16xi32> to vector<16xi32>
      tpu.vector_store %arg13[%swap3A_1070], %swap3A_1073 {strides = array<i32>} : memref<112xi32, #tpu.memory_space<vmem>>, vector<16xi32>,
      %get3A_1074 = arith.constant 80 : index
      %get3A_1075 = tpu.vector_load %arg9[%get3A_1074] {strides = array<i32>} : memref<112xi32, #tpu.memory_space<vmem>>, vector<16xi32>,
      %get3A_1076 = vector.shape_cast %get3A_1075 : vector<16xi32> to vector<16xi32>
      %sub3A_1077 = vector.broadcast %mul3A_130 : i32 to vector<16xi32>
      %sub3A_1078 = arith.subi %get3A_1076, %sub3A_1077 : vector<16xi32>
      %lt3A_1079 = arith.constant 0 : i32
      %lt3A_1080 = vector.broadcast %lt3A_1079 : i32 to vector<16xi32>
      %lt3A_1081 = arith.cmpi slt, %sub3A_1078, %lt3A_1080 : vector<16xi32>
      %ge3A_1082 = arith.constant 65536 : i32
      %ge3A_1083 = vector.broadcast %ge3A_1082 : i32 to vector<16xi32>
      %ge3A_1084 = arith.cmpi sge, %sub3A_1078, %ge3A_1083 : vector<16xi32>
      %or3A_1085 = arith.ori %lt3A_1081, %ge3A_1084 : vector<16xi1>
      %add3A_1086 = arith.constant 80 : i32
      %add3A_1087 = vector.broadcast %add3A_1086 : i32 to vector<16xi32>
      %add3A_1088 = arith.addi %iota3A, %add3A_1087 : vector<16xi32>
      %mul3A_1089 = arith.constant 112 : i32
      %mul3A_1090 = arith.muli %arg1, %mul3A_1089 : i32
      %add3A_1091 = vector.broadcast %mul3A_1090 : i32 to vector<16xi32>
      %add3A_1092 = arith.addi %add3A_1088, %add3A_1091 : vector<16xi32>
      %and3A_1093 = arith.constant 1023 : i32
      %and3A_1094 = vector.broadcast %and3A_1093 : i32 to vector<16xi32>
      %and3A_1095 = arith.andi %add3A_1092, %and3A_1094 : vector<16xi32>
      %add3A_1096 = arith.constant 65536 : i32
      %add3A_1097 = vector.broadcast %add3A_1096 : i32 to vector<16xi32>
      %add3A_1098 = arith.addi %add3A_1097, %and3A_1095 : vector<16xi32>
      %select_n3A_1099 = arith.select %or3A_1085, %add3A_1098, %sub3A_1078 : vector<16xi1>, vector<16xi32>
      %swap3A_1100 = arith.constant 80 : index
      %swap3A_1101 = tpu.vector_load %arg13[%swap3A_1100] {strides = array<i32>} : memref<112xi32, #tpu.memory_space<vmem>>, vector<16xi32>,
      %swap3A_1102 = vector.shape_cast %swap3A_1101 : vector<16xi32> to vector<16xi32>
      %swap3A_1103 = vector.shape_cast %select_n3A_1099 : vector<16xi32> to vector<16xi32>
      tpu.vector_store %arg13[%swap3A_1100], %swap3A_1103 {strides = array<i32>} : memref<112xi32, #tpu.memory_space<vmem>>, vector<16xi32>,
      %get3A_1104 = arith.constant 96 : index
      %get3A_1105 = tpu.vector_load %arg9[%get3A_1104] {strides = array<i32>} : memref<112xi32, #tpu.memory_space<vmem>>, vector<16xi32>,
      %get3A_1106 = vector.shape_cast %get3A_1105 : vector<16xi32> to vector<16xi32>
      %sub3A_1107 = vector.broadcast %mul3A_130 : i32 to vector<16xi32>
      %sub3A_1108 = arith.subi %get3A_1106, %sub3A_1107 : vector<16xi32>
      %lt3A_1109 = arith.constant 0 : i32
      %lt3A_1110 = vector.broadcast %lt3A_1109 : i32 to vector<16xi32>
      %lt3A_1111 = arith.cmpi slt, %sub3A_1108, %lt3A_1110 : vector<16xi32>
      %ge3A_1112 = arith.constant 65536 : i32
      %ge3A_1113 = vector.broadcast %ge3A_1112 : i32 to vector<16xi32>
      %ge3A_1114 = arith.cmpi sge, %sub3A_1108, %ge3A_1113 : vector<16xi32>
      %or3A_1115 = arith.ori %lt3A_1111, %ge3A_1114 : vector<16xi1>
      %add3A_1116 = arith.constant 96 : i32
      %add3A_1117 = vector.broadcast %add3A_1116 : i32 to vector<16xi32>
      %add3A_1118 = arith.addi %iota3A, %add3A_1117 : vector<16xi32>
      %mul3A_1119 = arith.constant 112 : i32
      %mul3A_1120 = arith.muli %arg1, %mul3A_1119 : i32
      %add3A_1121 = vector.broadcast %mul3A_1120 : i32 to vector<16xi32>
      %add3A_1122 = arith.addi %add3A_1118, %add3A_1121 : vector<16xi32>
      %and3A_1123 = arith.constant 1023 : i32
      %and3A_1124 = vector.broadcast %and3A_1123 : i32 to vector<16xi32>
      %and3A_1125 = arith.andi %add3A_1122, %and3A_1124 : vector<16xi32>
      %add3A_1126 = arith.constant 65536 : i32
      %add3A_1127 = vector.broadcast %add3A_1126 : i32 to vector<16xi32>
      %add3A_1128 = arith.addi %add3A_1127, %and3A_1125 : vector<16xi32>
      %select_n3A_1129 = arith.select %or3A_1115, %add3A_1128, %sub3A_1108 : vector<16xi1>, vector<16xi32>
      %swap3A_1130 = arith.constant 96 : index
      %swap3A_1131 = tpu.vector_load %arg13[%swap3A_1130] {strides = array<i32>} : memref<112xi32, #tpu.memory_space<vmem>>, vector<16xi32>,
      %swap3A_1132 = vector.shape_cast %swap3A_1131 : vector<16xi32> to vector<16xi32>
      %swap3A_1133 = vector.shape_cast %select_n3A_1129 : vector<16xi32> to vector<16xi32>
      tpu.vector_store %arg13[%swap3A_1130], %swap3A_1133 {strides = array<i32>} : memref<112xi32, #tpu.memory_space<vmem>>, vector<16xi32>,
      %dma_start3A_1134 = arith.constant 0 : i32
      %dma_start3A_1135 = arith.constant 0 : i32
      %dma_start3A_1136 = tpu.memref_slice %arg5[%dma_start3A_1134, %dma_start3A_1135] : memref<66560x32xbf16, #tpu.memory_space<vmem_shared>> -> memref<66560x32xbf16, #tpu.memory_space<vmem_shared>>
      tpu.enqueue_indirect_dma source(%arg17 : memref<112x32xbf16, #tpu.memory_space<vmem>>) target(%dma_start3A_1136 : memref<66560x32xbf16, #tpu.memory_space<vmem_shared>>) offsets(%arg13 : memref<112xi32, #tpu.memory_space<vmem>>) semaphore(%arg30 : memref<!tpu.dma_semaphore, #tpu.memory_space<semaphore_mem>>) {add = true}
      %dma_wait3A_1137 = arith.constant 0 : i32
      %dma_wait3A_1138 = arith.constant 0 : i32
      %dma_wait3A_1139 = tpu.memref_slice %arg5[%dma_wait3A_1137, %dma_wait3A_1138] : memref<66560x32xbf16, #tpu.memory_space<vmem_shared>> -> memref<66560x32xbf16, #tpu.memory_space<vmem_shared>>
      tpu.wait_indirect_dma semaphore(%arg27 : memref<!tpu.dma_semaphore, #tpu.memory_space<semaphore_mem>>) src(%arg14 : memref<112x32xbf16, #tpu.memory_space<vmem>>) dst(%dma_wait3A_1139 : memref<66560x32xbf16, #tpu.memory_space<vmem_shared>>)
      %lt3A_1140 = arith.constant 13 : i32
      %lt3A_1141 = arith.cmpi slt, %scan3A_253, %lt3A_1140 : i32
      %convert_element_type3A = arith.extui %lt3A_1141 : i1 to i32
      %cond3A = arith.constant 0 : i32
      %cond3A_1142 = arith.cmpi ne, %convert_element_type3A, %cond3A : i32
      scf.if %cond3A_1142 {
        %add3A_1167 = arith.constant 1 : i32
        %add3A_1168 = arith.addi %scan3A_253, %add3A_1167 : i32
        %mul3A_1169 = arith.constant 4 : i32
        %mul3A_1170 = arith.muli %mul3A_1169, %add3A_1168 : i32
        %add3A_1171 = arith.constant 0 : i32
        %add3A_1172 = arith.addi %mul3A_1170, %add3A_1171 : i32
        %mul3A_1173 = arith.constant 6272 : i32
        %mul3A_1174 = arith.muli %arg1, %mul3A_1173 : i32
        %mul3A_1175 = arith.constant 112 : i32
        %mul3A_1176 = arith.muli %add3A_1172, %mul3A_1175 : i32
        %add3A_1177 = arith.addi %mul3A_1174, %mul3A_1176 : i32
        %multiple_of3A_1178 = tpu.assume_multiple %add3A_1177, 112 : i32
        %dma_start3A_1179 = tpu.memref_slice %arg3[%multiple_of3A_1178] : memref<100352xi32, #tpu.memory_space<hbm>> -> memref<112xi32, #tpu.memory_space<hbm>>
        %dma_start3A_1180 = tpu.memref_slice %arg3[%multiple_of3A_1178] : memref<100352xi32, #tpu.memory_space<hbm>> -> memref<112xi32, #tpu.memory_space<hbm>>
        tpu.enqueue_dma source(%dma_start3A_1180 : memref<112xi32, #tpu.memory_space<hbm>>) target(%arg6 : memref<112xi32, #tpu.memory_space<vmem>>) target_semaphore(%arg19 : memref<!tpu.dma_semaphore, #tpu.memory_space<semaphore_mem>>)
        %dma_start3A_1181 = arith.constant 0 : i32
        %dma_start3A_1182 = tpu.memref_slice %arg2[%multiple_of3A_1178, %dma_start3A_1181] : memref<100352x32xbf16, #tpu.memory_space<hbm>> -> memref<112x32xbf16, #tpu.memory_space<hbm>>
        %dma_start3A_1183 = arith.constant 0 : i32
        %dma_start3A_1184 = tpu.memref_slice %arg2[%multiple_of3A_1178, %dma_start3A_1183] : memref<100352x32xbf16, #tpu.memory_space<hbm>> -> memref<112x32xbf16, #tpu.memory_space<hbm>>
        tpu.enqueue_dma source(%dma_start3A_1184 : memref<112x32xbf16, #tpu.memory_space<hbm>>) target(%arg14 : memref<112x32xbf16, #tpu.memory_space<vmem>>) target_semaphore(%arg23 : memref<!tpu.dma_semaphore, #tpu.memory_space<semaphore_mem>>)
      } else {
      }
      %dma_wait3A_1143 = arith.constant 0 : i32
      %dma_wait3A_1144 = arith.constant 0 : i32
      %dma_wait3A_1145 = tpu.memref_slice %arg5[%dma_wait3A_1143, %dma_wait3A_1144] : memref<66560x32xbf16, #tpu.memory_space<vmem_shared>> -> memref<66560x32xbf16, #tpu.memory_space<vmem_shared>>
      tpu.wait_indirect_dma semaphore(%arg28 : memref<!tpu.dma_semaphore, #tpu.memory_space<semaphore_mem>>) src(%arg15 : memref<112x32xbf16, #tpu.memory_space<vmem>>) dst(%dma_wait3A_1145 : memref<66560x32xbf16, #tpu.memory_space<vmem_shared>>)
      %lt3A_1146 = arith.constant 13 : i32
      %lt3A_1147 = arith.cmpi slt, %scan3A_253, %lt3A_1146 : i32
      %convert_element_type3A_1148 = arith.extui %lt3A_1147 : i1 to i32
      %cond3A_1149 = arith.constant 0 : i32
      %cond3A_1150 = arith.cmpi ne, %convert_element_type3A_1148, %cond3A_1149 : i32
      scf.if %cond3A_1150 {
        %add3A_1167 = arith.constant 1 : i32
        %add3A_1168 = arith.addi %scan3A_253, %add3A_1167 : i32
        %mul3A_1169 = arith.constant 4 : i32
        %mul3A_1170 = arith.muli %mul3A_1169, %add3A_1168 : i32
        %add3A_1171 = arith.constant 1 : i32
        %add3A_1172 = arith.addi %mul3A_1170, %add3A_1171 : i32
        %mul3A_1173 = arith.constant 6272 : i32
        %mul3A_1174 = arith.muli %arg1, %mul3A_1173 : i32
        %mul3A_1175 = arith.constant 112 : i32
        %mul3A_1176 = arith.muli %add3A_1172, %mul3A_1175 : i32
        %add3A_1177 = arith.addi %mul3A_1174, %mul3A_1176 : i32
        %multiple_of3A_1178 = tpu.assume_multiple %add3A_1177, 112 : i32
        %dma_start3A_1179 = tpu.memref_slice %arg3[%multiple_of3A_1178] : memref<100352xi32, #tpu.memory_space<hbm>> -> memref<112xi32, #tpu.memory_space<hbm>>
        %dma_start3A_1180 = tpu.memref_slice %arg3[%multiple_of3A_1178] : memref<100352xi32, #tpu.memory_space<hbm>> -> memref<112xi32, #tpu.memory_space<hbm>>
        tpu.enqueue_dma source(%dma_start3A_1180 : memref<112xi32, #tpu.memory_space<hbm>>) target(%arg7 : memref<112xi32, #tpu.memory_space<vmem>>) target_semaphore(%arg20 : memref<!tpu.dma_semaphore, #tpu.memory_space<semaphore_mem>>)
        %dma_start3A_1181 = arith.constant 0 : i32
        %dma_start3A_1182 = tpu.memref_slice %arg2[%multiple_of3A_1178, %dma_start3A_1181] : memref<100352x32xbf16, #tpu.memory_space<hbm>> -> memref<112x32xbf16, #tpu.memory_space<hbm>>
        %dma_start3A_1183 = arith.constant 0 : i32
        %dma_start3A_1184 = tpu.memref_slice %arg2[%multiple_of3A_1178, %dma_start3A_1183] : memref<100352x32xbf16, #tpu.memory_space<hbm>> -> memref<112x32xbf16, #tpu.memory_space<hbm>>
        tpu.enqueue_dma source(%dma_start3A_1184 : memref<112x32xbf16, #tpu.memory_space<hbm>>) target(%arg15 : memref<112x32xbf16, #tpu.memory_space<vmem>>) target_semaphore(%arg24 : memref<!tpu.dma_semaphore, #tpu.memory_space<semaphore_mem>>)
      } else {
      }
      %dma_wait3A_1151 = arith.constant 0 : i32
      %dma_wait3A_1152 = arith.constant 0 : i32
      %dma_wait3A_1153 = tpu.memref_slice %arg5[%dma_wait3A_1151, %dma_wait3A_1152] : memref<66560x32xbf16, #tpu.memory_space<vmem_shared>> -> memref<66560x32xbf16, #tpu.memory_space<vmem_shared>>
      tpu.wait_indirect_dma semaphore(%arg29 : memref<!tpu.dma_semaphore, #tpu.memory_space<semaphore_mem>>) src(%arg16 : memref<112x32xbf16, #tpu.memory_space<vmem>>) dst(%dma_wait3A_1153 : memref<66560x32xbf16, #tpu.memory_space<vmem_shared>>)
      %lt3A_1154 = arith.constant 13 : i32
      %lt3A_1155 = arith.cmpi slt, %scan3A_253, %lt3A_1154 : i32
      %convert_element_type3A_1156 = arith.extui %lt3A_1155 : i1 to i32
      %cond3A_1157 = arith.constant 0 : i32
      %cond3A_1158 = arith.cmpi ne, %convert_element_type3A_1156, %cond3A_1157 : i32
      scf.if %cond3A_1158 {
        %add3A_1167 = arith.constant 1 : i32
        %add3A_1168 = arith.addi %scan3A_253, %add3A_1167 : i32
        %mul3A_1169 = arith.constant 4 : i32
        %mul3A_1170 = arith.muli %mul3A_1169, %add3A_1168 : i32
        %add3A_1171 = arith.constant 2 : i32
        %add3A_1172 = arith.addi %mul3A_1170, %add3A_1171 : i32
        %mul3A_1173 = arith.constant 6272 : i32
        %mul3A_1174 = arith.muli %arg1, %mul3A_1173 : i32
        %mul3A_1175 = arith.constant 112 : i32
        %mul3A_1176 = arith.muli %add3A_1172, %mul3A_1175 : i32
        %add3A_1177 = arith.addi %mul3A_1174, %mul3A_1176 : i32
        %multiple_of3A_1178 = tpu.assume_multiple %add3A_1177, 112 : i32
        %dma_start3A_1179 = tpu.memref_slice %arg3[%multiple_of3A_1178] : memref<100352xi32, #tpu.memory_space<hbm>> -> memref<112xi32, #tpu.memory_space<hbm>>
        %dma_start3A_1180 = tpu.memref_slice %arg3[%multiple_of3A_1178] : memref<100352xi32, #tpu.memory_space<hbm>> -> memref<112xi32, #tpu.memory_space<hbm>>
        tpu.enqueue_dma source(%dma_start3A_1180 : memref<112xi32, #tpu.memory_space<hbm>>) target(%arg8 : memref<112xi32, #tpu.memory_space<vmem>>) target_semaphore(%arg21 : memref<!tpu.dma_semaphore, #tpu.memory_space<semaphore_mem>>)
        %dma_start3A_1181 = arith.constant 0 : i32
        %dma_start3A_1182 = tpu.memref_slice %arg2[%multiple_of3A_1178, %dma_start3A_1181] : memref<100352x32xbf16, #tpu.memory_space<hbm>> -> memref<112x32xbf16, #tpu.memory_space<hbm>>
        %dma_start3A_1183 = arith.constant 0 : i32
        %dma_start3A_1184 = tpu.memref_slice %arg2[%multiple_of3A_1178, %dma_start3A_1183] : memref<100352x32xbf16, #tpu.memory_space<hbm>> -> memref<112x32xbf16, #tpu.memory_space<hbm>>
        tpu.enqueue_dma source(%dma_start3A_1184 : memref<112x32xbf16, #tpu.memory_space<hbm>>) target(%arg16 : memref<112x32xbf16, #tpu.memory_space<vmem>>) target_semaphore(%arg25 : memref<!tpu.dma_semaphore, #tpu.memory_space<semaphore_mem>>)
      } else {
      }
      %dma_wait3A_1159 = arith.constant 0 : i32
      %dma_wait3A_1160 = arith.constant 0 : i32
      %dma_wait3A_1161 = tpu.memref_slice %arg5[%dma_wait3A_1159, %dma_wait3A_1160] : memref<66560x32xbf16, #tpu.memory_space<vmem_shared>> -> memref<66560x32xbf16, #tpu.memory_space<vmem_shared>>
      tpu.wait_indirect_dma semaphore(%arg30 : memref<!tpu.dma_semaphore, #tpu.memory_space<semaphore_mem>>) src(%arg17 : memref<112x32xbf16, #tpu.memory_space<vmem>>) dst(%dma_wait3A_1161 : memref<66560x32xbf16, #tpu.memory_space<vmem_shared>>)
      %lt3A_1162 = arith.constant 13 : i32
      %lt3A_1163 = arith.cmpi slt, %scan3A_253, %lt3A_1162 : i32
      %convert_element_type3A_1164 = arith.extui %lt3A_1163 : i1 to i32
      %cond3A_1165 = arith.constant 0 : i32
      %cond3A_1166 = arith.cmpi ne, %convert_element_type3A_1164, %cond3A_1165 : i32
      scf.if %cond3A_1166 {
        %add3A_1167 = arith.constant 1 : i32
        %add3A_1168 = arith.addi %scan3A_253, %add3A_1167 : i32
        %mul3A_1169 = arith.constant 4 : i32
        %mul3A_1170 = arith.muli %mul3A_1169, %add3A_1168 : i32
        %add3A_1171 = arith.constant 3 : i32
        %add3A_1172 = arith.addi %mul3A_1170, %add3A_1171 : i32
        %mul3A_1173 = arith.constant 6272 : i32
        %mul3A_1174 = arith.muli %arg1, %mul3A_1173 : i32
        %mul3A_1175 = arith.constant 112 : i32
        %mul3A_1176 = arith.muli %add3A_1172, %mul3A_1175 : i32
        %add3A_1177 = arith.addi %mul3A_1174, %mul3A_1176 : i32
        %multiple_of3A_1178 = tpu.assume_multiple %add3A_1177, 112 : i32
        %dma_start3A_1179 = tpu.memref_slice %arg3[%multiple_of3A_1178] : memref<100352xi32, #tpu.memory_space<hbm>> -> memref<112xi32, #tpu.memory_space<hbm>>
        %dma_start3A_1180 = tpu.memref_slice %arg3[%multiple_of3A_1178] : memref<100352xi32, #tpu.memory_space<hbm>> -> memref<112xi32, #tpu.memory_space<hbm>>
        tpu.enqueue_dma source(%dma_start3A_1180 : memref<112xi32, #tpu.memory_space<hbm>>) target(%arg9 : memref<112xi32, #tpu.memory_space<vmem>>) target_semaphore(%arg22 : memref<!tpu.dma_semaphore, #tpu.memory_space<semaphore_mem>>)
        %dma_start3A_1181 = arith.constant 0 : i32
        %dma_start3A_1182 = tpu.memref_slice %arg2[%multiple_of3A_1178, %dma_start3A_1181] : memref<100352x32xbf16, #tpu.memory_space<hbm>> -> memref<112x32xbf16, #tpu.memory_space<hbm>>
        %dma_start3A_1183 = arith.constant 0 : i32
        %dma_start3A_1184 = tpu.memref_slice %arg2[%multiple_of3A_1178, %dma_start3A_1183] : memref<100352x32xbf16, #tpu.memory_space<hbm>> -> memref<112x32xbf16, #tpu.memory_space<hbm>>
        tpu.enqueue_dma source(%dma_start3A_1184 : memref<112x32xbf16, #tpu.memory_space<hbm>>) target(%arg17 : memref<112x32xbf16, #tpu.memory_space<vmem>>) target_semaphore(%arg26 : memref<!tpu.dma_semaphore, #tpu.memory_space<semaphore_mem>>)
      } else {
      }
    }
    %scan3A_245 = arith.constant 14 : i32
    %barrier3A_246 = arith.constant 0 : index
    tpu.barrier barrier_id(%barrier3A_246)
    %mul3A_247 = arith.constant 4096 : i32
    %mul3A_248 = arith.muli %arg1, %mul3A_247 : i32
    %mul3A_249 = arith.constant 4096 : i32
    %mul3A_250 = arith.muli %arg1, %mul3A_249 : i32
    %add3A_251 = arith.addi %mul3A_130, %mul3A_250 : i32
    "tpu.region"() ({
      %run_scoped3A = tpu.sem_alloc : memref<!tpu.dma_semaphore, #tpu.memory_space<semaphore_mem>>
      %dma_start3A_253 = arith.constant 0 : i32
      %dma_start3A_254 = tpu.memref_slice %arg4[%add3A_251, %dma_start3A_253] : memref<262144x32xbf16, #tpu.memory_space<hbm>> -> memref<4096x32xbf16, #tpu.memory_space<hbm>>
      %dma_start3A_255 = arith.constant 0 : i32
      %dma_start3A_256 = tpu.memref_slice %arg5[%mul3A_248, %dma_start3A_255] : memref<66560x32xbf16, #tpu.memory_space<vmem_shared>> -> memref<4096x32xbf16, #tpu.memory_space<vmem_shared>>
      tpu.enqueue_dma source(%dma_start3A_256 : memref<4096x32xbf16, #tpu.memory_space<vmem_shared>>) target(%dma_start3A_254 : memref<4096x32xbf16, #tpu.memory_space<hbm>>) target_semaphore(%run_scoped3A : memref<!tpu.dma_semaphore, #tpu.memory_space<semaphore_mem>>)
      %dma_wait3A = arith.constant 0 : i32
      %dma_wait3A_257 = tpu.memref_slice %arg4[%add3A_251, %dma_wait3A] : memref<262144x32xbf16, #tpu.memory_space<hbm>> -> memref<4096x32xbf16, #tpu.memory_space<hbm>>
      %dma_wait3A_258 = arith.constant 0 : i32
      %dma_wait3A_259 = tpu.memref_slice %arg5[%mul3A_248, %dma_wait3A_258] : memref<66560x32xbf16, #tpu.memory_space<vmem_shared>> -> memref<4096x32xbf16, #tpu.memory_space<vmem_shared>>
      tpu.wait_dma2 semaphore(%run_scoped3A : memref<!tpu.dma_semaphore, #tpu.memory_space<semaphore_mem>>) src(%dma_wait3A_259 : memref<4096x32xbf16, #tpu.memory_space<vmem_shared>>) dst(%dma_wait3A_257 : memref<4096x32xbf16, #tpu.memory_space<hbm>>)
      tpu.yield
    }) : () -> ()
    %barrier3A_252 = arith.constant 0 : index
    tpu.barrier barrier_id(%barrier3A_252)
    return
  }
}

module attributes {stable_mosaic.version = 14 : i64} {
  func.func @_mm_body(%arg0: i32, %arg1: memref<1xi32, #tpu.memory_space<smem>>, %arg2: memref<2048x4xi32, #tpu.memory_space<vmem>>, %arg3: memref<2048x32xf32, #tpu.memory_space<vmem>>, %arg4: memref<512x32xf32, #tpu.memory_space<vmem>>, %arg5: memref<2048x32xbf16, #tpu.memory_space<vmem>>, %arg6: memref<2048xi32, #tpu.memory_space<vmem>>) attributes {dimension_semantics = [#tpu.dimension_semantics<arbitrary>], iteration_bounds = array<i64: 49>, scalar_prefetch = 0 : i64, scratch_operands = 0 : i64, tpu.core_type = #tpu.core_type<tc>, window_params = [{transform_indices = @transform_0, window_bounds = array<i64: 1>}, {transform_indices = @transform_1, window_bounds = array<i64: 2048, 4>}, {transform_indices = @transform_2, window_bounds = array<i64: 2048, 32>}, {pipeline_mode = #tpu.pipeline_mode<synchronous>, transform_indices = @transform_3, window_bounds = array<i64: 512, 32>}, {transform_indices = @transform_4, window_bounds = array<i64: 2048, 32>}, {transform_indices = @transform_5, window_bounds = array<i64: 2048>}]} {
    %get3A = arith.constant 0 : index
    %get3A_0 = memref.load %arg1[%get3A] : memref<1xi32, #tpu.memory_space<smem>>
    %get3A_1 = arith.constant 0 : index
    %get3A_2 = arith.constant 0 : index
    %get3A_3 = vector.load %arg2[%get3A_1, %get3A_2] : memref<2048x4xi32, #tpu.memory_space<vmem>>, vector<2048x4xi32>
    %get3A_4 = arith.constant 0 : index
    %get3A_5 = arith.constant 0 : index
    %get3A_6 = vector.load %arg3[%get3A_4, %get3A_5] : memref<2048x32xf32, #tpu.memory_space<vmem>>, vector<2048x32xf32>
    %convert_element_type3A = arith.sitofp %get3A_3 : vector<2048x4xi32> to vector<2048x4xf32>
    %convert_element_type3A_7 = arith.sitofp %get3A_0 : i32 to f32
    %div3A = vector.broadcast %convert_element_type3A_7 : f32 to vector<2048x4xf32>
    %div3A_8 = arith.divf %convert_element_type3A, %div3A : vector<2048x4xf32>
    %floor3A = math.floor %div3A_8 : vector<2048x4xf32>
    %convert_element_type3A_9 = arith.fptosi %floor3A : vector<2048x4xf32> to vector<2048x4xi32>
    %mul3A = vector.broadcast %get3A_0 : i32 to vector<2048x4xi32>
    %mul3A_10 = arith.muli %convert_element_type3A_9, %mul3A : vector<2048x4xi32>
    %gt3A = arith.cmpi sgt, %mul3A_10, %get3A_3 : vector<2048x4xi32>
    %jit3A = arith.constant 1 : i32
    %jit3A_11 = arith.constant 0 : i32
    %broadcast_in_dim3A = vector.broadcast %jit3A : i32 to vector<2048x4xi32>
    %broadcast_in_dim3A_12 = vector.broadcast %jit3A_11 : i32 to vector<2048x4xi32>
    %select_n3A = arith.select %gt3A, %broadcast_in_dim3A, %broadcast_in_dim3A_12 : vector<2048x4xi1>, vector<2048x4xi32>
    %sub3A = arith.subi %convert_element_type3A_9, %select_n3A : vector<2048x4xi32>
    %add3A = arith.constant 1 : i32
    %add3A_13 = vector.broadcast %add3A : i32 to vector<2048x4xi32>
    %add3A_14 = arith.addi %sub3A, %add3A_13 : vector<2048x4xi32>
    %mul3A_15 = vector.broadcast %get3A_0 : i32 to vector<2048x4xi32>
    %mul3A_16 = arith.muli %add3A_14, %mul3A_15 : vector<2048x4xi32>
    %le3A = arith.cmpi sle, %mul3A_16, %get3A_3 : vector<2048x4xi32>
    %jit3A_17 = arith.constant 1 : i32
    %jit3A_18 = arith.constant 0 : i32
    %broadcast_in_dim3A_19 = vector.broadcast %jit3A_17 : i32 to vector<2048x4xi32>
    %broadcast_in_dim3A_20 = vector.broadcast %jit3A_18 : i32 to vector<2048x4xi32>
    %select_n3A_21 = arith.select %le3A, %broadcast_in_dim3A_19, %broadcast_in_dim3A_20 : vector<2048x4xi1>, vector<2048x4xi32>
    %add3A_22 = arith.addi %sub3A, %select_n3A_21 : vector<2048x4xi32>
    %iota3A = tpu.iota {dimensions = array<i32: 1>} : vector<2048x4xi32>
    %mul3A_23 = arith.constant 2048 : i32
    %mul3A_24 = arith.muli %arg0, %mul3A_23 : i32
    %iota3A_25 = tpu.iota {dimensions = array<i32: 0>} : vector<2048x1xi32>
    %add3A_26 = vector.broadcast %mul3A_24 : i32 to vector<2048x1xi32>
    %add3A_27 = arith.addi %add3A_26, %iota3A_25 : vector<2048x1xi32>
    %lt3A = arith.constant 100000 : i32
    %lt3A_28 = vector.broadcast %lt3A : i32 to vector<2048x1xi32>
    %lt3A_29 = arith.cmpi slt, %add3A_27, %lt3A_28 : vector<2048x1xi32>
    %eq3A = arith.constant 1 : i32
    %eq3A_30 = vector.broadcast %eq3A : i32 to vector<2048x4xi32>
    %eq3A_31 = arith.cmpi eq, %iota3A, %eq3A_30 : vector<2048x4xi32>
    %jit3A_32 = arith.constant 0 : i32
    %broadcast_in_dim3A_33 = vector.broadcast %jit3A_32 : i32 to vector<2048x4xi32>
    %select_n3A_34 = arith.select %eq3A_31, %add3A_22, %broadcast_in_dim3A_33 : vector<2048x4xi1>, vector<2048x4xi32>
    %reduce_sum3A = arith.constant dense<0> : vector<2048xi32>
    %reduce_sum3A_35 = vector.multi_reduction <add>, %select_n3A_34, %reduce_sum3A [1] : vector<2048x4xi32> to vector<2048xi32>
    %eq3A_36 = arith.constant 0 : i32
    %eq3A_37 = vector.broadcast %eq3A_36 : i32 to vector<2048x4xi32>
    %eq3A_38 = arith.cmpi eq, %iota3A, %eq3A_37 : vector<2048x4xi32>
    %mul3A_39 = arith.constant 256 : i32
    %mul3A_40 = vector.broadcast %mul3A_39 : i32 to vector<2048x4xi32>
    %mul3A_41 = arith.muli %add3A_22, %mul3A_40 : vector<2048x4xi32>
    %jit3A_42 = arith.constant 0 : i32
    %broadcast_in_dim3A_43 = vector.broadcast %jit3A_42 : i32 to vector<2048x4xi32>
    %select_n3A_44 = arith.select %eq3A_38, %mul3A_41, %broadcast_in_dim3A_43 : vector<2048x4xi1>, vector<2048x4xi32>
    %eq3A_45 = arith.constant 2 : i32
    %eq3A_46 = vector.broadcast %eq3A_45 : i32 to vector<2048x4xi32>
    %eq3A_47 = arith.cmpi eq, %iota3A, %eq3A_46 : vector<2048x4xi32>
    %jit3A_48 = arith.constant 0 : i32
    %broadcast_in_dim3A_49 = vector.broadcast %jit3A_48 : i32 to vector<2048x4xi32>
    %select_n3A_50 = arith.select %eq3A_47, %add3A_22, %broadcast_in_dim3A_49 : vector<2048x4xi1>, vector<2048x4xi32>
    %add3A_51 = arith.addi %select_n3A_44, %select_n3A_50 : vector<2048x4xi32>
    %eq3A_52 = arith.constant 3 : i32
    %eq3A_53 = vector.broadcast %eq3A_52 : i32 to vector<2048x4xi32>
    %eq3A_54 = arith.cmpi eq, %iota3A, %eq3A_53 : vector<2048x4xi32>
    %mul3A_55 = arith.constant 65536 : i32
    %mul3A_56 = vector.broadcast %mul3A_55 : i32 to vector<2048x4xi32>
    %mul3A_57 = arith.muli %get3A_3, %mul3A_56 : vector<2048x4xi32>
    %jit3A_58 = arith.constant 0 : i32
    %broadcast_in_dim3A_59 = vector.broadcast %jit3A_58 : i32 to vector<2048x4xi32>
    %select_n3A_60 = arith.select %eq3A_54, %mul3A_57, %broadcast_in_dim3A_59 : vector<2048x4xi1>, vector<2048x4xi32>
    %add3A_61 = arith.addi %add3A_51, %select_n3A_60 : vector<2048x4xi32>
    %jit3A_62 = arith.constant 0 : i32
    %broadcast_in_dim3A_63 = vector.shape_cast %lt3A_29 : vector<2048x1xi1> to vector<2048x1xi1>
    %broadcast_in_dim3A_64 = vector.broadcast %broadcast_in_dim3A_63 : vector<2048x1xi1> to vector<2048x4xi1>
    %broadcast_in_dim3A_65 = vector.broadcast %jit3A_62 : i32 to vector<2048x4xi32>
    %select_n3A_66 = arith.select %broadcast_in_dim3A_64, %add3A_61, %broadcast_in_dim3A_65 : vector<2048x4xi1>, vector<2048x4xi32>
    %reduce_sum3A_67 = arith.constant dense<0> : vector<2048xi32>
    %reduce_sum3A_68 = vector.multi_reduction <add>, %select_n3A_66, %reduce_sum3A_67 [1] : vector<2048x4xi32> to vector<2048xi32>
    %broadcast_in_dim3A_69 = vector.shape_cast %reduce_sum3A_35 : vector<2048xi32> to vector<2048x1xi32>
    %jit3A_70 = arith.constant -1 : i32
    %broadcast_in_dim3A_71 = vector.broadcast %jit3A_70 : i32 to vector<2048x1xi32>
    %select_n3A_72 = arith.select %lt3A_29, %broadcast_in_dim3A_69, %broadcast_in_dim3A_71 : vector<2048x1xi1>, vector<2048x1xi32>
    %tile3A = tpu.concatenate %get3A_6, %get3A_6, %get3A_6, %get3A_6, %get3A_6, %get3A_6, %get3A_6, %get3A_6, %get3A_6, %get3A_6, %get3A_6, %get3A_6, %get3A_6, %get3A_6, %get3A_6, %get3A_6 in 1 : vector<2048x32xf32>, vector<2048x32xf32>, vector<2048x32xf32>, vector<2048x32xf32>, vector<2048x32xf32>, vector<2048x32xf32>, vector<2048x32xf32>, vector<2048x32xf32>, vector<2048x32xf32>, vector<2048x32xf32>, vector<2048x32xf32>, vector<2048x32xf32>, vector<2048x32xf32>, vector<2048x32xf32>, vector<2048x32xf32>, vector<2048x32xf32> -> vector<2048x512xf32>
    %convert_element_type3A_73 = arith.truncf %tile3A : vector<2048x512xf32> to vector<2048x512xbf16>
    %iota3A_74 = tpu.iota {dimensions = array<i32: 1>} : vector<2048x512xi32>
    %jit3A_75 = arith.constant 32 : i32
    %div3A_76 = vector.broadcast %jit3A_75 : i32 to vector<2048x512xi32>
    %div3A_77 = arith.divsi %iota3A_74, %div3A_76 : vector<2048x512xi32>
    %sign3A = arith.constant 0 : i32
    %sign3A_78 = vector.broadcast %sign3A : i32 to vector<2048x512xi32>
    %sign3A_79 = arith.cmpi sgt, %iota3A_74, %sign3A_78 : vector<2048x512xi32>
    %sign3A_80 = arith.extui %sign3A_79 : vector<2048x512xi1> to vector<2048x512xi32>
    %sign3A_81 = arith.constant 0 : i32
    %sign3A_82 = vector.broadcast %sign3A_81 : i32 to vector<2048x512xi32>
    %sign3A_83 = arith.cmpi slt, %iota3A_74, %sign3A_82 : vector<2048x512xi32>
    %sign3A_84 = arith.extui %sign3A_83 : vector<2048x512xi1> to vector<2048x512xi32>
    %sign3A_85 = arith.subi %sign3A_80, %sign3A_84 : vector<2048x512xi32>
    %sign3A_86 = arith.constant 0 : i32
    %sign3A_87 = arith.cmpi sgt, %jit3A_75, %sign3A_86 : i32
    %sign3A_88 = arith.extui %sign3A_87 : i1 to i32
    %sign3A_89 = arith.constant 0 : i32
    %sign3A_90 = arith.cmpi slt, %jit3A_75, %sign3A_89 : i32
    %sign3A_91 = arith.extui %sign3A_90 : i1 to i32
    %sign3A_92 = arith.subi %sign3A_88, %sign3A_91 : i32
    %ne3A = vector.broadcast %sign3A_92 : i32 to vector<2048x512xi32>
    %ne3A_93 = arith.cmpi ne, %sign3A_85, %ne3A : vector<2048x512xi32>
    %rem3A = vector.broadcast %jit3A_75 : i32 to vector<2048x512xi32>
    %rem3A_94 = arith.remsi %iota3A_74, %rem3A : vector<2048x512xi32>
    %ne3A_95 = arith.constant 0 : i32
    %ne3A_96 = vector.broadcast %ne3A_95 : i32 to vector<2048x512xi32>
    %ne3A_97 = arith.cmpi ne, %rem3A_94, %ne3A_96 : vector<2048x512xi32>
    %and3A = arith.andi %ne3A_93, %ne3A_97 : vector<2048x512xi1>
    %sub3A_98 = arith.constant 1 : i32
    %sub3A_99 = vector.broadcast %sub3A_98 : i32 to vector<2048x512xi32>
    %sub3A_100 = arith.subi %div3A_77, %sub3A_99 : vector<2048x512xi32>
    %select_n3A_101 = arith.select %and3A, %sub3A_100, %div3A_77 : vector<2048x512xi1>, vector<2048x512xi32>
    %eq3A_102 = vector.broadcast %select_n3A_72 : vector<2048x1xi32> to vector<2048x512xi32>
    %eq3A_103 = arith.cmpi eq, %select_n3A_101, %eq3A_102 : vector<2048x512xi32>
    %jit3A_104 = arith.constant 0.000000e+00 : bf16
    %broadcast_in_dim3A_105 = vector.broadcast %jit3A_104 : bf16 to vector<2048x512xbf16>
    %select_n3A_106 = arith.select %eq3A_103, %convert_element_type3A_73, %broadcast_in_dim3A_105 : vector<2048x512xi1>, vector<2048x512xbf16>
    %get3A_107 = arith.constant 0 : index
    %get3A_108 = arith.constant 0 : index
    %get3A_109 = vector.load %arg4[%get3A_107, %get3A_108] : memref<512x32xf32, #tpu.memory_space<vmem>>, vector<512x32xf32>
    %convert_element_type3A_110 = arith.truncf %get3A_109 : vector<512x32xf32> to vector<512x32xbf16>
    %dot_general3A = arith.constant dense<0.000000e+00> : vector<2048x32xf32>
    %dot_general3A_111 = tpu.matmul %select_n3A_106, %convert_element_type3A_110, %dot_general3A {dimension_numbers = #tpu.dot_dimension_numbers<[1], [0], [0], [1], [0, 0, 1, 1], [], []>, transpose_lhs_hint = false} : vector<2048x512xbf16>, vector<512x32xbf16>, vector<2048x32xf32> -> vector<2048x32xf32>
    %convert_element_type3A_112 = arith.truncf %dot_general3A_111 : vector<2048x32xf32> to vector<2048x32xbf16>
    %swap3A = arith.constant 0 : index
    %swap3A_113 = arith.constant 0 : index
    %swap3A_114 = vector.load %arg5[%swap3A, %swap3A_113] : memref<2048x32xbf16, #tpu.memory_space<vmem>>, vector<2048x32xbf16>
    tpu.vector_store %arg5[%swap3A, %swap3A_113], %convert_element_type3A_112 {strides = array<i32>} : memref<2048x32xbf16, #tpu.memory_space<vmem>>, vector<2048x32xbf16>,
    %swap3A_115 = arith.constant 0 : index
    %swap3A_116 = vector.load %arg6[%swap3A_115] : memref<2048xi32, #tpu.memory_space<vmem>>, vector<2048xi32>
    tpu.vector_store %arg6[%swap3A_115], %reduce_sum3A_68 {strides = array<i32>} : memref<2048xi32, #tpu.memory_space<vmem>>, vector<2048xi32>,
    return
  }
  func.func @transform_0(%arg0: i32) -> i32 {
    %c0_i32 = arith.constant 0 : i32
    %c0_i32_0 = arith.constant 0 : i32
    return %c0_i32 : i32
  }
  func.func @transform_1(%arg0: i32) -> (i32, i32) {
    %c0_i32 = arith.constant 0 : i32
    %c0_i32_0 = arith.constant 0 : i32
    return %arg0, %c0_i32 : i32, i32
  }
  func.func @transform_2(%arg0: i32) -> (i32, i32) {
    %c0_i32 = arith.constant 0 : i32
    %c0_i32_0 = arith.constant 0 : i32
    return %arg0, %c0_i32 : i32, i32
  }
  func.func @transform_3(%arg0: i32) -> (i32, i32) {
    %c0_i32 = arith.constant 0 : i32
    %c0_i32_0 = arith.constant 0 : i32
    %c0_i32_1 = arith.constant 0 : i32
    return %c0_i32, %c0_i32_0 : i32, i32
  }
  func.func @transform_4(%arg0: i32) -> (i32, i32) {
    %c0_i32 = arith.constant 0 : i32
    %c0_i32_0 = arith.constant 0 : i32
    return %arg0, %c0_i32 : i32, i32
  }
  func.func @transform_5(%arg0: i32) -> i32 {
    %c0_i32 = arith.constant 0 : i32
    return %arg0 : i32
  }
}

module attributes {stable_mosaic.version = 14 : i64} {
  func.func @_tr_body(%arg0: i32, %arg1: i32, %arg2: memref<1x32x256x32xbf16, #tpu.memory_space<vmem>>, %arg3: memref<1x32x32x256xf32, #tpu.memory_space<vmem>>) attributes {dimension_semantics = [#tpu.dimension_semantics<arbitrary>, #tpu.dimension_semantics<arbitrary>], iteration_bounds = array<i64: 4, 8>, scalar_prefetch = 0 : i64, scratch_operands = 0 : i64, tpu.core_type = #tpu.core_type<tc>, window_params = [{transform_indices = @transform_0, window_bounds = array<i64: 1, 32, 256, 32>}, {transform_indices = @transform_1, window_bounds = array<i64: 1, 32, 32, 256>}]} {
    %get3A = arith.constant 0 : index
    %get3A_0 = arith.constant 0 : index
    %get3A_1 = arith.constant 0 : index
    %get3A_2 = arith.constant 0 : index
    %get3A_3 = vector.load %arg2[%get3A, %get3A_0, %get3A_1, %get3A_2] : memref<1x32x256x32xbf16, #tpu.memory_space<vmem>>, vector<1x32x256x32xbf16>
    %transpose3A = tpu.transpose %get3A_3, [0, 3, 1, 2] : vector<1x32x256x32xbf16> -> vector<1x32x32x256xbf16>
    %convert_element_type3A = arith.extf %transpose3A : vector<1x32x32x256xbf16> to vector<1x32x32x256xf32>
    %swap3A = arith.constant 0 : index
    %swap3A_4 = arith.constant 0 : index
    %swap3A_5 = arith.constant 0 : index
    %swap3A_6 = arith.constant 0 : index
    %swap3A_7 = vector.load %arg3[%swap3A, %swap3A_4, %swap3A_5, %swap3A_6] : memref<1x32x32x256xf32, #tpu.memory_space<vmem>>, vector<1x32x32x256xf32>
    tpu.vector_store %arg3[%swap3A, %swap3A_4, %swap3A_5, %swap3A_6], %convert_element_type3A {strides = array<i32>} : memref<1x32x32x256xf32, #tpu.memory_space<vmem>>, vector<1x32x32x256xf32>,
    return
  }
  func.func @transform_0(%arg0: i32, %arg1: i32) -> (i32, i32, i32, i32) {
    %c0_i32 = arith.constant 0 : i32
    %c0_i32_0 = arith.constant 0 : i32
    %c0_i32_1 = arith.constant 0 : i32
    return %arg0, %arg1, %c0_i32, %c0_i32_0 : i32, i32, i32, i32
  }
  func.func @transform_1(%arg0: i32, %arg1: i32) -> (i32, i32, i32, i32) {
    %c0_i32 = arith.constant 0 : i32
    %c0_i32_0 = arith.constant 0 : i32
    %c0_i32_1 = arith.constant 0 : i32
    return %arg0, %c0_i32, %arg1, %c0_i32_0 : i32, i32, i32, i32
  }
}

</mosaic_0001>

<sc_bundles>
// kernel: kernel.6.cloned.1.call-start
scs
__scs_entry_jumppad:
0x0: {  	(pc) =	sbr.rel $0x88, $3  }
0x1: {  	(tag) =	ssettag $0x0;
	lr =	simm.s32 $0x1  }
0x2: {  	[smem:$0x3F9D] =	sst lr;
	_ =	strace $0xD0000000  }
0x3: {  	_ = 	snop  }
0x4: {  	_ = 	snop  }
0x5: {  	_ = 	snop  }
0x6: {  	_ = 	snop  }
0x7: {  	_ = 	snop  }
__scs_overlays_trampoline_lowered:
0x8: {  	[smem:$0x3FAC] =	sst s0  }
0x9: {  	[smem:$0x3FAD] =	sst s1  }
0xa: {  	[smem:$0x3FAE] =	sst s2  }
0xb: {  	[smem:$0x3FAF] =	sst s3  }
0xc: {  	[smem:$0x3FB0] =	sst s4  }
0xd: {  	[smem:$0x3FB1] =	sst s5  }
0xe: {  	[smem:$0x3FB2] =	sst s6  }
0xf: {  	[smem:$0x3FB3] =	sst s7  }
0x10: {  	[smem:$0x3FB4] =	sst s8  }
0x11: {  	[smem:$0x3FB5] =	sst s9;
	s0 =	simm.s32 @!p0 $0x0  }
0x12: {  	s1 =	sld [smem:$0x3F9B];
	s0 =	simm.s32 @p0 $0x1  }
0x13: {  	[smem:$0x3FB6] =	sst s0;
	s0 =	simm.s32 @!p1 $0x0  }
0x14: {  	s2 =	sld [smem:$0x3F9A];
	s0 =	simm.s32 @p1 $0x1  }
0x15: {  	[smem:$0x3FB7] =	sst s0;
	s0 =	simm.s32 @!p2 $0x0  }
0x16: {  	s3 =	sld [smem:$0x3FDB];
	s0 =	simm.s32 @p2 $0x1  }
0x17: {  	s4 =	simm.s32 $0x1BF5;
	[smem:$0x3FB9] =	sst s0  }
0x18: {  	s0 =	sld [smem:$0x3F9C];
	_ =	swait.ge [sflag:s4], $0x0  }
0x19: {  	s7 =	sld [smem:$0x3F9D]  }
0x1a: {  	s8 =	sadd.s32 $0xFFFFE003, lr  }
0x1b: {  	s9 =	sadd.s32 $0xFFFFFEF7, lr;
	s5 =	simm.s32 $0xFFFFFFFF;
	p2 =	slt.u32 s8, $0xFFFFF086  }
0x1c: {  	p1 =	slt.u32 s9, $0xF7A;
	s5 =	simm.s32 @!p2 $0x0  }
0x1d: {  	s5 =	simm.s32 @p1 $0x1;
	p0 =	seq.s32 s7, s2  }
0x1e: {  	s7 =	smul.u32 @!p0 $0xF7A, s2;
	p2 =	seq.s32 @!p0 s5, $0x0  }
0x1f: {  	s9 =	smul.u32 $0xF7A, s1;
	s8 =	simm.s32 @!p0 $0x1BF5;
	p2 =	por !p2, p0  }
0x20: {  	[sflag:s8] =	ssyncset.s32 @!p0 $0xFFFFF086;
	s6 =	sadd.s32 @!p0 s3, s7;
	s7 =	simm.s32 @!p0 $0x108  }
0x21: {  	s3 =	sadd.s32 s3, s9;
	s6 =	sadd.s32 @!p0 $0x88, s6;
	s7 =	simm.s32 @p2 $0x1082  }
0x22: {  	[simem:s7], [sflag:s8] =	dma.local @!p0 [hbm:s6], $0xF7A  }
0x23: {  	s9 =	sor.u32 $0xD0000000, s2;
	s6 =	simm.s32 $0x108;
	_ =	swait.ge @!p0 [sflag:s8], $0x0  }
0x24: {  	s3 =	sadd.s32 $0x88, s3;
	s6 =	simm.s32 @!p1 $0x1082;
	[sflag:s4] =	ssyncset.s32 $0xFFFFF086  }
0x25: {  	[simem:s6], [sflag:s4] =	dma.local [hbm:s3], $0xF7A  }
0x26: {  	[smem:$0x3F9D] =	sst s1;
	(tag) =	ssettag s2;
	_ =	strace s9  }
0x27: {  	s1 =	sld [smem:$0x3FAD]  }
0x28: {  	s2 =	sld [smem:$0x3FAE]  }
0x29: {  	s4 =	sld [smem:$0x3FB0]  }
0x2a: {  	p0 =	seq.s32 s5, $0x0;
	s5 =	sld [smem:$0x3FB1]  }
0x2b: {  	s6 =	sld [smem:$0x3FB2]  }
0x2c: {  	s7 =	sld [smem:$0x3FB3]  }
0x2d: {  	s3 =	simm.s32 $0x108;
	s8 =	sld [smem:$0x3FB4]  }
0x2e: {  	s3 =	simm.s32 @!p0 $0x1082;
	s9 =	sld [smem:$0x3FB5]  }
0x2f: {  	lr =	sadd.s32 s0, s3;
	s0 =	sld [smem:$0x3FAC]  }
0x30: {  	s3 =	sld [smem:$0x3FAF]  }
0x31: {  	[smem:$0x3FB8] =	sst s10  }
0x32: {  	s10 =	sld [smem:$0x3FB6];
	_ =	sdelay $0x3  }
0x33: {  	p0 =	seq.s32 s10, $0x1;
	s10 =	sld [smem:$0x3FB8];
	_ =	sdelay $0x3  }
0x34: {  	[smem:$0x3FB8] =	sst s10  }
0x35: {  	s10 =	sld [smem:$0x3FB7];
	_ =	sdelay $0x3  }
0x36: {  	p1 =	seq.s32 s10, $0x1;
	s10 =	sld [smem:$0x3FB8];
	_ =	sdelay $0x3  }
0x37: {  	[smem:$0x3FB8] =	sst s10  }
0x38: {  	s10 =	sld [smem:$0x3FB9]  }
0x39: {  	_ = 	snop;
	(pc) =	sbr.ind lr, $3  }
0x3a: {  	_ = 	snop  }
0x3b: {  	_ = 	snop  }
0x3c: {  	p2 =	seq.s32 s10, $0x1;
	s10 =	sld [smem:$0x3FB8]  }
0x3d: {  	_ =	shalt  }
0x3e: {  	_ =	shalt  }
0x3f: {  	_ =	shalt  }
0x40: {  	_ =	shalt  }
0x41: {  	_ =	shalt  }
0x42: {  	_ =	shalt  }
0x43: {  	_ =	shalt  }
0x44: {  	_ =	shalt  }
0x45: {  	_ =	shalt  }
0x46: {  	_ =	shalt  }
0x47: {  	_ =	shalt  }
0x48: {  	_ =	shalt  }
0x49: {  	_ =	shalt  }
0x4a: {  	_ =	shalt  }
0x4b: {  	_ =	shalt  }
0x4c: {  	_ =	shalt  }
0x4d: {  	_ =	shalt  }
0x4e: {  	_ =	shalt  }
0x4f: {  	_ =	shalt  }
0x50: {  	_ =	shalt  }
0x51: {  	_ =	shalt  }
0x52: {  	_ =	shalt  }
0x53: {  	_ =	shalt  }
0x54: {  	_ =	shalt  }
0x55: {  	_ =	shalt  }
0x56: {  	_ =	shalt  }
0x57: {  	_ =	shalt  }
0x58: {  	_ =	shalt  }
0x59: {  	_ =	shalt  }
0x5a: {  	_ =	shalt  }
0x5b: {  	_ =	shalt  }
0x5c: {  	_ =	shalt  }
0x5d: {  	_ =	shalt  }
0x5e: {  	_ =	shalt  }
0x5f: {  	_ =	shalt  }
0x60: {  	_ =	shalt  }
0x61: {  	_ =	shalt  }
0x62: {  	_ =	shalt  }
0x63: {  	_ =	shalt  }
0x64: {  	_ =	shalt  }
0x65: {  	_ =	shalt  }
0x66: {  	_ =	shalt  }
0x67: {  	_ =	shalt  }
0x68: {  	_ =	shalt  }
0x69: {  	_ =	shalt  }
0x6a: {  	_ =	shalt  }
0x6b: {  	_ =	shalt  }
0x6c: {  	_ =	shalt  }
0x6d: {  	_ =	shalt  }
0x6e: {  	_ =	shalt  }
0x6f: {  	_ =	shalt  }
0x70: {  	_ =	shalt  }
0x71: {  	_ =	shalt  }
0x72: {  	_ =	shalt  }
0x73: {  	_ =	shalt  }
0x74: {  	_ =	shalt  }
0x75: {  	_ =	shalt  }
0x76: {  	_ =	shalt  }
0x77: {  	_ =	shalt  }
0x78: {  	_ =	shalt  }
0x79: {  	_ =	shalt  }
0x7a: {  	_ =	shalt  }
0x7b: {  	_ =	shalt  }
0x7c: {  	_ =	shalt  }
0x7d: {  	_ =	shalt  }
0x7e: {  	_ =	shalt  }
0x7f: {  	_ =	shalt  }
0x80: {  	_ =	shalt  }
0x81: {  	_ =	shalt  }
0x82: {  	_ =	shalt  }
0x83: {  	_ =	shalt  }
0x84: {  	_ =	shalt  }
0x85: {  	_ =	shalt  }
0x86: {  	_ =	shalt  }
0x87: {  	_ =	shalt  }
.Lfunc_end0:
.L_simem_size_0:
called_computation_lowered:
.L_overlay_start_0:
0x88: {  	s2 =	sld [smem:$0x3FD9]  }
0x89: {  	s3 =	sld [smem:$0x3FFE];
	_ =	sdelay $0x1  }
0x8a: {  	s1 =	srdreg.scid  }
0x8b: {  	s0 =	sand.u32 $0x1, s1  }
0x8c: {  	s17 =	sshll.u32 s0, $0xA;
	s2 =	sadd.s32 s3, s2  }
0x8d: {  	s2 =	sadd.s32 s2, s17  }
0x8e: {  	[smem:$0x3FC4] =	sst s2  }
0x8f: {  	_ = 	snop  }
0x90: {  	s2 =	sld [smem:$0x3FD0];
	(tm) =	ssettm $0x1  }
0x91: {  	s18 =	sld [smem:$0x3FFB];
	_ =	sdelay $0x3  }
0x92: {  	_ =	strace s18  }
0x93: {  	s3 =	sld [smem:$0x3FFC];
	_ =	sdelay $0x3  }
0x94: {  	_ =	strace s3  }
0x95: {  	s3 =	sld [smem:$0x3FFD];
	_ =	sdelay $0x3  }
0x96: {  	_ =	strace s3  }
0x97: {  	_ =	strace $0x8FFFFFFF  }
0x98: {  	s19 =	sld [smem:$0x3FDB];
	_ =	sdelay $0x1  }
0x99: {  	s4 =	simm.s32 $_scs_section_size  }
0x9a: {  	s5 =	simm.s32 $_size__tile_overlayer_lowered;
	s6 =	simm.s32 $_tile_overlayer_lowered  }
0x9b: {  	s22 =	simm.s32 $0x1BFF;
	s21 =	sshll.u32 s6, $0x1;
	s3 =	sadd.s32 s4, s19  }
0x9c: {  	s7 =	simm.s32 $0x0;
	s20 =	sshll.u32 s5, $0x1;
	s5 =	sadd.s32 s21, s3  }
0x9d: {  	[timem:s7], [sflag:s22] =	dma.local [hbm:s5], s20  }
0x9e: {  	_ =	swait.ge [sflag:s22], s20  }
0x9f: {  	s4 =	ssub.s32 $0x0, s20;
	[sflag:s22] =	ssyncset.done $0x0  }
0xa0: {  	[sflag:s22] =	ssyncadd.s32 s4;
	_ =	sdelay $0x1  }
0xa1: {  	s23 =	simm.s32 $0x1B8B  }
0xa2: {  	_ =	swait.ge [sflag:s23], $0x1  }
0xa3: {  	[sflag:s23] =	ssyncset.done $0x0  }
0xa4: {  	s25 =	simm.s32 $0x1B8E;
	s24 =	sld [smem:$0x3FFE];
	[sflag:s23] =	ssyncadd.s32 $0xFFFFFFFF  }
0xa5: {  	s26 =	simm.s32 $execute0_lowered;
	[smem:$0x3FD2] =	sst s25  }
0xa6: {  	s5 =	sshll.u32 s26, $0x1;
	_ =	strace $0x80000046;
	[dreg:$0x1] =	wrdreg $0xFFFFFFFF  }
0xa7: {  	s28 =	simm.s32 $_size_execute0_lowered;
	s3 =	sadd.s32 s3, s5;
	[dreg:$0x0] =	wrdreg $0x0  }
0xa8: {  	s5 =	sshll.u32 s28, $0x1;
	[dreg:$0x2] =	wrdreg s3  }
0xa9: {  	[dreg:$0x3] =	wrdreg s5  }
0xaa: {  	[dreg:$0x4] =	wrdreg $0xC0  }
0xab: {  	_ =	task [dreg:s7], $0x5FFFF  }
0xac: {  	[dreg:$0x1] =	wrdreg $0xFFFFFFFF  }
0xad: {  	[dreg:$0x0] =	wrdreg $0x60  }
0xae: {  	[dreg:$0x2] =	wrdreg s2  }
0xaf: {  	[dreg:$0x3] =	wrdreg s24  }
0xb0: {  	[dreg:$0x4] =	wrdreg $0x0  }
0xb1: {  	[dreg:$0x5] =	wrdreg $0x9  }
0xb2: {  	_ =	task.clear_ibuf [dreg:s7], $0x6FFFF;
	_ =	strace $0x90000046  }
0xb3: {  	s29 =	simm.s32 $0x9;
	_ =	strace $0x80000048  }
0xb4: {  	_ =	swait.ge [sflag:s29], $0x1  }
0xb5: {  	[sflag:s29] =	ssyncadd.s32 $0xFFFFFFFF  }
0xb6: {  	_ =	strace $0x90000048  }
0xb7: {  	_ =	sfence  }
0xb8: {  	s30 =	sld [smem:$0x0];
	_ =	sdelay $0x2  }
0xb9: {  	s31 =	sshll.u32 s1, $0xD;
	s1 =	sshrl.u32 s1, $0x2  }
0xba: {  	s3 =	sand.u32 $0x4000, s31;
	s1 =	sadd.s32 s1, s30  }
0xbb: {  	s0 =	sor.u32 s3, s0;
	s1 =	sshll.u32 s1, $0x11  }
0xbc: {  	s0 =	sor.u32 s1, s0  }
0xbd: {  	s0 =	sadd.s32 $0x8F2B, s0  }
0xbe: {  	[sflag:s0] =	ssyncadd.remote.s32 $0x1  }
0xbf: {  	_ =	sfence.sel $0xFFFF  }
0xc0: {  	[dreg:$0x0] =	wrdreg $0xFFFFFFFF;
	(pc) =	sbr.abs _section_cstart, $3  }
0xc1: {  	[dreg:$0x1] =	wrdreg $0xFFFFFFFF  }
0xc2: {  	_ =	task.clear_ibuf [dreg:s7], $0x2FFFF;
	_ =	strace $0x9FFFFFFF  }
0xc3: {  	(tm) =	ssettm $0x7FFFFFFF  }
tec
execute0_lowered:
.L_overlay_start_1:
0x0: {  	(tag) =	ssettag $0x1  }
0x1: {  	s0 =	rddreg [dreg:$0x0]  }
0x2: {  	s1 =	rddreg [dreg:$0x1]  }
0x3: {  	s2 =	rddreg [dreg:$0x2];
	s3 =	simm.s32 $0x0  }
0x4: {  	s4 =	srdreg.scid;
	s12 =	stileid.u32;
	s28 =	simm.s32 $0x4  }
0x5: {  	s29 =	simm.s32 $0x8;
	s30 =	simm.s32 $0x9;
	s31 =	simm.s32 $0xA  }
0x6: {  	[smem:$0x7FF] =	sst s3;
	s4 =	sand.u32 $0x1, s4;
	s5 =	smul.u32 $0x41000, s12  }
0x7: {  	s6 =	sadd.s32 $0xC00, s1;
	s1 =	sadd.s32 $0x3E00, s1;
	s26 =	smul.u32 $0x1880, s12  }
0x8: {  	s15 =	smul.u32 $0x3100, s12;
	s23 =	sshll.u32 s12, $0xC;
	s7 =	ssub.s32 $0x2, s4  }
0x9: {  	_ =	strace $0x80000047;
	s4 =	sshll.u32 s4, $0x10;
	s8 =	sshrl.u32 s7, $0x1  }
0xa: {  	s5 =	sshrl.u32 s5, $0x2;
	s16 =	sshrl.u32 s26, $0x3;
	s10 =	sor.u32 $0x70, s26  }
0xb: {  	s19 =	sadd.s32 $0xE0, s26;
	s24 =	sor.u32 s23, s4;
	s13 =	sadd.s32 s5, s2  }
0xc: {  	s7 =	ssub.s32 s7, s8;
	s5 =	sadd.s32 $0x1040, s13;
	[dreg:$0x4] =	wrdreg s13  }
0xd: {  	s17 =	sshrl.u32 s10, $0x3;
	s25 =	sadd.s32 $0x2080, s13;
	[dreg:$0x5] =	wrdreg s5  }
0xe: {  	s18 =	sshll.u32 s10, $0x1;
	s11 =	sadd.s32 $0x30C0, s13;
	[dreg:$0x6] =	wrdreg s25  }
0xf: {  	s20 =	sshrl.u32 s19, $0x3;
	s14 =	sadd.s32 $0x4100, s13;
	[dreg:$0x7] =	wrdreg s11  }
0x10: {  	s9 =	sadd.s32 $0x5140, s13;
	s8 =	sadd.s32 s6, s17;
	[dreg:$0x8] =	wrdreg s14  }
0x11: {  	s10 =	sadd.s32 $0x6180, s13;
	s17 =	sadd.s32 $0x71C0, s13;
	[dreg:$0x9] =	wrdreg s9  }
0x12: {  	s9 =	sadd.s32 s6, s16;
	s11 =	sadd.s32 s0, s15;
	[dreg:$0xb] =	wrdreg s8  }
0x13: {  	s8 =	sadd.s32 s0, s18;
	s5 =	sadd.s32 $0x150, s26;
	[dreg:$0x13] =	wrdreg s10  }
0x14: {  	s15 =	sor.u32 $0x20000, s4;
	s26 =	smul.u32 $0x310, s12;
	[dreg:$0x17] =	wrdreg s17  }
0x15: {  	s14 =	smax.u32 s7, $0x1;
	s18 =	sadd.s32 $0x8200, s13;
	[dreg:$0xa] =	wrdreg s9  }
0x16: {  	s10 =	simm.s32 $0x11C80;
	s17 =	simm.s32 $0x6;
	[dreg:$0xc] =	wrdreg s8  }
0x17: {  	s9 =	sshll.u32 s19, $0x1;
	s8 =	sadd.s32 s6, s20;
	s22 =	sshrl.u32 s5, $0x3  }
0x18: {  	s5 =	sshll.u32 s5, $0x1;
	s25 =	sor.u32 s23, s15;
	[dreg:$0x15] =	wrdreg s14  }
0x19: {  	[dreg:$0x18] =	wrdreg s18;
	s19 =	sadd.s32 $0x9240, s13;
	s20 =	sadd.s32 $0xA280, s13  }
0x1a: {  	s23 =	sadd.s32 $0xC300, s13;
	s14 =	simm.s32 $0x70;
	[dreg:$0xd] =	wrdreg s8  }
0x1b: {  	s21 =	sadd.s32 s0, s9;
	s0 =	sadd.s32 s0, s5;
	[dreg:$0x19] =	wrdreg s19  }
0x1c: {  	s8 =	sadd.s32 s6, s22;
	s5 =	sshll.u32 s25, $0x1;
	[dreg:$0x1a] =	wrdreg s20  }
0x1d: {  	s9 =	sadd.s32 s26, s6;
	s22 =	sadd.s32 $0xB2C0, s13;
	[dreg:$0x1c] =	wrdreg s23  }
0x1e: {  	s25 =	sadd.s32 $0xE380, s13;
	s26 =	sadd.s32 $0xF3C0, s13;
	[dreg:$0xe] =	wrdreg s21  }
0x1f: {  	s19 =	simm.s32 $0xD;
	s6 =	simm.s32 $0x10E80;
	[dreg:$0xf] =	wrdreg s0  }
0x20: {  	v1 =	vlaneseq.u32;
	s20 =	simm.s32 $0x10630;
	s23 =	simm.s32 $0x10710;
	[dreg:$0x10] =	wrdreg s8  }
0x21: {  	v9 =	vimm.bf16 $0.0e+00;
	v3 =	vor.u32 $0x10, v1;
	v4 =	vor.u32 $0x20, v1;
	s0 =	sshll.u32 s24, $0x1;
	s21 =	smul.u32 $0x70, s12;
	[dreg:$0x1b] =	wrdreg s22  }
0x22: {  	v5 =	vor.u32 $0x30, v1;
	v6 =	vor.u32 $0x40, v1;
	v7 =	vor.u32 $0x50, v1;
	s8 =	sshll.u32 s12, $0x10;
	s16 =	sadd.s32 $0x38, s9;
	[dreg:$0x1e] =	wrdreg s25  }
0x23: {  	v0 =	vmov s4;
	s24 =	sadd.s32 $0xD340, s13;
	[dreg:$0x1f] =	wrdreg s26;
	s22 =	simm.s32 $0x10780;
	v2 =	vor.u32 s21, v1;
	v3 =	vadd.s32 s21, v3  }
0x24: {  	s9 =	simm.s32 $0x10550;
	s12 =	simm.s32 $0x1;
	s13 =	simm.s32 $0x5;
	v4 =	vadd.s32 s21, v4;
	v5 =	vadd.s32 s21, v5;
	v1 =	vor.u32 $0x60, v1  }
0x25: {  	s25 =	simm.s32 $0x7;
	s26 =	simm.s32 $0x106A0;
	[dreg:$0x16] =	wrdreg s16;
	v6 =	vadd.s32 s21, v6;
	v7 =	vadd.s32 s21, v7;
	v8 =	vadd.s32 s21, v1  }
.Ltmp0:
0x26: {  	s0 =	sadd.s32 s1, s0;
	[dreg:$0x1d] =	wrdreg s24;
	v2 =	vand.u32 $0x3FF, v2;
	v1 =	vmov s15;
	v3 =	vand.u32 $0x3FF, v3;
	(pc) =	sbr.rel .LBB2_1-.Ltmp0, $4  }
0x27: {  	s16 =	simm.s32 $0x2;
	s24 =	simm.s32 $0x3;
	[dreg:$0x11] =	wrdreg s0;
	v4 =	vand.u32 $0x3FF, v4;
	v5 =	vand.u32 $0x3FF, v5;
	v6 =	vand.u32 $0x3FF, v6  }
0x28: {  	s0 =	sadd.s32 s1, s5;
	s1 =	simm.s32 $0xC;
	s5 =	simm.s32 $0x0;
	v7 =	vand.u32 $0x3FF, v7;
	v2 =	vor.u32 $0x10000, v2;
	v3 =	vor.u32 $0x10000, v3  }
0x29: {  	[dreg:$0x12] =	wrdreg s0;
	s0 =	sadd.s32 s8, s2;
	s8 =	simm.s32 $0x11580;
	v4 =	vor.u32 $0x10000, v4;
	v5 =	vor.u32 $0x10000, v5;
	v8 =	vand.u32 $0x3FF, v8  }
0x2a: {  	s15 =	simm.s32 $0x105C0;
	[dreg:$0x14] =	wrdreg s0;
	v6 =	vor.u32 $0x10000, v6;
	v7 =	vor.u32 $0x10000, v7;
	s0 =	simm.s32 $0xB;
	v8 =	vor.u32 $0x10000, v8  }
.LBB2_9:
0x2b: {  	_ =	swait.ge [sflag:s31], $0x700  }
0x2c: {  	[sflag:s31] =	ssyncset.done $0x0  }
0x2d: {  	[sflag:s31] =	ssyncadd.s32 $0xFFFFF900  }
0x2e: {  	_ =	swait.ge [sflag:s0], $0x700  }
0x2f: {  	[sflag:s0] =	ssyncset.done $0x0  }
0x30: {  	[sflag:s0] =	ssyncadd.s32 $0xFFFFF900  }
0x31: {  	_ =	swait.ge [sflag:s1], $0x700  }
0x32: {  	[sflag:s1] =	ssyncset.done $0x0  }
0x33: {  	[sflag:s1] =	ssyncadd.s32 $0xFFFFF900  }
0x34: {  	[bflag:$0x0] =	sbarrier.arrive $0xFFFF  }
0x35: {  	s5 =	sld [smem:$0x7FB]  }
0x36: {  	s7 =	sld [smem:$0x7FC];
	_ =	sdelay $0x1  }
0x37: {  	s4 =	rddreg [dreg:$0x12]  }
0x38: {  	[hbm:s4], [sflag:s5] =	dma.local [spmem:s7], $0x2000  }
0x39: {  	_ =	swait.ge [sflag:s19], $0x2000  }
0x3a: {  	s18 =	sld [smem:$0x7FD];
	_ =	sdelay $0x2  }
0x3b: {  	s21 =	rddreg [dreg:$0x15];
	s5 =	sadd.s32 $0x1, s18  }
0x3c: {  	p0 =	sne.s32 s5, s21  }
.Ltmp1:
0x3d: {  	_ = 	snop;
	(pc) =	sbr.rel @!p0 .LBB2_10-.Ltmp1, $3  }
0x3e: {  	[sflag:s19] =	ssyncset.done $0x0  }
0x3f: {  	[sflag:s19] =	ssyncadd.s32 $0xFFFFE000  }
0x40: {  	[bflag:$0x0] =	sbarrier.arrive $0xFFFF;
	_ =	sdelay $0x1  }
.LBB2_1:
0x41: {  	[smem:$0x7FD] =	sst s5;
	s4 =	simm.s32 $0x40;
	s18 =	simm.s32 $0x0  }
.LBB2_2:
0x42: {  	p0 =	sne.s32 s4, $0x40C0;
	[tilespmem:s18+$0x12380] =	vst v9;
	s18 =	smov.u32 s4;
	s4 =	sadd.s32 $0x40, s4  }
.Ltmp2:
0x43: {  	(pc) =	sbr.rel @p0 .LBB2_2-.Ltmp2, $2  }
0x44: {  	_ =	sdelay $0x2  }
0x45: {  	s18 =	sshra.s32 s18, $0x2  }
0x46: {  	[tilespmem:s18+$0x12380] =	vst v9;
	s4 =	rddreg [dreg:$0x4];
	s5 =	simm.s32 $0x12380  }
0x47: {  	[spmem:s4] =	stream.linear.scatter [tilespmem:s5], [sflag:$0xD], $0x1040, $0x38;
	[tilespmem:$0x133C0] =	vst v63  }
0x48: {  	_ =	swait.ge [sflag:s19], $0x1040  }
0x49: {  	[sflag:s19] =	ssyncset.done $0x0  }
0x4a: {  	s21 =	rddreg [dreg:$0x5];
	[sflag:s19] =	ssyncadd.s32 $0xFFFFEFC0  }
0x4b: {  	[spmem:s21] =	stream.linear.scatter [tilespmem:s5], [sflag:$0xD], $0x1040, $0x38;
	[tilespmem:$0x133C0] =	vst v63  }
0x4c: {  	_ =	swait.ge [sflag:s19], $0x1040  }
0x4d: {  	[sflag:s19] =	ssyncset.done $0x0  }
0x4e: {  	s7 =	rddreg [dreg:$0x6];
	[sflag:s19] =	ssyncadd.s32 $0xFFFFEFC0  }
0x4f: {  	[spmem:s7] =	stream.linear.scatter [tilespmem:s5], [sflag:$0xD], $0x1040, $0x38;
	[tilespmem:$0x133C0] =	vst v63  }
0x50: {  	_ =	swait.ge [sflag:s19], $0x1040  }
0x51: {  	[sflag:s19] =	ssyncset.done $0x0  }
0x52: {  	s18 =	rddreg [dreg:$0x7];
	[sflag:s19] =	ssyncadd.s32 $0xFFFFEFC0  }
0x53: {  	[spmem:s18] =	stream.linear.scatter [tilespmem:s5], [sflag:$0xD], $0x1040, $0x38;
	[tilespmem:$0x133C0] =	vst v63  }
0x54: {  	_ =	swait.ge [sflag:s19], $0x1040  }
0x55: {  	[sflag:s19] =	ssyncset.done $0x0  }
0x56: {  	s21 =	rddreg [dreg:$0x8];
	[sflag:s19] =	ssyncadd.s32 $0xFFFFEFC0  }
0x57: {  	[spmem:s21] =	stream.linear.scatter [tilespmem:s5], [sflag:$0xD], $0x1040, $0x38;
	[tilespmem:$0x133C0] =	vst v63  }
0x58: {  	_ =	swait.ge [sflag:s19], $0x1040  }
0x59: {  	[sflag:s19] =	ssyncset.done $0x0  }
0x5a: {  	s7 =	rddreg [dreg:$0x9];
	[sflag:s19] =	ssyncadd.s32 $0xFFFFEFC0  }
0x5b: {  	[spmem:s7] =	stream.linear.scatter [tilespmem:s5], [sflag:$0xD], $0x1040, $0x38;
	[tilespmem:$0x133C0] =	vst v63  }
0x5c: {  	_ =	swait.ge [sflag:s19], $0x1040  }
0x5d: {  	[sflag:s19] =	ssyncset.done $0x0  }
0x5e: {  	s18 =	rddreg [dreg:$0x13];
	[sflag:s19] =	ssyncadd.s32 $0xFFFFEFC0  }
0x5f: {  	[spmem:s18] =	stream.linear.scatter [tilespmem:s5], [sflag:$0xD], $0x1040, $0x38;
	[tilespmem:$0x133C0] =	vst v63  }
0x60: {  	_ =	swait.ge [sflag:s19], $0x1040  }
0x61: {  	[sflag:s19] =	ssyncset.done $0x0  }
0x62: {  	s21 =	rddreg [dreg:$0x17];
	[sflag:s19] =	ssyncadd.s32 $0xFFFFEFC0  }
0x63: {  	[spmem:s21] =	stream.linear.scatter [tilespmem:s5], [sflag:$0xD], $0x1040, $0x38;
	[tilespmem:$0x133C0] =	vst v63  }
0x64: {  	_ =	swait.ge [sflag:s19], $0x1040  }
0x65: {  	[sflag:s19] =	ssyncset.done $0x0  }
0x66: {  	s7 =	rddreg [dreg:$0x18];
	[sflag:s19] =	ssyncadd.s32 $0xFFFFEFC0  }
0x67: {  	[spmem:s7] =	stream.linear.scatter [tilespmem:s5], [sflag:$0xD], $0x1040, $0x38;
	[tilespmem:$0x133C0] =	vst v63  }
0x68: {  	_ =	swait.ge [sflag:s19], $0x1040  }
0x69: {  	[sflag:s19] =	ssyncset.done $0x0  }
0x6a: {  	s18 =	rddreg [dreg:$0x19];
	[sflag:s19] =	ssyncadd.s32 $0xFFFFEFC0  }
0x6b: {  	[spmem:s18] =	stream.linear.scatter [tilespmem:s5], [sflag:$0xD], $0x1040, $0x38;
	[tilespmem:$0x133C0] =	vst v63  }
0x6c: {  	_ =	swait.ge [sflag:s19], $0x1040  }
0x6d: {  	[sflag:s19] =	ssyncset.done $0x0  }
0x6e: {  	s21 =	rddreg [dreg:$0x1a];
	[sflag:s19] =	ssyncadd.s32 $0xFFFFEFC0  }
0x6f: {  	[spmem:s21] =	stream.linear.scatter [tilespmem:s5], [sflag:$0xD], $0x1040, $0x38;
	[tilespmem:$0x133C0] =	vst v63  }
0x70: {  	_ =	swait.ge [sflag:s19], $0x1040  }
0x71: {  	[sflag:s19] =	ssyncset.done $0x0  }
0x72: {  	s7 =	rddreg [dreg:$0x1b];
	[sflag:s19] =	ssyncadd.s32 $0xFFFFEFC0  }
0x73: {  	[spmem:s7] =	stream.linear.scatter [tilespmem:s5], [sflag:$0xD], $0x1040, $0x38;
	[tilespmem:$0x133C0] =	vst v63  }
0x74: {  	_ =	swait.ge [sflag:s19], $0x1040  }
0x75: {  	[sflag:s19] =	ssyncset.done $0x0  }
0x76: {  	s18 =	rddreg [dreg:$0x1c];
	[sflag:s19] =	ssyncadd.s32 $0xFFFFEFC0  }
0x77: {  	[spmem:s18] =	stream.linear.scatter [tilespmem:s5], [sflag:$0xD], $0x1040, $0x38;
	[tilespmem:$0x133C0] =	vst v63  }
0x78: {  	_ =	swait.ge [sflag:s19], $0x1040  }
0x79: {  	[sflag:s19] =	ssyncset.done $0x0  }
0x7a: {  	s21 =	rddreg [dreg:$0x1d];
	[sflag:s19] =	ssyncadd.s32 $0xFFFFEFC0  }
0x7b: {  	[spmem:s21] =	stream.linear.scatter [tilespmem:s5], [sflag:$0xD], $0x1040, $0x38;
	[tilespmem:$0x133C0] =	vst v63  }
0x7c: {  	_ =	swait.ge [sflag:s19], $0x1040  }
0x7d: {  	[sflag:s19] =	ssyncset.done $0x0  }
0x7e: {  	s7 =	rddreg [dreg:$0x1e];
	[sflag:s19] =	ssyncadd.s32 $0xFFFFEFC0  }
0x7f: {  	[spmem:s7] =	stream.linear.scatter [tilespmem:s5], [sflag:$0xD], $0x1040, $0x38;
	[tilespmem:$0x133C0] =	vst v63  }
0x80: {  	_ =	swait.ge [sflag:s19], $0x1040  }
0x81: {  	[sflag:s19] =	ssyncset.done $0x0  }
0x82: {  	s18 =	rddreg [dreg:$0x1f];
	[sflag:s19] =	ssyncadd.s32 $0xFFFFEFC0  }
0x83: {  	[spmem:s18] =	stream.linear.scatter [tilespmem:s5], [sflag:$0xD], $0x1040, $0x38;
	[tilespmem:$0x133C0] =	vst v63  }
0x84: {  	_ =	swait.ge [sflag:s19], $0x1040  }
0x85: {  	[sflag:s19] =	ssyncset.done $0x0  }
0x86: {  	[sflag:s19] =	ssyncadd.s32 $0xFFFFEFC0  }
0x87: {  	[bflag:$0x0] =	sbarrier.arrive $0xFFFF  }
0x88: {  	s4 =	simm.s32 $0x0;
	s7 =	simm.s32 $0x10400;
	s21 =	rddreg [dreg:$0xa]  }
0x89: {  	[tilespmem:s7], [sflag:$0x1] =	stream.linear.gather [hbm4b:s21+s4], $0x70, $0x38;
	[tilespmem:$0x133C0] =	vst v63  }
0x8a: {  	s18 =	rddreg [dreg:$0xd]  }
0x8b: {  	[tilespmem:s22], [sflag:$0x5] =	stream.linear.gather [hbm4b:s11+s4], $0x700, $0x38;
	[tilespmem:$0x133C0] =	vst v63  }
0x8c: {  	s21 =	rddreg [dreg:$0xb];
	s7 =	simm.s32 $0x10470  }
0x8d: {  	[tilespmem:s7], [sflag:$0x2] =	stream.linear.gather [hbm4b:s21+s4], $0x70, $0x38;
	[tilespmem:$0x133C0] =	vst v63  }
0x8e: {  	s7 =	rddreg [dreg:$0xc]  }
0x8f: {  	[tilespmem:s6], [sflag:$0x6] =	stream.linear.gather [hbm4b:s7+s4], $0x700, $0x38;
	[tilespmem:$0x133C0] =	vst v63  }
0x90: {  	s21 =	simm.s32 $0x104E0;
	s7 =	rddreg [dreg:$0xe]  }
0x91: {  	[tilespmem:s21], [sflag:$0x3] =	stream.linear.gather [hbm4b:s18+s4], $0x70, $0x38;
	[tilespmem:$0x133C0] =	vst v63  }
0x92: {  	s18 =	rddreg [dreg:$0x10]  }
0x93: {  	[tilespmem:s8], [sflag:$0x7] =	stream.linear.gather [hbm4b:s7+s4], $0x700, $0x38;
	[tilespmem:$0x133C0] =	vst v63  }
0x94: {  	s21 =	rddreg [dreg:$0xf]  }
0x95: {  	[tilespmem:s9], [sflag:$0x4] =	stream.linear.gather [hbm4b:s18+s4], $0x70, $0x38;
	[tilespmem:$0x133C0] =	vst v63  }
0x96: {  	s18 =	rddreg [dreg:$0x16]  }
0x97: {  	[tilespmem:s10], [sflag:$0x8] =	stream.linear.gather [hbm4b:s21+s4], $0x700, $0x38;
	[tilespmem:$0x133C0] =	vst v63  }
.LBB2_4:
0x98: {  	_ =	swait.ge [sflag:s12], $0x70  }
0x99: {  	[sflag:s12] =	ssyncset.done $0x0  }
0x9a: {  	[sflag:s12] =	ssyncadd.s32 $0xFFFFFF90  }
0x9b: {  	_ =	swait.ge [sflag:s13], $0x700  }
0x9c: {  	[sflag:s13] =	ssyncset.done $0x0  }
0x9d: {  	[sflag:s13] =	ssyncadd.s32 $0xFFFFF900  }
0x9e: {  	v10 =	vld [tilespmem:$0x10400]  }
0x9f: {  	v11 =	vld [tilespmem:$0x10410]  }
0xa0: {  	v12 =	vld [tilespmem:$0x10420]  }
0xa1: {  	v13 =	vld [tilespmem:$0x10430]  }
0xa2: {  	v14 =	vld [tilespmem:$0x10440]  }
0xa3: {  	v15 =	vld [tilespmem:$0x10450];
	v10 =	vsub.s32 v10, v0  }
0xa4: {  	v16 =	vld [tilespmem:$0x10460];
	v11 =	vsub.s32 v11, v0;
	vm0 =	vgt.u32 v10, $0xFFFF  }
0xa5: {  	v12 =	vsub.s32 v12, v0;
	vm13 =	vgt.u32 v11, $0xFFFF;
	v10 =	vsel vm0, v2, v10  }
0xa6: {  	vm14 =	vgt.u32 v12, $0xFFFF;
	[tilespmem:$0x105C0] =	vst v10;
	v10 =	vsel vm13, v3, v11;
	v11 =	vsub.s32 v13, v0  }
0xa7: {  	v41 =	vsub.s32 v14, v0;
	[tilespmem:$0x105D0] =	vst v10;
	v10 =	vsel vm14, v4, v12;
	vm15 =	vgt.u32 v11, $0xFFFF  }
0xa8: {  	vm4 =	vgt.u32 v41, $0xFFFF;
	[tilespmem:$0x105E0] =	vst v10;
	v10 =	vsel vm15, v5, v11;
	v11 =	vsub.s32 v15, v0  }
0xa9: {  	v42 =	vsub.s32 v16, v0;
	[tilespmem:$0x105F0] =	vst v10;
	v10 =	vsel vm4, v6, v41;
	vm5 =	vgt.u32 v11, $0xFFFF  }
0xaa: {  	vm6 =	vgt.u32 v42, $0xFFFF;
	[tilespmem:$0x10600] =	vst v10;
	v10 =	vsel vm5, v7, v11  }
0xab: {  	[tilespmem:$0x10610] =	vst v10;
	v10 =	vsel vm6, v8, v42  }
0xac: {  	[tilespmem:$0x10620] =	vst v10  }
0xad: {  	[spmem:s2] =	stream.indirect.scatter.add.bf16 [tilespmem:s22], [sflag:$0x9], $0x10, s15, s14, $0xb8;
	[tilespmem:$0x133C0] =	vst v63  }
0xae: {  	_ =	swait.ge [sflag:s16], $0x70  }
0xaf: {  	[sflag:s16] =	ssyncset.done $0x0  }
0xb0: {  	[sflag:s16] =	ssyncadd.s32 $0xFFFFFF90  }
0xb1: {  	_ =	swait.ge [sflag:s17], $0x700  }
0xb2: {  	[sflag:s17] =	ssyncset.done $0x0  }
0xb3: {  	[sflag:s17] =	ssyncadd.s32 $0xFFFFF900  }
0xb4: {  	v10 =	vld [tilespmem:$0x10470]  }
0xb5: {  	v11 =	vld [tilespmem:$0x10480]  }
0xb6: {  	v43 =	vld [tilespmem:$0x10490]  }
0xb7: {  	v44 =	vld [tilespmem:$0x104A0]  }
0xb8: {  	v45 =	vld [tilespmem:$0x104B0]  }
0xb9: {  	v46 =	vld [tilespmem:$0x104C0];
	v10 =	vsub.s32 v10, v0  }
0xba: {  	v47 =	vld [tilespmem:$0x104D0];
	v11 =	vsub.s32 v11, v0;
	vm7 =	vgt.u32 v10, $0xFFFF  }
0xbb: {  	v12 =	vsub.s32 v43, v0;
	vm8 =	vgt.u32 v11, $0xFFFF;
	v10 =	vsel vm7, v2, v10  }
0xbc: {  	vm9 =	vgt.u32 v12, $0xFFFF;
	[tilespmem:$0x10630] =	vst v10;
	v10 =	vsel vm8, v3, v11;
	v11 =	vsub.s32 v44, v0  }
0xbd: {  	v48 =	vsub.s32 v45, v0;
	[tilespmem:$0x10640] =	vst v10;
	v10 =	vsel vm9, v4, v12;
	vm10 =	vgt.u32 v11, $0xFFFF  }
0xbe: {  	vm11 =	vgt.u32 v48, $0xFFFF;
	[tilespmem:$0x10650] =	vst v10;
	v10 =	vsel vm10, v5, v11;
	v11 =	vsub.s32 v46, v0  }
0xbf: {  	v49 =	vsub.s32 v47, v0;
	[tilespmem:$0x10660] =	vst v10;
	v10 =	vsel vm11, v6, v48;
	vm12 =	vgt.u32 v11, $0xFFFF  }
0xc0: {  	vm13 =	vgt.u32 v49, $0xFFFF;
	[tilespmem:$0x10670] =	vst v10;
	v10 =	vsel vm12, v7, v11  }
0xc1: {  	[tilespmem:$0x10680] =	vst v10;
	v10 =	vsel vm13, v8, v49  }
0xc2: {  	[tilespmem:$0x10690] =	vst v10  }
0xc3: {  	[spmem:s2] =	stream.indirect.scatter.add.bf16 [tilespmem:s6], [sflag:$0xA], $0x10, s20, s14, $0xb8;
	[tilespmem:$0x133C0] =	vst v63  }
0xc4: {  	_ =	swait.ge [sflag:s24], $0x70  }
0xc5: {  	[sflag:s24] =	ssyncset.done $0x0  }
0xc6: {  	[sflag:s24] =	ssyncadd.s32 $0xFFFFFF90  }
0xc7: {  	_ =	swait.ge [sflag:s25], $0x700  }
0xc8: {  	[sflag:s25] =	ssyncset.done $0x0  }
0xc9: {  	[sflag:s25] =	ssyncadd.s32 $0xFFFFF900  }
0xca: {  	v10 =	vld [tilespmem:$0x104E0]  }
0xcb: {  	v11 =	vld [tilespmem:$0x104F0]  }
0xcc: {  	v50 =	vld [tilespmem:$0x10500]  }
0xcd: {  	v51 =	vld [tilespmem:$0x10510]  }
0xce: {  	v52 =	vld [tilespmem:$0x10520]  }
0xcf: {  	v53 =	vld [tilespmem:$0x10530];
	v10 =	vsub.s32 v10, v0  }
0xd0: {  	v54 =	vld [tilespmem:$0x10540];
	v11 =	vsub.s32 v11, v0;
	vm14 =	vgt.u32 v10, $0xFFFF  }
0xd1: {  	v12 =	vsub.s32 v50, v0;
	vm15 =	vgt.u32 v11, $0xFFFF;
	v10 =	vsel vm14, v2, v10  }
0xd2: {  	vm4 =	vgt.u32 v12, $0xFFFF;
	[tilespmem:$0x106A0] =	vst v10;
	v10 =	vsel vm15, v3, v11;
	v11 =	vsub.s32 v51, v0  }
0xd3: {  	v55 =	vsub.s32 v52, v0;
	[tilespmem:$0x106B0] =	vst v10;
	v10 =	vsel vm4, v4, v12;
	vm5 =	vgt.u32 v11, $0xFFFF  }
0xd4: {  	vm6 =	vgt.u32 v55, $0xFFFF;
	[tilespmem:$0x106C0] =	vst v10;
	v10 =	vsel vm5, v5, v11;
	v11 =	vsub.s32 v53, v0  }
0xd5: {  	v56 =	vsub.s32 v54, v0;
	[tilespmem:$0x106D0] =	vst v10;
	v10 =	vsel vm6, v6, v55;
	vm7 =	vgt.u32 v11, $0xFFFF  }
0xd6: {  	vm8 =	vgt.u32 v56, $0xFFFF;
	[tilespmem:$0x106E0] =	vst v10;
	v10 =	vsel vm7, v7, v11  }
0xd7: {  	[tilespmem:$0x106F0] =	vst v10;
	v10 =	vsel vm8, v8, v56  }
0xd8: {  	[tilespmem:$0x10700] =	vst v10  }
0xd9: {  	[spmem:s2] =	stream.indirect.scatter.add.bf16 [tilespmem:s8], [sflag:$0xB], $0x10, s26, s14, $0xb8;
	[tilespmem:$0x133C0] =	vst v63  }
0xda: {  	_ =	swait.ge [sflag:s28], $0x70  }
0xdb: {  	[sflag:s28] =	ssyncset.done $0x0  }
0xdc: {  	[sflag:s28] =	ssyncadd.s32 $0xFFFFFF90  }
0xdd: {  	_ =	swait.ge [sflag:s29], $0x700  }
0xde: {  	[sflag:s29] =	ssyncset.done $0x0  }
0xdf: {  	[sflag:s29] =	ssyncadd.s32 $0xFFFFF900  }
0xe0: {  	v10 =	vld [tilespmem:$0x10550]  }
0xe1: {  	v11 =	vld [tilespmem:$0x10560]  }
0xe2: {  	v57 =	vld [tilespmem:$0x10570]  }
0xe3: {  	v58 =	vld [tilespmem:$0x10580]  }
0xe4: {  	v59 =	vld [tilespmem:$0x10590]  }
0xe5: {  	v60 =	vld [tilespmem:$0x105A0];
	v10 =	vsub.s32 v10, v0  }
0xe6: {  	v61 =	vld [tilespmem:$0x105B0];
	v11 =	vsub.s32 v11, v0;
	vm9 =	vgt.u32 v10, $0xFFFF  }
0xe7: {  	v12 =	vsub.s32 v57, v0;
	vm10 =	vgt.u32 v11, $0xFFFF;
	v10 =	vsel vm9, v2, v10  }
0xe8: {  	vm11 =	vgt.u32 v12, $0xFFFF;
	[tilespmem:$0x10710] =	vst v10;
	v10 =	vsel vm10, v3, v11;
	v11 =	vsub.s32 v58, v0  }
0xe9: {  	v62 =	vsub.s32 v59, v0;
	[tilespmem:$0x10720] =	vst v10;
	v10 =	vsel vm11, v4, v12;
	vm12 =	vgt.u32 v11, $0xFFFF  }
0xea: {  	vm13 =	vgt.u32 v62, $0xFFFF;
	[tilespmem:$0x10730] =	vst v10;
	v10 =	vsel vm12, v5, v11;
	v11 =	vsub.s32 v60, v0  }
0xeb: {  	v63 =	vsub.s32 v61, v0;
	[tilespmem:$0x10740] =	vst v10;
	v10 =	vsel vm13, v6, v62;
	vm14 =	vgt.u32 v11, $0xFFFF  }
0xec: {  	vm15 =	vgt.u32 v63, $0xFFFF;
	[tilespmem:$0x10750] =	vst v10;
	v10 =	vsel vm14, v7, v11  }
0xed: {  	p0 =	seq.s32 s4, $0x2D80;
	[tilespmem:$0x10760] =	vst v10;
	v10 =	vsel vm15, v8, v63  }
.Ltmp3:
0xee: {  	[tilespmem:$0x10770] =	vst v10;
	(pc) =	sbr.rel @p0 .LBB2_6-.Ltmp3, $4  }
0xef: {  	[spmem:s2] =	stream.indirect.scatter.add.bf16 [tilespmem:s10], [sflag:$0xC], $0x10, s23, s14, $0xb8;
	[tilespmem:$0x133C0] =	vst v63  }
0xf0: {  	_ =	swait.ge [sflag:s30], $0x700  }
0xf1: {  	[sflag:s30] =	ssyncset.done $0x0  }
0xf2: {  	[sflag:s30] =	ssyncadd.s32 $0xFFFFF900  }
0xf3: {  	s5 =	simm.s32 $0x10400;
	s21 =	sadd.s32 s4, s11  }
0xf4: {  	[tilespmem:s5], [sflag:$0x1] =	stream.linear.gather [hbm4b:s18+s3], $0x70, $0x38;
	[tilespmem:$0x133C0] =	vst v63  }
0xf5: {  	s7 =	sadd.s32 $0x380, s21  }
0xf6: {  	[tilespmem:s22], [sflag:$0x5] =	stream.linear.gather [hbm4b:s7+s3], $0x700, $0x38;
	[tilespmem:$0x133C0] =	vst v63  }
0xf7: {  	_ =	swait.ge [sflag:s31], $0x700  }
0xf8: {  	[sflag:s31] =	ssyncset.done $0x0  }
0xf9: {  	s5 =	sadd.s32 $0xE, s18;
	s7 =	simm.s32 $0x10470;
	[sflag:s31] =	ssyncadd.s32 $0xFFFFF900  }
0xfa: {  	[tilespmem:s7], [sflag:$0x2] =	stream.linear.gather [hbm4b:s5+s3], $0x70, $0x38;
	[tilespmem:$0x133C0] =	vst v63  }
0xfb: {  	s7 =	sadd.s32 $0x460, s21  }
0xfc: {  	[tilespmem:s6], [sflag:$0x6] =	stream.linear.gather [hbm4b:s7+s3], $0x700, $0x38;
	[tilespmem:$0x133C0] =	vst v63  }
0xfd: {  	_ =	swait.ge [sflag:s0], $0x700  }
0xfe: {  	[sflag:s0] =	ssyncset.done $0x0  }
0xff: {  	s5 =	sadd.s32 $0x1C, s18;
	s7 =	simm.s32 $0x104E0;
	[sflag:s0] =	ssyncadd.s32 $0xFFFFF900  }
0x100: {  	[tilespmem:s7], [sflag:$0x3] =	stream.linear.gather [hbm4b:s5+s3], $0x70, $0x38;
	[tilespmem:$0x133C0] =	vst v63  }
0x101: {  	s7 =	sadd.s32 $0x540, s21  }
0x102: {  	[tilespmem:s8], [sflag:$0x7] =	stream.linear.gather [hbm4b:s7+s3], $0x700, $0x38;
	[tilespmem:$0x133C0] =	vst v63  }
0x103: {  	_ =	swait.ge [sflag:s1], $0x700  }
.Ltmp4:
0x104: {  	[sflag:s1] =	ssyncset.done $0x0;
	(pc) =	sbr.rel .LBB2_4-.Ltmp4, $4  }
0x105: {  	s7 =	sadd.s32 $0x2A, s18;
	[sflag:s1] =	ssyncadd.s32 $0xFFFFF900  }
0x106: {  	[tilespmem:s9], [sflag:$0x4] =	stream.linear.gather [hbm4b:s7+s3], $0x70, $0x38;
	[tilespmem:$0x133C0] =	vst v63  }
0x107: {  	s4 =	sadd.s32 $0x380, s4;
	s21 =	sadd.s32 $0x620, s21;
	s18 =	sadd.s32 $0x38, s18  }
0x108: {  	[tilespmem:s10], [sflag:$0x8] =	stream.linear.gather [hbm4b:s21+s3], $0x700, $0x38;
	[tilespmem:$0x133C0] =	vst v63  }
.LBB2_6:
0x109: {  	_ =	swait.ge [sflag:s31], $0x700  }
0x10a: {  	[sflag:s31] =	ssyncset.done $0x0  }
0x10b: {  	[sflag:s31] =	ssyncadd.s32 $0xFFFFF900  }
0x10c: {  	_ =	swait.ge [sflag:s0], $0x700  }
0x10d: {  	[sflag:s0] =	ssyncset.done $0x0  }
0x10e: {  	[sflag:s0] =	ssyncadd.s32 $0xFFFFF900  }
0x10f: {  	_ =	swait.ge [sflag:s1], $0x700  }
0x110: {  	[sflag:s1] =	ssyncset.done $0x0  }
0x111: {  	[sflag:s1] =	ssyncadd.s32 $0xFFFFF900  }
0x112: {  	s4 =	stileid.u32;
	[bflag:$0x0] =	sbarrier.arrive $0xFFFF  }
0x113: {  	s4 =	sshll.u32 s4, $0x6;
	s7 =	rddreg [dreg:$0x14]  }
0x114: {  	s5 =	sor.u32 $0x1C0D, s4;
	s18 =	rddreg [dreg:$0x11]  }
0x115: {  	[smem:$0x7FB] =	sst s5;
	s7 =	sshrl.u32 s7, $0x3  }
0x116: {  	[smem:$0x7FC] =	sst s7  }
0x117: {  	[hbm:s18], [sflag:s5] =	dma.local [spmem:s7], $0x2000  }
0x118: {  	_ =	swait.ge [sflag:s19], $0x2000  }
0x119: {  	[sflag:s19] =	ssyncset.done $0x0  }
0x11a: {  	[sflag:s19] =	ssyncadd.s32 $0xFFFFE000  }
0x11b: {  	[bflag:$0x0] =	sbarrier.arrive $0xFFFF  }
0x11c: {  	s5 =	simm.s32 $0x12380;
	s21 =	rddreg [dreg:$0x4]  }
0x11d: {  	[spmem:s21] =	stream.linear.scatter [tilespmem:s5], [sflag:$0xD], $0x1040, $0x38;
	[tilespmem:$0x133C0] =	vst v63  }
0x11e: {  	_ =	swait.ge [sflag:s19], $0x1040  }
0x11f: {  	[sflag:s19] =	ssyncset.done $0x0  }
0x120: {  	s7 =	rddreg [dreg:$0x5];
	[sflag:s19] =	ssyncadd.s32 $0xFFFFEFC0  }
0x121: {  	[spmem:s7] =	stream.linear.scatter [tilespmem:s5], [sflag:$0xD], $0x1040, $0x38;
	[tilespmem:$0x133C0] =	vst v63  }
0x122: {  	_ =	swait.ge [sflag:s19], $0x1040  }
0x123: {  	[sflag:s19] =	ssyncset.done $0x0  }
0x124: {  	s18 =	rddreg [dreg:$0x6];
	[sflag:s19] =	ssyncadd.s32 $0xFFFFEFC0  }
0x125: {  	[spmem:s18] =	stream.linear.scatter [tilespmem:s5], [sflag:$0xD], $0x1040, $0x38;
	[tilespmem:$0x133C0] =	vst v63  }
0x126: {  	_ =	swait.ge [sflag:s19], $0x1040  }
0x127: {  	[sflag:s19] =	ssyncset.done $0x0  }
0x128: {  	s21 =	rddreg [dreg:$0x7];
	[sflag:s19] =	ssyncadd.s32 $0xFFFFEFC0  }
0x129: {  	[spmem:s21] =	stream.linear.scatter [tilespmem:s5], [sflag:$0xD], $0x1040, $0x38;
	[tilespmem:$0x133C0] =	vst v63  }
0x12a: {  	_ =	swait.ge [sflag:s19], $0x1040  }
0x12b: {  	[sflag:s19] =	ssyncset.done $0x0  }
0x12c: {  	s7 =	rddreg [dreg:$0x8];
	[sflag:s19] =	ssyncadd.s32 $0xFFFFEFC0  }
0x12d: {  	[spmem:s7] =	stream.linear.scatter [tilespmem:s5], [sflag:$0xD], $0x1040, $0x38;
	[tilespmem:$0x133C0] =	vst v63  }
0x12e: {  	_ =	swait.ge [sflag:s19], $0x1040  }
0x12f: {  	[sflag:s19] =	ssyncset.done $0x0  }
0x130: {  	s18 =	rddreg [dreg:$0x9];
	[sflag:s19] =	ssyncadd.s32 $0xFFFFEFC0  }
0x131: {  	[spmem:s18] =	stream.linear.scatter [tilespmem:s5], [sflag:$0xD], $0x1040, $0x38;
	[tilespmem:$0x133C0] =	vst v63  }
0x132: {  	_ =	swait.ge [sflag:s19], $0x1040  }
0x133: {  	[sflag:s19] =	ssyncset.done $0x0  }
0x134: {  	s21 =	rddreg [dreg:$0x13];
	[sflag:s19] =	ssyncadd.s32 $0xFFFFEFC0  }
0x135: {  	[spmem:s21] =	stream.linear.scatter [tilespmem:s5], [sflag:$0xD], $0x1040, $0x38;
	[tilespmem:$0x133C0] =	vst v63  }
0x136: {  	_ =	swait.ge [sflag:s19], $0x1040  }
0x137: {  	[sflag:s19] =	ssyncset.done $0x0  }
0x138: {  	s7 =	rddreg [dreg:$0x17];
	[sflag:s19] =	ssyncadd.s32 $0xFFFFEFC0  }
0x139: {  	[spmem:s7] =	stream.linear.scatter [tilespmem:s5], [sflag:$0xD], $0x1040, $0x38;
	[tilespmem:$0x133C0] =	vst v63  }
0x13a: {  	_ =	swait.ge [sflag:s19], $0x1040  }
0x13b: {  	[sflag:s19] =	ssyncset.done $0x0  }
0x13c: {  	s18 =	rddreg [dreg:$0x18];
	[sflag:s19] =	ssyncadd.s32 $0xFFFFEFC0  }
0x13d: {  	[spmem:s18] =	stream.linear.scatter [tilespmem:s5], [sflag:$0xD], $0x1040, $0x38;
	[tilespmem:$0x133C0] =	vst v63  }
0x13e: {  	_ =	swait.ge [sflag:s19], $0x1040  }
0x13f: {  	[sflag:s19] =	ssyncset.done $0x0  }
0x140: {  	s21 =	rddreg [dreg:$0x19];
	[sflag:s19] =	ssyncadd.s32 $0xFFFFEFC0  }
0x141: {  	[spmem:s21] =	stream.linear.scatter [tilespmem:s5], [sflag:$0xD], $0x1040, $0x38;
	[tilespmem:$0x133C0] =	vst v63  }
0x142: {  	_ =	swait.ge [sflag:s19], $0x1040  }
0x143: {  	[sflag:s19] =	ssyncset.done $0x0  }
0x144: {  	s7 =	rddreg [dreg:$0x1a];
	[sflag:s19] =	ssyncadd.s32 $0xFFFFEFC0  }
0x145: {  	[spmem:s7] =	stream.linear.scatter [tilespmem:s5], [sflag:$0xD], $0x1040, $0x38;
	[tilespmem:$0x133C0] =	vst v63  }
0x146: {  	_ =	swait.ge [sflag:s19], $0x1040  }
0x147: {  	[sflag:s19] =	ssyncset.done $0x0  }
0x148: {  	s18 =	rddreg [dreg:$0x1b];
	[sflag:s19] =	ssyncadd.s32 $0xFFFFEFC0  }
0x149: {  	[spmem:s18] =	stream.linear.scatter [tilespmem:s5], [sflag:$0xD], $0x1040, $0x38;
	[tilespmem:$0x133C0] =	vst v63  }
0x14a: {  	_ =	swait.ge [sflag:s19], $0x1040  }
0x14b: {  	[sflag:s19] =	ssyncset.done $0x0  }
0x14c: {  	s21 =	rddreg [dreg:$0x1c];
	[sflag:s19] =	ssyncadd.s32 $0xFFFFEFC0  }
0x14d: {  	[spmem:s21] =	stream.linear.scatter [tilespmem:s5], [sflag:$0xD], $0x1040, $0x38;
	[tilespmem:$0x133C0] =	vst v63  }
0x14e: {  	_ =	swait.ge [sflag:s19], $0x1040  }
0x14f: {  	[sflag:s19] =	ssyncset.done $0x0  }
0x150: {  	s7 =	rddreg [dreg:$0x1d];
	[sflag:s19] =	ssyncadd.s32 $0xFFFFEFC0  }
0x151: {  	[spmem:s7] =	stream.linear.scatter [tilespmem:s5], [sflag:$0xD], $0x1040, $0x38;
	[tilespmem:$0x133C0] =	vst v63  }
0x152: {  	_ =	swait.ge [sflag:s19], $0x1040  }
0x153: {  	[sflag:s19] =	ssyncset.done $0x0  }
0x154: {  	s18 =	rddreg [dreg:$0x1e];
	[sflag:s19] =	ssyncadd.s32 $0xFFFFEFC0  }
0x155: {  	[spmem:s18] =	stream.linear.scatter [tilespmem:s5], [sflag:$0xD], $0x1040, $0x38;
	[tilespmem:$0x133C0] =	vst v63  }
0x156: {  	_ =	swait.ge [sflag:s19], $0x1040  }
0x157: {  	[sflag:s19] =	ssyncset.done $0x0  }
0x158: {  	s21 =	rddreg [dreg:$0x1f];
	[sflag:s19] =	ssyncadd.s32 $0xFFFFEFC0  }
0x159: {  	[spmem:s21] =	stream.linear.scatter [tilespmem:s5], [sflag:$0xD], $0x1040, $0x38;
	[tilespmem:$0x133C0] =	vst v63  }
0x15a: {  	_ =	swait.ge [sflag:s19], $0x1040  }
0x15b: {  	[sflag:s19] =	ssyncset.done $0x0  }
0x15c: {  	[sflag:s19] =	ssyncadd.s32 $0xFFFFEFC0  }
0x15d: {  	[bflag:$0x0] =	sbarrier.arrive $0xFFFF  }
0x15e: {  	s4 =	simm.s32 $0x0;
	s18 =	simm.s32 $0x10400;
	s7 =	rddreg [dreg:$0xa]  }
0x15f: {  	[tilespmem:s18], [sflag:$0x1] =	stream.linear.gather [hbm4b:s7+s4], $0x70, $0x38;
	[tilespmem:$0x133C0] =	vst v63  }
0x160: {  	s18 =	rddreg [dreg:$0xb]  }
0x161: {  	[tilespmem:s22], [sflag:$0x5] =	stream.linear.gather [hbm4b:s11+s4], $0x700, $0x38;
	[tilespmem:$0x133C0] =	vst v63  }
0x162: {  	s21 =	simm.s32 $0x10470;
	s7 =	rddreg [dreg:$0xc]  }
0x163: {  	[tilespmem:s21], [sflag:$0x2] =	stream.linear.gather [hbm4b:s18+s4], $0x70, $0x38;
	[tilespmem:$0x133C0] =	vst v63  }
0x164: {  	s18 =	rddreg [dreg:$0xd]  }
0x165: {  	[tilespmem:s6], [sflag:$0x6] =	stream.linear.gather [hbm4b:s7+s4], $0x700, $0x38;
	[tilespmem:$0x133C0] =	vst v63  }
0x166: {  	s21 =	simm.s32 $0x104E0;
	s7 =	rddreg [dreg:$0xe]  }
0x167: {  	[tilespmem:s21], [sflag:$0x3] =	stream.linear.gather [hbm4b:s18+s4], $0x70, $0x38;
	[tilespmem:$0x133C0] =	vst v63  }
0x168: {  	s18 =	rddreg [dreg:$0x10]  }
0x169: {  	[tilespmem:s8], [sflag:$0x7] =	stream.linear.gather [hbm4b:s7+s4], $0x700, $0x38;
	[tilespmem:$0x133C0] =	vst v63  }
0x16a: {  	s21 =	rddreg [dreg:$0xf]  }
0x16b: {  	[tilespmem:s9], [sflag:$0x4] =	stream.linear.gather [hbm4b:s18+s4], $0x70, $0x38;
	[tilespmem:$0x133C0] =	vst v63  }
0x16c: {  	s18 =	rddreg [dreg:$0x16]  }
0x16d: {  	[tilespmem:s10], [sflag:$0x8] =	stream.linear.gather [hbm4b:s21+s4], $0x700, $0x38;
	[tilespmem:$0x133C0] =	vst v63  }
.LBB2_7:
0x16e: {  	_ =	swait.ge [sflag:s12], $0x70  }
0x16f: {  	[sflag:s12] =	ssyncset.done $0x0  }
0x170: {  	[sflag:s12] =	ssyncadd.s32 $0xFFFFFF90  }
0x171: {  	_ =	swait.ge [sflag:s13], $0x700  }
0x172: {  	[sflag:s13] =	ssyncset.done $0x0  }
0x173: {  	[sflag:s13] =	ssyncadd.s32 $0xFFFFF900  }
0x174: {  	v10 =	vld [tilespmem:$0x10400]  }
0x175: {  	v11 =	vld [tilespmem:$0x10410]  }
0x176: {  	v12 =	vld [tilespmem:$0x10420]  }
0x177: {  	v13 =	vld [tilespmem:$0x10430]  }
0x178: {  	v14 =	vld [tilespmem:$0x10440]  }
0x179: {  	v15 =	vld [tilespmem:$0x10450];
	v10 =	vsub.s32 v10, v1  }
0x17a: {  	v16 =	vld [tilespmem:$0x10460];
	v11 =	vsub.s32 v11, v1;
	vm0 =	vgt.u32 v10, $0xFFFF  }
0x17b: {  	v12 =	vsub.s32 v12, v1;
	vm13 =	vgt.u32 v11, $0xFFFF;
	v10 =	vsel vm0, v2, v10  }
0x17c: {  	vm14 =	vgt.u32 v12, $0xFFFF;
	[tilespmem:$0x105C0] =	vst v10;
	v10 =	vsel vm13, v3, v11;
	v11 =	vsub.s32 v13, v1  }
0x17d: {  	v41 =	vsub.s32 v14, v1;
	[tilespmem:$0x105D0] =	vst v10;
	v10 =	vsel vm14, v4, v12;
	vm15 =	vgt.u32 v11, $0xFFFF  }
0x17e: {  	vm4 =	vgt.u32 v41, $0xFFFF;
	[tilespmem:$0x105E0] =	vst v10;
	v10 =	vsel vm15, v5, v11;
	v11 =	vsub.s32 v15, v1  }
0x17f: {  	v42 =	vsub.s32 v16, v1;
	[tilespmem:$0x105F0] =	vst v10;
	v10 =	vsel vm4, v6, v41;
	vm5 =	vgt.u32 v11, $0xFFFF  }
0x180: {  	vm6 =	vgt.u32 v42, $0xFFFF;
	[tilespmem:$0x10600] =	vst v10;
	v10 =	vsel vm5, v7, v11  }
0x181: {  	[tilespmem:$0x10610] =	vst v10;
	v10 =	vsel vm6, v8, v42  }
0x182: {  	[tilespmem:$0x10620] =	vst v10  }
0x183: {  	[spmem:s2] =	stream.indirect.scatter.add.bf16 [tilespmem:s22], [sflag:$0x9], $0x10, s15, s14, $0xb8;
	[tilespmem:$0x133C0] =	vst v63  }
0x184: {  	_ =	swait.ge [sflag:s16], $0x70  }
0x185: {  	[sflag:s16] =	ssyncset.done $0x0  }
0x186: {  	[sflag:s16] =	ssyncadd.s32 $0xFFFFFF90  }
0x187: {  	_ =	swait.ge [sflag:s17], $0x700  }
0x188: {  	[sflag:s17] =	ssyncset.done $0x0  }
0x189: {  	[sflag:s17] =	ssyncadd.s32 $0xFFFFF900  }
0x18a: {  	v10 =	vld [tilespmem:$0x10470]  }
0x18b: {  	v11 =	vld [tilespmem:$0x10480]  }
0x18c: {  	v43 =	vld [tilespmem:$0x10490]  }
0x18d: {  	v44 =	vld [tilespmem:$0x104A0]  }
0x18e: {  	v45 =	vld [tilespmem:$0x104B0]  }
0x18f: {  	v46 =	vld [tilespmem:$0x104C0];
	v10 =	vsub.s32 v10, v1  }
0x190: {  	v47 =	vld [tilespmem:$0x104D0];
	v11 =	vsub.s32 v11, v1;
	vm7 =	vgt.u32 v10, $0xFFFF  }
0x191: {  	v12 =	vsub.s32 v43, v1;
	vm8 =	vgt.u32 v11, $0xFFFF;
	v10 =	vsel vm7, v2, v10  }
0x192: {  	vm9 =	vgt.u32 v12, $0xFFFF;
	[tilespmem:$0x10630] =	vst v10;
	v10 =	vsel vm8, v3, v11;
	v11 =	vsub.s32 v44, v1  }
0x193: {  	v48 =	vsub.s32 v45, v1;
	[tilespmem:$0x10640] =	vst v10;
	v10 =	vsel vm9, v4, v12;
	vm10 =	vgt.u32 v11, $0xFFFF  }
0x194: {  	vm11 =	vgt.u32 v48, $0xFFFF;
	[tilespmem:$0x10650] =	vst v10;
	v10 =	vsel vm10, v5, v11;
	v11 =	vsub.s32 v46, v1  }
0x195: {  	v49 =	vsub.s32 v47, v1;
	[tilespmem:$0x10660] =	vst v10;
	v10 =	vsel vm11, v6, v48;
	vm12 =	vgt.u32 v11, $0xFFFF  }
0x196: {  	vm13 =	vgt.u32 v49, $0xFFFF;
	[tilespmem:$0x10670] =	vst v10;
	v10 =	vsel vm12, v7, v11  }
0x197: {  	[tilespmem:$0x10680] =	vst v10;
	v10 =	vsel vm13, v8, v49  }
0x198: {  	[tilespmem:$0x10690] =	vst v10  }
0x199: {  	[spmem:s2] =	stream.indirect.scatter.add.bf16 [tilespmem:s6], [sflag:$0xA], $0x10, s20, s14, $0xb8;
	[tilespmem:$0x133C0] =	vst v63  }
0x19a: {  	_ =	swait.ge [sflag:s24], $0x70  }
0x19b: {  	[sflag:s24] =	ssyncset.done $0x0  }
0x19c: {  	[sflag:s24] =	ssyncadd.s32 $0xFFFFFF90  }
0x19d: {  	_ =	swait.ge [sflag:s25], $0x700  }
0x19e: {  	[sflag:s25] =	ssyncset.done $0x0  }
0x19f: {  	[sflag:s25] =	ssyncadd.s32 $0xFFFFF900  }
0x1a0: {  	v10 =	vld [tilespmem:$0x104E0]  }
0x1a1: {  	v11 =	vld [tilespmem:$0x104F0]  }
0x1a2: {  	v50 =	vld [tilespmem:$0x10500]  }
0x1a3: {  	v51 =	vld [tilespmem:$0x10510]  }
0x1a4: {  	v52 =	vld [tilespmem:$0x10520]  }
0x1a5: {  	v53 =	vld [tilespmem:$0x10530];
	v10 =	vsub.s32 v10, v1  }
0x1a6: {  	v54 =	vld [tilespmem:$0x10540];
	v11 =	vsub.s32 v11, v1;
	vm14 =	vgt.u32 v10, $0xFFFF  }
0x1a7: {  	v12 =	vsub.s32 v50, v1;
	vm15 =	vgt.u32 v11, $0xFFFF;
	v10 =	vsel vm14, v2, v10  }
0x1a8: {  	vm4 =	vgt.u32 v12, $0xFFFF;
	[tilespmem:$0x106A0] =	vst v10;
	v10 =	vsel vm15, v3, v11;
	v11 =	vsub.s32 v51, v1  }
0x1a9: {  	v55 =	vsub.s32 v52, v1;
	[tilespmem:$0x106B0] =	vst v10;
	v10 =	vsel vm4, v4, v12;
	vm5 =	vgt.u32 v11, $0xFFFF  }
0x1aa: {  	vm6 =	vgt.u32 v55, $0xFFFF;
	[tilespmem:$0x106C0] =	vst v10;
	v10 =	vsel vm5, v5, v11;
	v11 =	vsub.s32 v53, v1  }
0x1ab: {  	v56 =	vsub.s32 v54, v1;
	[tilespmem:$0x106D0] =	vst v10;
	v10 =	vsel vm6, v6, v55;
	vm7 =	vgt.u32 v11, $0xFFFF  }
0x1ac: {  	vm8 =	vgt.u32 v56, $0xFFFF;
	[tilespmem:$0x106E0] =	vst v10;
	v10 =	vsel vm7, v7, v11  }
0x1ad: {  	[tilespmem:$0x106F0] =	vst v10;
	v10 =	vsel vm8, v8, v56  }
0x1ae: {  	[tilespmem:$0x10700] =	vst v10  }
0x1af: {  	[spmem:s2] =	stream.indirect.scatter.add.bf16 [tilespmem:s8], [sflag:$0xB], $0x10, s26, s14, $0xb8;
	[tilespmem:$0x133C0] =	vst v63  }
0x1b0: {  	_ =	swait.ge [sflag:s28], $0x70  }
0x1b1: {  	[sflag:s28] =	ssyncset.done $0x0  }
0x1b2: {  	[sflag:s28] =	ssyncadd.s32 $0xFFFFFF90  }
0x1b3: {  	_ =	swait.ge [sflag:s29], $0x700  }
0x1b4: {  	[sflag:s29] =	ssyncset.done $0x0  }
0x1b5: {  	[sflag:s29] =	ssyncadd.s32 $0xFFFFF900  }
0x1b6: {  	v10 =	vld [tilespmem:$0x10550]  }
0x1b7: {  	v11 =	vld [tilespmem:$0x10560]  }
0x1b8: {  	v57 =	vld [tilespmem:$0x10570]  }
0x1b9: {  	v58 =	vld [tilespmem:$0x10580]  }
0x1ba: {  	v59 =	vld [tilespmem:$0x10590]  }
0x1bb: {  	v60 =	vld [tilespmem:$0x105A0];
	v10 =	vsub.s32 v10, v1  }
0x1bc: {  	v61 =	vld [tilespmem:$0x105B0];
	v11 =	vsub.s32 v11, v1;
	vm9 =	vgt.u32 v10, $0xFFFF  }
0x1bd: {  	v12 =	vsub.s32 v57, v1;
	vm10 =	vgt.u32 v11, $0xFFFF;
	v10 =	vsel vm9, v2, v10  }
0x1be: {  	vm11 =	vgt.u32 v12, $0xFFFF;
	[tilespmem:$0x10710] =	vst v10;
	v10 =	vsel vm10, v3, v11;
	v11 =	vsub.s32 v58, v1  }
0x1bf: {  	v62 =	vsub.s32 v59, v1;
	[tilespmem:$0x10720] =	vst v10;
	v10 =	vsel vm11, v4, v12;
	vm12 =	vgt.u32 v11, $0xFFFF  }
0x1c0: {  	vm13 =	vgt.u32 v62, $0xFFFF;
	[tilespmem:$0x10730] =	vst v10;
	v10 =	vsel vm12, v5, v11;
	v11 =	vsub.s32 v60, v1  }
0x1c1: {  	v63 =	vsub.s32 v61, v1;
	[tilespmem:$0x10740] =	vst v10;
	v10 =	vsel vm13, v6, v62;
	vm14 =	vgt.u32 v11, $0xFFFF  }
0x1c2: {  	vm15 =	vgt.u32 v63, $0xFFFF;
	[tilespmem:$0x10750] =	vst v10;
	v10 =	vsel vm14, v7, v11  }
0x1c3: {  	p0 =	seq.s32 s4, $0x2D80;
	[tilespmem:$0x10760] =	vst v10;
	v10 =	vsel vm15, v8, v63  }
.Ltmp5:
0x1c4: {  	[tilespmem:$0x10770] =	vst v10;
	(pc) =	sbr.rel @p0 .LBB2_9-.Ltmp5, $4  }
0x1c5: {  	[spmem:s2] =	stream.indirect.scatter.add.bf16 [tilespmem:s10], [sflag:$0xC], $0x10, s23, s14, $0xb8;
	[tilespmem:$0x133C0] =	vst v63  }
0x1c6: {  	_ =	swait.ge [sflag:s30], $0x700  }
0x1c7: {  	[sflag:s30] =	ssyncset.done $0x0  }
0x1c8: {  	[sflag:s30] =	ssyncadd.s32 $0xFFFFF900  }
0x1c9: {  	s5 =	simm.s32 $0x10400  }
0x1ca: {  	[tilespmem:s5], [sflag:$0x1] =	stream.linear.gather [hbm4b:s18+s3], $0x70, $0x38;
	[tilespmem:$0x133C0] =	vst v63  }
0x1cb: {  	s5 =	sadd.s32 s4, s11  }
0x1cc: {  	s21 =	sadd.s32 $0x380, s5  }
0x1cd: {  	[tilespmem:s22], [sflag:$0x5] =	stream.linear.gather [hbm4b:s21+s3], $0x700, $0x38;
	[tilespmem:$0x133C0] =	vst v63  }
0x1ce: {  	_ =	swait.ge [sflag:s31], $0x700  }
0x1cf: {  	[sflag:s31] =	ssyncset.done $0x0  }
0x1d0: {  	s7 =	simm.s32 $0x10470;
	s21 =	sadd.s32 $0xE, s18;
	[sflag:s31] =	ssyncadd.s32 $0xFFFFF900  }
0x1d1: {  	[tilespmem:s7], [sflag:$0x2] =	stream.linear.gather [hbm4b:s21+s3], $0x70, $0x38;
	[tilespmem:$0x133C0] =	vst v63  }
0x1d2: {  	s7 =	sadd.s32 $0x460, s5  }
0x1d3: {  	[tilespmem:s6], [sflag:$0x6] =	stream.linear.gather [hbm4b:s7+s3], $0x700, $0x38;
	[tilespmem:$0x133C0] =	vst v63  }
0x1d4: {  	_ =	swait.ge [sflag:s0], $0x700  }
0x1d5: {  	[sflag:s0] =	ssyncset.done $0x0  }
0x1d6: {  	s21 =	sadd.s32 $0x1C, s18;
	s7 =	simm.s32 $0x104E0;
	[sflag:s0] =	ssyncadd.s32 $0xFFFFF900  }
0x1d7: {  	[tilespmem:s7], [sflag:$0x3] =	stream.linear.gather [hbm4b:s21+s3], $0x70, $0x38;
	[tilespmem:$0x133C0] =	vst v63  }
0x1d8: {  	s7 =	sadd.s32 $0x540, s5  }
0x1d9: {  	[tilespmem:s8], [sflag:$0x7] =	stream.linear.gather [hbm4b:s7+s3], $0x700, $0x38;
	[tilespmem:$0x133C0] =	vst v63  }
0x1da: {  	_ =	swait.ge [sflag:s1], $0x700  }
.Ltmp6:
0x1db: {  	[sflag:s1] =	ssyncset.done $0x0;
	(pc) =	sbr.rel .LBB2_7-.Ltmp6, $4  }
0x1dc: {  	s7 =	sadd.s32 $0x2A, s18;
	[sflag:s1] =	ssyncadd.s32 $0xFFFFF900  }
0x1dd: {  	[tilespmem:s9], [sflag:$0x4] =	stream.linear.gather [hbm4b:s7+s3], $0x70, $0x38;
	[tilespmem:$0x133C0] =	vst v63  }
0x1de: {  	s4 =	sadd.s32 $0x380, s4;
	s5 =	sadd.s32 $0x620, s5;
	s18 =	sadd.s32 $0x38, s18  }
0x1df: {  	[tilespmem:s10], [sflag:$0x8] =	stream.linear.gather [hbm4b:s5+s3], $0x700, $0x38;
	[tilespmem:$0x133C0] =	vst v63  }
.LBB2_10:
0x1e0: {  	_ =	sfence.sel $0x180000  }
0x1e1: {  	[bflag:$0x0] =	sbarrier.arrive $0xFFFF  }
0x1e2: {  	_ =	strace $0x90000047  }
0x1e3: {  	s0 =	stileid.u32;
	[bflag:$0x2] =	sbarrier.arrive $0xFFFF  }
0x1e4: {  	p0 =	sne.s32 s0, $0x0;
	s0 =	rddreg [dreg:$0x3]  }
0x1e5: {  	s0 =	sadd.s32 @!p0 $0x100000, s0  }
0x1e6: {  	[sflag:s0] =	ssyncadd.tile.s32 @!p0 $0x1;
	_ =	shalt  }
.Lfunc_end2:
_tile_overlayer_lowered:
.L_overlay_start_2:
0x1e7: {  	(tag) =	ssettag $0x2  }
0x1e8: {  	s0 =	rddreg [dreg:$0x0];
	s2 =	stileid.u32  }
0x1e9: {  	s1 =	rddreg [dreg:$0x1];
	p0 =	sne.s32 s2, $0x0  }
0x1ea: {  	s3 =	rddreg [dreg:$0x2];
	[bflag:$0x3] =	sbarrier.arrive $0xFFFF;
	s2 =	simm.s32 @!p0 $0x1C0D  }
0x1eb: {  	[timem:s3], [sflag:s2] =	dma.local @!p0 [hbm:s0], s1  }
0x1ec: {  	s0 =	simm.s32 @!p0 $0xD  }
0x1ed: {  	_ =	swait.ge @!p0 [sflag:s0], s1  }
0x1ee: {  	s1 =	ssub.s32 @!p0 $0x0, s1;
	[sflag:s0] =	ssyncset.done @!p0 $0x0  }
0x1ef: {  	[sflag:s0] =	ssyncadd.s32 @!p0 s1  }
0x1f0: {  	[bflag:$0x3] =	sbarrier.arrive $0xFFFF  }
0x1f1: {  	_ =	shalt  }

</sc_bundles>
